<compile_context>
chip_gen: v7x
topology: tpu7x:2x2x1
jax: 0.10.2.dev20260603
libtpu: 0.0.44.dev20260713+nightly
codegen_flags: <defaults>
</compile_context>

<pallas_src>
import functools

import jax
import jax.numpy as jnp
from jax import lax
from jax.experimental import pallas as pl
from jax.experimental.pallas import tpu as pltpu
from jax.experimental.pallas import tpu_sc as plsc

_N = 1000000
_B = 16384
_D = 32
_NW = 32
_CPW = 4
_CH = 128
_NROW = _NW * _CPW
_BLK = 2048
_R = 256
_W = 32768
_Q = _W // 4
_NGR = (_N + _W - 1) // _W
_RROWS = _NGR * _Q


def _relayout_body(x_ref, o_ref):
    ey = (lax.broadcasted_iota(jnp.int32, (_D, _D), 0)
          == lax.broadcasted_iota(jnp.int32, (_D, _D), 1)).astype(jnp.float32)
    t = lax.dot_general(x_ref[...], ey, (((0,), (0,)), ((), ())),
                        preferred_element_type=jnp.float32)
    o_ref[...] = jnp.concatenate(
        [t[0:_Q], t[_Q:2 * _Q], t[2 * _Q:3 * _Q], t[3 * _Q:4 * _Q]], axis=1)


def _relayout(EhT):
    return pl.pallas_call(
        _relayout_body,
        grid=(_NGR,),
        in_specs=[pl.BlockSpec((_D, _W), lambda i: (0, i))],
        out_specs=pl.BlockSpec((_Q, 128), lambda i: (i, 0)),
        out_shape=jax.ShapeDtypeStruct((_RROWS, 128), jnp.float32),
    )(EhT)


def _sc_gather(Rr, bs, bo, ui2, vi2):
    mesh = plsc.VectorSubcoreMesh(core_axis_name="c", subcore_axis_name="s")

    @functools.partial(
        pl.kernel,
        out_type=(
            jax.ShapeDtypeStruct((_NROW, _CH, _D), jnp.float32),
            jax.ShapeDtypeStruct((_NROW, _CH, _D), jnp.float32),
            jax.ShapeDtypeStruct((_NROW, _CH), jnp.float32),
            jax.ShapeDtypeStruct((_NROW, _CH), jnp.float32),
        ),
        mesh=mesh,
        compiler_params=pltpu.CompilerParams(
            use_tc_tiling_on_sc=False, needs_layout_passes=False),
        scratch_types=[
            pltpu.VMEM((_CPW, _CH), jnp.int32),
            pltpu.VMEM((_CPW, _CH), jnp.int32),
            pltpu.VMEM((_CPW, _CH), jnp.int32),
            pltpu.VMEM((_CPW, _CH), jnp.int32),
            pltpu.VMEM((_CPW, _CH, _D), jnp.float32),
            pltpu.VMEM((_CPW, _CH, _D), jnp.float32),
            pltpu.VMEM((_CPW, _CH), jnp.float32),
            pltpu.VMEM((_CPW, _CH), jnp.float32),
            pltpu.SemaphoreType.DMA,
        ],
    )
    def k(r_h, bs_h, bo_h, ui_h, vi_h,
          u_o, v_o, bsu_o, bov_o,
          ui_v, vi_v, ur_v, vr_v, u_v, v_v, bsu_v, bov_v, sem):
        wid = lax.axis_index("s") * 2 + lax.axis_index("c")
        row0 = wid * _CPW
        pltpu.sync_copy(ui_h.at[pl.ds(row0, _CPW)], ui_v)
        pltpu.sync_copy(vi_h.at[pl.ds(row0, _CPW)], vi_v)

        def rowid(e):
            return (lax.div(e, jnp.int32(_W)) * _W
                    + lax.rem(e, jnp.int32(_Q)) * 4
                    + lax.rem(lax.div(e, jnp.int32(_Q)), jnp.int32(4)))

        for j in range(_CPW):
            for t in range(_CH // 16):
                s = pl.ds(t * 16, 16)
                ur_v[j, s] = rowid(ui_v[j, s])
                vr_v[j, s] = rowid(vi_v[j, s])

        copies = []
        for j in range(_CPW):
            copies.append(pltpu.async_copy(r_h.at[ur_v.at[j]], u_v.at[j], sem))
            copies.append(pltpu.async_copy(r_h.at[vr_v.at[j]], v_v.at[j], sem))
            copies.append(pltpu.async_copy(bs_h.at[ui_v.at[j]], bsu_v.at[j], sem))
            copies.append(pltpu.async_copy(bo_h.at[vi_v.at[j]], bov_v.at[j], sem))
        for c in copies:
            c.wait()
        pltpu.sync_copy(u_v, u_o.at[pl.ds(row0, _CPW)])
        pltpu.sync_copy(v_v, v_o.at[pl.ds(row0, _CPW)])
        pltpu.sync_copy(bsu_v, bsu_o.at[pl.ds(row0, _CPW)])
        pltpu.sync_copy(bov_v, bov_o.at[pl.ds(row0, _CPW)])

    return k(Rr, bs, bo, ui2, vi2)


def _rnorm(x):
    return jnp.sqrt(jnp.sum(x * x, axis=-1, keepdims=True))


def _artanh(x):
    return 0.5 * jnp.log((1 + x) / (1 - x))


def _proj(x):
    n = _rnorm(x)
    return jnp.where(n >= 1, x / (n - 1e-5), x)


def _p_exp_map(v):
    n = jnp.clip(_rnorm(v), 1e-10, None)
    return jnp.tanh(n) * v / n


def _p_log_map(v):
    n = jnp.clip(_rnorm(v), 1e-10, 1 - 1e-5)
    return _artanh(n) * v / n


def _p_sum(x, y):
    sqx = jnp.clip(jnp.sum(x * x, axis=-1, keepdims=True), 0.0, 1 - 1e-5)
    sqy = jnp.clip(jnp.sum(y * y, axis=-1, keepdims=True), 0.0, 1 - 1e-5)
    dot = jnp.sum(x * y, axis=-1, keepdims=True)
    num = (1 + 2 * dot + sqy) * x + (1 - sqx) * y
    den = 1 + 2 * dot + sqx * sqy
    return num / den


_MB = 16


def _math_body(u_ref, v_ref, r_ref, wu_ref, rv_ref, o_ref):
    rid = r_ref[...]
    oh = (lax.broadcasted_iota(jnp.int32, (_MB, _CH, _R), 2) == rid
          ).astype(jnp.float32)
    ru = lax.dot_general(oh, wu_ref[...], (((2,), (0,)), ((), ())),
                         preferred_element_type=jnp.float32)
    rv = lax.dot_general(oh, rv_ref[...], (((2,), (0,)), ((), ())),
                         preferred_element_type=jnp.float32)
    u = _proj(u_ref[...])
    v = _proj(v_ref[...])
    rvh_e = _proj(rv)
    u_e = _p_log_map(u)
    u_w = u_e * ru
    u_m = _proj(_p_exp_map(u_w))
    v_m = _proj(_p_sum(v, rvh_e))
    d = _rnorm(_p_sum(-u_m, v_m))
    sq = (2.0 * _artanh(jnp.clip(d, 1e-10, 1 - 1e-5))) ** 2
    o_ref[...] = -sq


def _tc_math(u3, v3, rid3, wuP, rvP):
    nb = _NROW // _MB
    dat_spec = pl.BlockSpec((_MB, _CH, _D), lambda i: (i, 0, 0))
    col_spec = pl.BlockSpec((_MB, _CH, 1), lambda i: (i, 0, 0))
    tab_spec = pl.BlockSpec((_R, _D), lambda i: (0, 0))
    return pl.pallas_call(
        _math_body,
        grid=(nb,),
        in_specs=[dat_spec, dat_spec, col_spec, tab_spec, tab_spec],
        out_specs=col_spec,
        out_shape=jax.ShapeDtypeStruct((_NROW, _CH, 1), jnp.float32),
    )(u3, v3, rid3, wuP, rvP)


def kernel(Eh, rvh, Wu, bs, bo, u_idx, r_idx, v_idx):
    EhT = Eh.T
    R4 = _relayout(EhT)
    Rr = R4.reshape(4 * _RROWS, _D)
    ui2 = u_idx.astype(jnp.int32).reshape(_NROW, _CH)
    vi2 = v_idx.astype(jnp.int32).reshape(_NROW, _CH)
    u, v, bsu, bov = _sc_gather(Rr, bs, bo, ui2, vi2)
    wuP = jnp.zeros((_R, _D), jnp.float32).at[:200].set(Wu)
    rvP = jnp.zeros((_R, _D), jnp.float32).at[:200].set(rvh)
    rid3 = r_idx.astype(jnp.int32).reshape(_NROW, _CH, 1)
    sq3 = _tc_math(u, v, rid3, wuP, rvP)
    return sq3.reshape(_B) + bsu.reshape(_B) + bov.reshape(_B)

# --- scband reference (transcript-rebuilt; emitter-appended) ---
"""Pipeline reference for scband-mu-rp-3135326126372 (READ-ONLY COPY).

The authoritative reference and input builder live on the scoring server;
editing this copy changes nothing except your own understanding.
"""

import jax, jax.numpy as jnp
import numpy as np

N_ENT = 1000000
N_REL = 200
DIM = 32
BATCH = 16384


def artanh(x):
    return 0.5 * jnp.log((1 + x) / (1 - x))


def p_exp_map(v):
    normv = jnp.clip(jnp.linalg.norm(v, ord=2, axis=-1, keepdims=True), 1e-10, None)
    return jnp.tanh(normv) * v / normv


def p_log_map(v):
    normv = jnp.clip(jnp.linalg.norm(v, ord=2, axis=-1, keepdims=True), 1e-10, 1 - 1e-5)
    return artanh(normv) * v / normv


def p_sum(x, y):
    sqxnorm = jnp.clip(jnp.sum(x * x, axis=-1, keepdims=True), 0.0, 1 - 1e-5)
    sqynorm = jnp.clip(jnp.sum(y * y, axis=-1, keepdims=True), 0.0, 1 - 1e-5)
    dotxy = jnp.sum(x * y, axis=-1, keepdims=True)
    num = (1 + 2 * dotxy + sqynorm) * x + (1 - sqxnorm) * y
    den = 1 + 2 * dotxy + sqxnorm * sqynorm
    return num / den


def _proj(x):
    n = jnp.linalg.norm(x, ord=2, axis=-1, keepdims=True)
    return jnp.where(n >= 1, x / (n - 1e-5), x)


def setup_inputs(seed: int = 0):
    key = jax.random.key(seed)
    ks = [jax.random.fold_in(key, i) for i in range(6)]
    return {
        "Eh": 0.001 * jax.random.normal(ks[0], (N_ENT, DIM), dtype=jnp.float32),
        "rvh": 0.001 * jax.random.normal(ks[1], (N_REL, DIM), dtype=jnp.float32),
        "Wu": jax.random.uniform(ks[2], (N_REL, DIM), dtype=jnp.float32, minval=-1.0, maxval=1.0),
        "bs": jnp.zeros((N_ENT,), dtype=jnp.float32),
        "bo": jnp.zeros((N_ENT,), dtype=jnp.float32),
        "u_idx": jax.random.randint(ks[3], (BATCH,), 0, N_ENT),
        "r_idx": jax.random.randint(ks[4], (BATCH,), 0, N_REL),
        "v_idx": jax.random.randint(ks[5], (BATCH,), 0, N_ENT),
    }


def reference(Eh, rvh, Wu, bs, bo, u_idx, r_idx, v_idx):
    u = jnp.take(Eh, u_idx, axis=0)
    v = jnp.take(Eh, v_idx, axis=0)
    Ru = jnp.take(Wu, r_idx, axis=0)
    rvh_e = jnp.take(rvh, r_idx, axis=0)
    u = _proj(u)
    v = _proj(v)
    rvh_e = _proj(rvh_e)
    u_e = p_log_map(u)
    u_W = u_e * Ru
    u_m = p_exp_map(u_W)
    v_m = p_sum(v, rvh_e)
    u_m = _proj(u_m)
    v_m = _proj(v_m)
    sqdist = (2.0 * artanh(jnp.clip(jnp.linalg.norm(p_sum(-u_m, v_m), ord=2, axis=-1), 1e-10, 1 - 1e-5))) ** 2
    return -sqdist + jnp.take(bs, u_idx) + jnp.take(bo, v_idx)

if __name__ == "__main__":
    import jax
    _d = setup_inputs()
    print(jax.jit(kernel)(*tuple(_d.values())))

</pallas_src>

<mosaic_0001>
#map = affine_map<(d0, d1) -> (0, 0)>
#map1 = affine_map<(d0, d1) -> (0)>
#map2 = affine_map<(d0, d1) -> (0, 0, 0)>
module attributes {stable_mosaic.version = 14 : i64} {
  func.func @k(%arg0: i32, %arg1: i32, %arg2: memref<1015808x32xf32, #tpu.memory_space<hbm>>, %arg3: memref<1000000xf32, #tpu.memory_space<hbm>>, %arg4: memref<1000000xf32, #tpu.memory_space<hbm>>, %arg5: memref<128x128xi32, #tpu.memory_space<hbm>>, %arg6: memref<128x128xi32, #tpu.memory_space<hbm>>, %arg7: memref<128x128x32xf32, #tpu.memory_space<hbm>>, %arg8: memref<128x128x32xf32, #tpu.memory_space<hbm>>, %arg9: memref<128x128xf32, #tpu.memory_space<hbm>>, %arg10: memref<128x128xf32, #tpu.memory_space<hbm>>, %arg11: memref<4x128xi32, #tpu.memory_space<vmem>>, %arg12: memref<4x128xi32, #tpu.memory_space<vmem>>, %arg13: memref<4x128xi32, #tpu.memory_space<vmem>>, %arg14: memref<4x128xi32, #tpu.memory_space<vmem>>, %arg15: memref<4x128x32xf32, #tpu.memory_space<vmem>>, %arg16: memref<4x128x32xf32, #tpu.memory_space<vmem>>, %arg17: memref<4x128xf32, #tpu.memory_space<vmem>>, %arg18: memref<4x128xf32, #tpu.memory_space<vmem>>, %arg19: memref<!tpu.dma_semaphore, #tpu.memory_space<semaphore_mem>>) attributes {dimension_semantics = [#tpu.dimension_semantics<core_parallel>, #tpu.dimension_semantics<subcore_parallel>], iteration_bounds = array<i64: 2, 16>, scalar_prefetch = 0 : i64, scratch_operands = 9 : i64, tpu.core_type = #tpu.core_type<sc_vector_subcore>, window_params = [{transform_indices = #map}, {transform_indices = #map1}, {transform_indices = #map1}, {transform_indices = #map}, {transform_indices = #map}, {transform_indices = #map2}, {transform_indices = #map2}, {transform_indices = #map}, {transform_indices = #map}]} {
    %mul3A = arith.constant 2 : i32
    %mul3A_0 = arith.muli %arg1, %mul3A : i32
    %add3A = arith.addi %mul3A_0, %arg0 : i32
    %mul3A_1 = arith.constant 4 : i32
    %mul3A_2 = arith.muli %add3A, %mul3A_1 : i32
    "tpu.region"() ({
      %run_scoped3A = tpu.sem_alloc : memref<!tpu.dma_semaphore, #tpu.memory_space<semaphore_mem>>
      %dma_start3A_2141 = arith.constant 0 : i32
      %dma_start3A_2142 = tpu.memref_slice %arg5[%mul3A_2, %dma_start3A_2141] : memref<128x128xi32, #tpu.memory_space<hbm>> -> memref<4x128xi32, #tpu.memory_space<hbm>>
      %dma_start3A_2143 = arith.constant 0 : i32
      %dma_start3A_2144 = tpu.memref_slice %arg5[%mul3A_2, %dma_start3A_2143] : memref<128x128xi32, #tpu.memory_space<hbm>> -> memref<4x128xi32, #tpu.memory_space<hbm>>
      tpu.enqueue_dma source(%dma_start3A_2144 : memref<4x128xi32, #tpu.memory_space<hbm>>) target(%arg11 : memref<4x128xi32, #tpu.memory_space<vmem>>) target_semaphore(%run_scoped3A : memref<!tpu.dma_semaphore, #tpu.memory_space<semaphore_mem>>)
      %dma_wait3A_2145 = arith.constant 0 : i32
      %dma_wait3A_2146 = tpu.memref_slice %arg5[%mul3A_2, %dma_wait3A_2145] : memref<128x128xi32, #tpu.memory_space<hbm>> -> memref<4x128xi32, #tpu.memory_space<hbm>>
      %dma_wait3A_2147 = arith.constant 0 : i32
      %dma_wait3A_2148 = tpu.memref_slice %arg5[%mul3A_2, %dma_wait3A_2147] : memref<128x128xi32, #tpu.memory_space<hbm>> -> memref<4x128xi32, #tpu.memory_space<hbm>>
      tpu.wait_dma2 semaphore(%run_scoped3A : memref<!tpu.dma_semaphore, #tpu.memory_space<semaphore_mem>>) src(%dma_wait3A_2148 : memref<4x128xi32, #tpu.memory_space<hbm>>) dst(%arg11 : memref<4x128xi32, #tpu.memory_space<vmem>>)
      tpu.yield
    }) : () -> ()
    "tpu.region"() ({
      %run_scoped3A = tpu.sem_alloc : memref<!tpu.dma_semaphore, #tpu.memory_space<semaphore_mem>>
      %dma_start3A_2141 = arith.constant 0 : i32
      %dma_start3A_2142 = tpu.memref_slice %arg6[%mul3A_2, %dma_start3A_2141] : memref<128x128xi32, #tpu.memory_space<hbm>> -> memref<4x128xi32, #tpu.memory_space<hbm>>
      %dma_start3A_2143 = arith.constant 0 : i32
      %dma_start3A_2144 = tpu.memref_slice %arg6[%mul3A_2, %dma_start3A_2143] : memref<128x128xi32, #tpu.memory_space<hbm>> -> memref<4x128xi32, #tpu.memory_space<hbm>>
      tpu.enqueue_dma source(%dma_start3A_2144 : memref<4x128xi32, #tpu.memory_space<hbm>>) target(%arg12 : memref<4x128xi32, #tpu.memory_space<vmem>>) target_semaphore(%run_scoped3A : memref<!tpu.dma_semaphore, #tpu.memory_space<semaphore_mem>>)
      %dma_wait3A_2145 = arith.constant 0 : i32
      %dma_wait3A_2146 = tpu.memref_slice %arg6[%mul3A_2, %dma_wait3A_2145] : memref<128x128xi32, #tpu.memory_space<hbm>> -> memref<4x128xi32, #tpu.memory_space<hbm>>
      %dma_wait3A_2147 = arith.constant 0 : i32
      %dma_wait3A_2148 = tpu.memref_slice %arg6[%mul3A_2, %dma_wait3A_2147] : memref<128x128xi32, #tpu.memory_space<hbm>> -> memref<4x128xi32, #tpu.memory_space<hbm>>
      tpu.wait_dma2 semaphore(%run_scoped3A : memref<!tpu.dma_semaphore, #tpu.memory_space<semaphore_mem>>) src(%dma_wait3A_2148 : memref<4x128xi32, #tpu.memory_space<hbm>>) dst(%arg12 : memref<4x128xi32, #tpu.memory_space<vmem>>)
      tpu.yield
    }) : () -> ()
    %get3A = arith.constant 0 : i32
    %get3A_3 = arith.index_cast %get3A : i32 to index
    %get3A_4 = arith.constant 0 : index
    %get3A_5 = tpu.vector_load %arg11[%get3A_3, %get3A_4] {strides = array<i32>} : memref<4x128xi32, #tpu.memory_space<vmem>>, vector<16xi32>,
    %div3A = arith.constant 32768 : i32
    %div3A_6 = vector.broadcast %div3A : i32 to vector<16xi32>
    %div3A_7 = arith.divsi %get3A_5, %div3A_6 : vector<16xi32>
    %mul3A_8 = arith.constant 32768 : i32
    %mul3A_9 = vector.broadcast %mul3A_8 : i32 to vector<16xi32>
    %mul3A_10 = arith.muli %div3A_7, %mul3A_9 : vector<16xi32>
    %rem3A = arith.constant 8192 : i32
    %rem3A_11 = vector.broadcast %rem3A : i32 to vector<16xi32>
    %rem3A_12 = arith.remsi %get3A_5, %rem3A_11 : vector<16xi32>
    %mul3A_13 = arith.constant 4 : i32
    %mul3A_14 = vector.broadcast %mul3A_13 : i32 to vector<16xi32>
    %mul3A_15 = arith.muli %rem3A_12, %mul3A_14 : vector<16xi32>
    %add3A_16 = arith.addi %mul3A_10, %mul3A_15 : vector<16xi32>
    %div3A_17 = arith.constant 8192 : i32
    %div3A_18 = vector.broadcast %div3A_17 : i32 to vector<16xi32>
    %div3A_19 = arith.divsi %get3A_5, %div3A_18 : vector<16xi32>
    %rem3A_20 = arith.constant 4 : i32
    %rem3A_21 = vector.broadcast %rem3A_20 : i32 to vector<16xi32>
    %rem3A_22 = arith.remsi %div3A_19, %rem3A_21 : vector<16xi32>
    %add3A_23 = arith.addi %add3A_16, %rem3A_22 : vector<16xi32>
    %swap3A = arith.constant 0 : i32
    %swap3A_24 = arith.index_cast %swap3A : i32 to index
    %swap3A_25 = arith.constant 0 : index
    %swap3A_26 = tpu.vector_load %arg13[%swap3A_24, %swap3A_25] {strides = array<i32>} : memref<4x128xi32, #tpu.memory_space<vmem>>, vector<16xi32>,
    tpu.vector_store %arg13[%swap3A_24, %swap3A_25], %add3A_23 {strides = array<i32>} : memref<4x128xi32, #tpu.memory_space<vmem>>, vector<16xi32>,
    %get3A_27 = arith.constant 0 : i32
    %get3A_28 = arith.index_cast %get3A_27 : i32 to index
    %get3A_29 = arith.constant 0 : index
    %get3A_30 = tpu.vector_load %arg12[%get3A_28, %get3A_29] {strides = array<i32>} : memref<4x128xi32, #tpu.memory_space<vmem>>, vector<16xi32>,
    %div3A_31 = arith.constant 32768 : i32
    %div3A_32 = vector.broadcast %div3A_31 : i32 to vector<16xi32>
    %div3A_33 = arith.divsi %get3A_30, %div3A_32 : vector<16xi32>
    %mul3A_34 = arith.constant 32768 : i32
    %mul3A_35 = vector.broadcast %mul3A_34 : i32 to vector<16xi32>
    %mul3A_36 = arith.muli %div3A_33, %mul3A_35 : vector<16xi32>
    %rem3A_37 = arith.constant 8192 : i32
    %rem3A_38 = vector.broadcast %rem3A_37 : i32 to vector<16xi32>
    %rem3A_39 = arith.remsi %get3A_30, %rem3A_38 : vector<16xi32>
    %mul3A_40 = arith.constant 4 : i32
    %mul3A_41 = vector.broadcast %mul3A_40 : i32 to vector<16xi32>
    %mul3A_42 = arith.muli %rem3A_39, %mul3A_41 : vector<16xi32>
    %add3A_43 = arith.addi %mul3A_36, %mul3A_42 : vector<16xi32>
    %div3A_44 = arith.constant 8192 : i32
    %div3A_45 = vector.broadcast %div3A_44 : i32 to vector<16xi32>
    %div3A_46 = arith.divsi %get3A_30, %div3A_45 : vector<16xi32>
    %rem3A_47 = arith.constant 4 : i32
    %rem3A_48 = vector.broadcast %rem3A_47 : i32 to vector<16xi32>
    %rem3A_49 = arith.remsi %div3A_46, %rem3A_48 : vector<16xi32>
    %add3A_50 = arith.addi %add3A_43, %rem3A_49 : vector<16xi32>
    %swap3A_51 = arith.constant 0 : i32
    %swap3A_52 = arith.index_cast %swap3A_51 : i32 to index
    %swap3A_53 = arith.constant 0 : index
    %swap3A_54 = tpu.vector_load %arg14[%swap3A_52, %swap3A_53] {strides = array<i32>} : memref<4x128xi32, #tpu.memory_space<vmem>>, vector<16xi32>,
    tpu.vector_store %arg14[%swap3A_52, %swap3A_53], %add3A_50 {strides = array<i32>} : memref<4x128xi32, #tpu.memory_space<vmem>>, vector<16xi32>,
    %get3A_55 = arith.constant 0 : i32
    %get3A_56 = arith.index_cast %get3A_55 : i32 to index
    %get3A_57 = arith.constant 16 : index
    %get3A_58 = tpu.vector_load %arg11[%get3A_56, %get3A_57] {strides = array<i32>} : memref<4x128xi32, #tpu.memory_space<vmem>>, vector<16xi32>,
    %div3A_59 = arith.constant 32768 : i32
    %div3A_60 = vector.broadcast %div3A_59 : i32 to vector<16xi32>
    %div3A_61 = arith.divsi %get3A_58, %div3A_60 : vector<16xi32>
    %mul3A_62 = arith.constant 32768 : i32
    %mul3A_63 = vector.broadcast %mul3A_62 : i32 to vector<16xi32>
    %mul3A_64 = arith.muli %div3A_61, %mul3A_63 : vector<16xi32>
    %rem3A_65 = arith.constant 8192 : i32
    %rem3A_66 = vector.broadcast %rem3A_65 : i32 to vector<16xi32>
    %rem3A_67 = arith.remsi %get3A_58, %rem3A_66 : vector<16xi32>
    %mul3A_68 = arith.constant 4 : i32
    %mul3A_69 = vector.broadcast %mul3A_68 : i32 to vector<16xi32>
    %mul3A_70 = arith.muli %rem3A_67, %mul3A_69 : vector<16xi32>
    %add3A_71 = arith.addi %mul3A_64, %mul3A_70 : vector<16xi32>
    %div3A_72 = arith.constant 8192 : i32
    %div3A_73 = vector.broadcast %div3A_72 : i32 to vector<16xi32>
    %div3A_74 = arith.divsi %get3A_58, %div3A_73 : vector<16xi32>
    %rem3A_75 = arith.constant 4 : i32
    %rem3A_76 = vector.broadcast %rem3A_75 : i32 to vector<16xi32>
    %rem3A_77 = arith.remsi %div3A_74, %rem3A_76 : vector<16xi32>
    %add3A_78 = arith.addi %add3A_71, %rem3A_77 : vector<16xi32>
    %swap3A_79 = arith.constant 0 : i32
    %swap3A_80 = arith.index_cast %swap3A_79 : i32 to index
    %swap3A_81 = arith.constant 16 : index
    %swap3A_82 = tpu.vector_load %arg13[%swap3A_80, %swap3A_81] {strides = array<i32>} : memref<4x128xi32, #tpu.memory_space<vmem>>, vector<16xi32>,
    tpu.vector_store %arg13[%swap3A_80, %swap3A_81], %add3A_78 {strides = array<i32>} : memref<4x128xi32, #tpu.memory_space<vmem>>, vector<16xi32>,
    %get3A_83 = arith.constant 0 : i32
    %get3A_84 = arith.index_cast %get3A_83 : i32 to index
    %get3A_85 = arith.constant 16 : index
    %get3A_86 = tpu.vector_load %arg12[%get3A_84, %get3A_85] {strides = array<i32>} : memref<4x128xi32, #tpu.memory_space<vmem>>, vector<16xi32>,
    %div3A_87 = arith.constant 32768 : i32
    %div3A_88 = vector.broadcast %div3A_87 : i32 to vector<16xi32>
    %div3A_89 = arith.divsi %get3A_86, %div3A_88 : vector<16xi32>
    %mul3A_90 = arith.constant 32768 : i32
    %mul3A_91 = vector.broadcast %mul3A_90 : i32 to vector<16xi32>
    %mul3A_92 = arith.muli %div3A_89, %mul3A_91 : vector<16xi32>
    %rem3A_93 = arith.constant 8192 : i32
    %rem3A_94 = vector.broadcast %rem3A_93 : i32 to vector<16xi32>
    %rem3A_95 = arith.remsi %get3A_86, %rem3A_94 : vector<16xi32>
    %mul3A_96 = arith.constant 4 : i32
    %mul3A_97 = vector.broadcast %mul3A_96 : i32 to vector<16xi32>
    %mul3A_98 = arith.muli %rem3A_95, %mul3A_97 : vector<16xi32>
    %add3A_99 = arith.addi %mul3A_92, %mul3A_98 : vector<16xi32>
    %div3A_100 = arith.constant 8192 : i32
    %div3A_101 = vector.broadcast %div3A_100 : i32 to vector<16xi32>
    %div3A_102 = arith.divsi %get3A_86, %div3A_101 : vector<16xi32>
    %rem3A_103 = arith.constant 4 : i32
    %rem3A_104 = vector.broadcast %rem3A_103 : i32 to vector<16xi32>
    %rem3A_105 = arith.remsi %div3A_102, %rem3A_104 : vector<16xi32>
    %add3A_106 = arith.addi %add3A_99, %rem3A_105 : vector<16xi32>
    %swap3A_107 = arith.constant 0 : i32
    %swap3A_108 = arith.index_cast %swap3A_107 : i32 to index
    %swap3A_109 = arith.constant 16 : index
    %swap3A_110 = tpu.vector_load %arg14[%swap3A_108, %swap3A_109] {strides = array<i32>} : memref<4x128xi32, #tpu.memory_space<vmem>>, vector<16xi32>,
    tpu.vector_store %arg14[%swap3A_108, %swap3A_109], %add3A_106 {strides = array<i32>} : memref<4x128xi32, #tpu.memory_space<vmem>>, vector<16xi32>,
    %get3A_111 = arith.constant 0 : i32
    %get3A_112 = arith.index_cast %get3A_111 : i32 to index
    %get3A_113 = arith.constant 32 : index
    %get3A_114 = tpu.vector_load %arg11[%get3A_112, %get3A_113] {strides = array<i32>} : memref<4x128xi32, #tpu.memory_space<vmem>>, vector<16xi32>,
    %div3A_115 = arith.constant 32768 : i32
    %div3A_116 = vector.broadcast %div3A_115 : i32 to vector<16xi32>
    %div3A_117 = arith.divsi %get3A_114, %div3A_116 : vector<16xi32>
    %mul3A_118 = arith.constant 32768 : i32
    %mul3A_119 = vector.broadcast %mul3A_118 : i32 to vector<16xi32>
    %mul3A_120 = arith.muli %div3A_117, %mul3A_119 : vector<16xi32>
    %rem3A_121 = arith.constant 8192 : i32
    %rem3A_122 = vector.broadcast %rem3A_121 : i32 to vector<16xi32>
    %rem3A_123 = arith.remsi %get3A_114, %rem3A_122 : vector<16xi32>
    %mul3A_124 = arith.constant 4 : i32
    %mul3A_125 = vector.broadcast %mul3A_124 : i32 to vector<16xi32>
    %mul3A_126 = arith.muli %rem3A_123, %mul3A_125 : vector<16xi32>
    %add3A_127 = arith.addi %mul3A_120, %mul3A_126 : vector<16xi32>
    %div3A_128 = arith.constant 8192 : i32
    %div3A_129 = vector.broadcast %div3A_128 : i32 to vector<16xi32>
    %div3A_130 = arith.divsi %get3A_114, %div3A_129 : vector<16xi32>
    %rem3A_131 = arith.constant 4 : i32
    %rem3A_132 = vector.broadcast %rem3A_131 : i32 to vector<16xi32>
    %rem3A_133 = arith.remsi %div3A_130, %rem3A_132 : vector<16xi32>
    %add3A_134 = arith.addi %add3A_127, %rem3A_133 : vector<16xi32>
    %swap3A_135 = arith.constant 0 : i32
    %swap3A_136 = arith.index_cast %swap3A_135 : i32 to index
    %swap3A_137 = arith.constant 32 : index
    %swap3A_138 = tpu.vector_load %arg13[%swap3A_136, %swap3A_137] {strides = array<i32>} : memref<4x128xi32, #tpu.memory_space<vmem>>, vector<16xi32>,
    tpu.vector_store %arg13[%swap3A_136, %swap3A_137], %add3A_134 {strides = array<i32>} : memref<4x128xi32, #tpu.memory_space<vmem>>, vector<16xi32>,
    %get3A_139 = arith.constant 0 : i32
    %get3A_140 = arith.index_cast %get3A_139 : i32 to index
    %get3A_141 = arith.constant 32 : index
    %get3A_142 = tpu.vector_load %arg12[%get3A_140, %get3A_141] {strides = array<i32>} : memref<4x128xi32, #tpu.memory_space<vmem>>, vector<16xi32>,
    %div3A_143 = arith.constant 32768 : i32
    %div3A_144 = vector.broadcast %div3A_143 : i32 to vector<16xi32>
    %div3A_145 = arith.divsi %get3A_142, %div3A_144 : vector<16xi32>
    %mul3A_146 = arith.constant 32768 : i32
    %mul3A_147 = vector.broadcast %mul3A_146 : i32 to vector<16xi32>
    %mul3A_148 = arith.muli %div3A_145, %mul3A_147 : vector<16xi32>
    %rem3A_149 = arith.constant 8192 : i32
    %rem3A_150 = vector.broadcast %rem3A_149 : i32 to vector<16xi32>
    %rem3A_151 = arith.remsi %get3A_142, %rem3A_150 : vector<16xi32>
    %mul3A_152 = arith.constant 4 : i32
    %mul3A_153 = vector.broadcast %mul3A_152 : i32 to vector<16xi32>
    %mul3A_154 = arith.muli %rem3A_151, %mul3A_153 : vector<16xi32>
    %add3A_155 = arith.addi %mul3A_148, %mul3A_154 : vector<16xi32>
    %div3A_156 = arith.constant 8192 : i32
    %div3A_157 = vector.broadcast %div3A_156 : i32 to vector<16xi32>
    %div3A_158 = arith.divsi %get3A_142, %div3A_157 : vector<16xi32>
    %rem3A_159 = arith.constant 4 : i32
    %rem3A_160 = vector.broadcast %rem3A_159 : i32 to vector<16xi32>
    %rem3A_161 = arith.remsi %div3A_158, %rem3A_160 : vector<16xi32>
    %add3A_162 = arith.addi %add3A_155, %rem3A_161 : vector<16xi32>
    %swap3A_163 = arith.constant 0 : i32
    %swap3A_164 = arith.index_cast %swap3A_163 : i32 to index
    %swap3A_165 = arith.constant 32 : index
    %swap3A_166 = tpu.vector_load %arg14[%swap3A_164, %swap3A_165] {strides = array<i32>} : memref<4x128xi32, #tpu.memory_space<vmem>>, vector<16xi32>,
    tpu.vector_store %arg14[%swap3A_164, %swap3A_165], %add3A_162 {strides = array<i32>} : memref<4x128xi32, #tpu.memory_space<vmem>>, vector<16xi32>,
    %get3A_167 = arith.constant 0 : i32
    %get3A_168 = arith.index_cast %get3A_167 : i32 to index
    %get3A_169 = arith.constant 48 : index
    %get3A_170 = tpu.vector_load %arg11[%get3A_168, %get3A_169] {strides = array<i32>} : memref<4x128xi32, #tpu.memory_space<vmem>>, vector<16xi32>,
    %div3A_171 = arith.constant 32768 : i32
    %div3A_172 = vector.broadcast %div3A_171 : i32 to vector<16xi32>
    %div3A_173 = arith.divsi %get3A_170, %div3A_172 : vector<16xi32>
    %mul3A_174 = arith.constant 32768 : i32
    %mul3A_175 = vector.broadcast %mul3A_174 : i32 to vector<16xi32>
    %mul3A_176 = arith.muli %div3A_173, %mul3A_175 : vector<16xi32>
    %rem3A_177 = arith.constant 8192 : i32
    %rem3A_178 = vector.broadcast %rem3A_177 : i32 to vector<16xi32>
    %rem3A_179 = arith.remsi %get3A_170, %rem3A_178 : vector<16xi32>
    %mul3A_180 = arith.constant 4 : i32
    %mul3A_181 = vector.broadcast %mul3A_180 : i32 to vector<16xi32>
    %mul3A_182 = arith.muli %rem3A_179, %mul3A_181 : vector<16xi32>
    %add3A_183 = arith.addi %mul3A_176, %mul3A_182 : vector<16xi32>
    %div3A_184 = arith.constant 8192 : i32
    %div3A_185 = vector.broadcast %div3A_184 : i32 to vector<16xi32>
    %div3A_186 = arith.divsi %get3A_170, %div3A_185 : vector<16xi32>
    %rem3A_187 = arith.constant 4 : i32
    %rem3A_188 = vector.broadcast %rem3A_187 : i32 to vector<16xi32>
    %rem3A_189 = arith.remsi %div3A_186, %rem3A_188 : vector<16xi32>
    %add3A_190 = arith.addi %add3A_183, %rem3A_189 : vector<16xi32>
    %swap3A_191 = arith.constant 0 : i32
    %swap3A_192 = arith.index_cast %swap3A_191 : i32 to index
    %swap3A_193 = arith.constant 48 : index
    %swap3A_194 = tpu.vector_load %arg13[%swap3A_192, %swap3A_193] {strides = array<i32>} : memref<4x128xi32, #tpu.memory_space<vmem>>, vector<16xi32>,
    tpu.vector_store %arg13[%swap3A_192, %swap3A_193], %add3A_190 {strides = array<i32>} : memref<4x128xi32, #tpu.memory_space<vmem>>, vector<16xi32>,
    %get3A_195 = arith.constant 0 : i32
    %get3A_196 = arith.index_cast %get3A_195 : i32 to index
    %get3A_197 = arith.constant 48 : index
    %get3A_198 = tpu.vector_load %arg12[%get3A_196, %get3A_197] {strides = array<i32>} : memref<4x128xi32, #tpu.memory_space<vmem>>, vector<16xi32>,
    %div3A_199 = arith.constant 32768 : i32
    %div3A_200 = vector.broadcast %div3A_199 : i32 to vector<16xi32>
    %div3A_201 = arith.divsi %get3A_198, %div3A_200 : vector<16xi32>
    %mul3A_202 = arith.constant 32768 : i32
    %mul3A_203 = vector.broadcast %mul3A_202 : i32 to vector<16xi32>
    %mul3A_204 = arith.muli %div3A_201, %mul3A_203 : vector<16xi32>
    %rem3A_205 = arith.constant 8192 : i32
    %rem3A_206 = vector.broadcast %rem3A_205 : i32 to vector<16xi32>
    %rem3A_207 = arith.remsi %get3A_198, %rem3A_206 : vector<16xi32>
    %mul3A_208 = arith.constant 4 : i32
    %mul3A_209 = vector.broadcast %mul3A_208 : i32 to vector<16xi32>
    %mul3A_210 = arith.muli %rem3A_207, %mul3A_209 : vector<16xi32>
    %add3A_211 = arith.addi %mul3A_204, %mul3A_210 : vector<16xi32>
    %div3A_212 = arith.constant 8192 : i32
    %div3A_213 = vector.broadcast %div3A_212 : i32 to vector<16xi32>
    %div3A_214 = arith.divsi %get3A_198, %div3A_213 : vector<16xi32>
    %rem3A_215 = arith.constant 4 : i32
    %rem3A_216 = vector.broadcast %rem3A_215 : i32 to vector<16xi32>
    %rem3A_217 = arith.remsi %div3A_214, %rem3A_216 : vector<16xi32>
    %add3A_218 = arith.addi %add3A_211, %rem3A_217 : vector<16xi32>
    %swap3A_219 = arith.constant 0 : i32
    %swap3A_220 = arith.index_cast %swap3A_219 : i32 to index
    %swap3A_221 = arith.constant 48 : index
    %swap3A_222 = tpu.vector_load %arg14[%swap3A_220, %swap3A_221] {strides = array<i32>} : memref<4x128xi32, #tpu.memory_space<vmem>>, vector<16xi32>,
    tpu.vector_store %arg14[%swap3A_220, %swap3A_221], %add3A_218 {strides = array<i32>} : memref<4x128xi32, #tpu.memory_space<vmem>>, vector<16xi32>,
    %get3A_223 = arith.constant 0 : i32
    %get3A_224 = arith.index_cast %get3A_223 : i32 to index
    %get3A_225 = arith.constant 64 : index
    %get3A_226 = tpu.vector_load %arg11[%get3A_224, %get3A_225] {strides = array<i32>} : memref<4x128xi32, #tpu.memory_space<vmem>>, vector<16xi32>,
    %div3A_227 = arith.constant 32768 : i32
    %div3A_228 = vector.broadcast %div3A_227 : i32 to vector<16xi32>
    %div3A_229 = arith.divsi %get3A_226, %div3A_228 : vector<16xi32>
    %mul3A_230 = arith.constant 32768 : i32
    %mul3A_231 = vector.broadcast %mul3A_230 : i32 to vector<16xi32>
    %mul3A_232 = arith.muli %div3A_229, %mul3A_231 : vector<16xi32>
    %rem3A_233 = arith.constant 8192 : i32
    %rem3A_234 = vector.broadcast %rem3A_233 : i32 to vector<16xi32>
    %rem3A_235 = arith.remsi %get3A_226, %rem3A_234 : vector<16xi32>
    %mul3A_236 = arith.constant 4 : i32
    %mul3A_237 = vector.broadcast %mul3A_236 : i32 to vector<16xi32>
    %mul3A_238 = arith.muli %rem3A_235, %mul3A_237 : vector<16xi32>
    %add3A_239 = arith.addi %mul3A_232, %mul3A_238 : vector<16xi32>
    %div3A_240 = arith.constant 8192 : i32
    %div3A_241 = vector.broadcast %div3A_240 : i32 to vector<16xi32>
    %div3A_242 = arith.divsi %get3A_226, %div3A_241 : vector<16xi32>
    %rem3A_243 = arith.constant 4 : i32
    %rem3A_244 = vector.broadcast %rem3A_243 : i32 to vector<16xi32>
    %rem3A_245 = arith.remsi %div3A_242, %rem3A_244 : vector<16xi32>
    %add3A_246 = arith.addi %add3A_239, %rem3A_245 : vector<16xi32>
    %swap3A_247 = arith.constant 0 : i32
    %swap3A_248 = arith.index_cast %swap3A_247 : i32 to index
    %swap3A_249 = arith.constant 64 : index
    %swap3A_250 = tpu.vector_load %arg13[%swap3A_248, %swap3A_249] {strides = array<i32>} : memref<4x128xi32, #tpu.memory_space<vmem>>, vector<16xi32>,
    tpu.vector_store %arg13[%swap3A_248, %swap3A_249], %add3A_246 {strides = array<i32>} : memref<4x128xi32, #tpu.memory_space<vmem>>, vector<16xi32>,
    %get3A_251 = arith.constant 0 : i32
    %get3A_252 = arith.index_cast %get3A_251 : i32 to index
    %get3A_253 = arith.constant 64 : index
    %get3A_254 = tpu.vector_load %arg12[%get3A_252, %get3A_253] {strides = array<i32>} : memref<4x128xi32, #tpu.memory_space<vmem>>, vector<16xi32>,
    %div3A_255 = arith.constant 32768 : i32
    %div3A_256 = vector.broadcast %div3A_255 : i32 to vector<16xi32>
    %div3A_257 = arith.divsi %get3A_254, %div3A_256 : vector<16xi32>
    %mul3A_258 = arith.constant 32768 : i32
    %mul3A_259 = vector.broadcast %mul3A_258 : i32 to vector<16xi32>
    %mul3A_260 = arith.muli %div3A_257, %mul3A_259 : vector<16xi32>
    %rem3A_261 = arith.constant 8192 : i32
    %rem3A_262 = vector.broadcast %rem3A_261 : i32 to vector<16xi32>
    %rem3A_263 = arith.remsi %get3A_254, %rem3A_262 : vector<16xi32>
    %mul3A_264 = arith.constant 4 : i32
    %mul3A_265 = vector.broadcast %mul3A_264 : i32 to vector<16xi32>
    %mul3A_266 = arith.muli %rem3A_263, %mul3A_265 : vector<16xi32>
    %add3A_267 = arith.addi %mul3A_260, %mul3A_266 : vector<16xi32>
    %div3A_268 = arith.constant 8192 : i32
    %div3A_269 = vector.broadcast %div3A_268 : i32 to vector<16xi32>
    %div3A_270 = arith.divsi %get3A_254, %div3A_269 : vector<16xi32>
    %rem3A_271 = arith.constant 4 : i32
    %rem3A_272 = vector.broadcast %rem3A_271 : i32 to vector<16xi32>
    %rem3A_273 = arith.remsi %div3A_270, %rem3A_272 : vector<16xi32>
    %add3A_274 = arith.addi %add3A_267, %rem3A_273 : vector<16xi32>
    %swap3A_275 = arith.constant 0 : i32
    %swap3A_276 = arith.index_cast %swap3A_275 : i32 to index
    %swap3A_277 = arith.constant 64 : index
    %swap3A_278 = tpu.vector_load %arg14[%swap3A_276, %swap3A_277] {strides = array<i32>} : memref<4x128xi32, #tpu.memory_space<vmem>>, vector<16xi32>,
    tpu.vector_store %arg14[%swap3A_276, %swap3A_277], %add3A_274 {strides = array<i32>} : memref<4x128xi32, #tpu.memory_space<vmem>>, vector<16xi32>,
    %get3A_279 = arith.constant 0 : i32
    %get3A_280 = arith.index_cast %get3A_279 : i32 to index
    %get3A_281 = arith.constant 80 : index
    %get3A_282 = tpu.vector_load %arg11[%get3A_280, %get3A_281] {strides = array<i32>} : memref<4x128xi32, #tpu.memory_space<vmem>>, vector<16xi32>,
    %div3A_283 = arith.constant 32768 : i32
    %div3A_284 = vector.broadcast %div3A_283 : i32 to vector<16xi32>
    %div3A_285 = arith.divsi %get3A_282, %div3A_284 : vector<16xi32>
    %mul3A_286 = arith.constant 32768 : i32
    %mul3A_287 = vector.broadcast %mul3A_286 : i32 to vector<16xi32>
    %mul3A_288 = arith.muli %div3A_285, %mul3A_287 : vector<16xi32>
    %rem3A_289 = arith.constant 8192 : i32
    %rem3A_290 = vector.broadcast %rem3A_289 : i32 to vector<16xi32>
    %rem3A_291 = arith.remsi %get3A_282, %rem3A_290 : vector<16xi32>
    %mul3A_292 = arith.constant 4 : i32
    %mul3A_293 = vector.broadcast %mul3A_292 : i32 to vector<16xi32>
    %mul3A_294 = arith.muli %rem3A_291, %mul3A_293 : vector<16xi32>
    %add3A_295 = arith.addi %mul3A_288, %mul3A_294 : vector<16xi32>
    %div3A_296 = arith.constant 8192 : i32
    %div3A_297 = vector.broadcast %div3A_296 : i32 to vector<16xi32>
    %div3A_298 = arith.divsi %get3A_282, %div3A_297 : vector<16xi32>
    %rem3A_299 = arith.constant 4 : i32
    %rem3A_300 = vector.broadcast %rem3A_299 : i32 to vector<16xi32>
    %rem3A_301 = arith.remsi %div3A_298, %rem3A_300 : vector<16xi32>
    %add3A_302 = arith.addi %add3A_295, %rem3A_301 : vector<16xi32>
    %swap3A_303 = arith.constant 0 : i32
    %swap3A_304 = arith.index_cast %swap3A_303 : i32 to index
    %swap3A_305 = arith.constant 80 : index
    %swap3A_306 = tpu.vector_load %arg13[%swap3A_304, %swap3A_305] {strides = array<i32>} : memref<4x128xi32, #tpu.memory_space<vmem>>, vector<16xi32>,
    tpu.vector_store %arg13[%swap3A_304, %swap3A_305], %add3A_302 {strides = array<i32>} : memref<4x128xi32, #tpu.memory_space<vmem>>, vector<16xi32>,
    %get3A_307 = arith.constant 0 : i32
    %get3A_308 = arith.index_cast %get3A_307 : i32 to index
    %get3A_309 = arith.constant 80 : index
    %get3A_310 = tpu.vector_load %arg12[%get3A_308, %get3A_309] {strides = array<i32>} : memref<4x128xi32, #tpu.memory_space<vmem>>, vector<16xi32>,
    %div3A_311 = arith.constant 32768 : i32
    %div3A_312 = vector.broadcast %div3A_311 : i32 to vector<16xi32>
    %div3A_313 = arith.divsi %get3A_310, %div3A_312 : vector<16xi32>
    %mul3A_314 = arith.constant 32768 : i32
    %mul3A_315 = vector.broadcast %mul3A_314 : i32 to vector<16xi32>
    %mul3A_316 = arith.muli %div3A_313, %mul3A_315 : vector<16xi32>
    %rem3A_317 = arith.constant 8192 : i32
    %rem3A_318 = vector.broadcast %rem3A_317 : i32 to vector<16xi32>
    %rem3A_319 = arith.remsi %get3A_310, %rem3A_318 : vector<16xi32>
    %mul3A_320 = arith.constant 4 : i32
    %mul3A_321 = vector.broadcast %mul3A_320 : i32 to vector<16xi32>
    %mul3A_322 = arith.muli %rem3A_319, %mul3A_321 : vector<16xi32>
    %add3A_323 = arith.addi %mul3A_316, %mul3A_322 : vector<16xi32>
    %div3A_324 = arith.constant 8192 : i32
    %div3A_325 = vector.broadcast %div3A_324 : i32 to vector<16xi32>
    %div3A_326 = arith.divsi %get3A_310, %div3A_325 : vector<16xi32>
    %rem3A_327 = arith.constant 4 : i32
    %rem3A_328 = vector.broadcast %rem3A_327 : i32 to vector<16xi32>
    %rem3A_329 = arith.remsi %div3A_326, %rem3A_328 : vector<16xi32>
    %add3A_330 = arith.addi %add3A_323, %rem3A_329 : vector<16xi32>
    %swap3A_331 = arith.constant 0 : i32
    %swap3A_332 = arith.index_cast %swap3A_331 : i32 to index
    %swap3A_333 = arith.constant 80 : index
    %swap3A_334 = tpu.vector_load %arg14[%swap3A_332, %swap3A_333] {strides = array<i32>} : memref<4x128xi32, #tpu.memory_space<vmem>>, vector<16xi32>,
    tpu.vector_store %arg14[%swap3A_332, %swap3A_333], %add3A_330 {strides = array<i32>} : memref<4x128xi32, #tpu.memory_space<vmem>>, vector<16xi32>,
    %get3A_335 = arith.constant 0 : i32
    %get3A_336 = arith.index_cast %get3A_335 : i32 to index
    %get3A_337 = arith.constant 96 : index
    %get3A_338 = tpu.vector_load %arg11[%get3A_336, %get3A_337] {strides = array<i32>} : memref<4x128xi32, #tpu.memory_space<vmem>>, vector<16xi32>,
    %div3A_339 = arith.constant 32768 : i32
    %div3A_340 = vector.broadcast %div3A_339 : i32 to vector<16xi32>
    %div3A_341 = arith.divsi %get3A_338, %div3A_340 : vector<16xi32>
    %mul3A_342 = arith.constant 32768 : i32
    %mul3A_343 = vector.broadcast %mul3A_342 : i32 to vector<16xi32>
    %mul3A_344 = arith.muli %div3A_341, %mul3A_343 : vector<16xi32>
    %rem3A_345 = arith.constant 8192 : i32
    %rem3A_346 = vector.broadcast %rem3A_345 : i32 to vector<16xi32>
    %rem3A_347 = arith.remsi %get3A_338, %rem3A_346 : vector<16xi32>
    %mul3A_348 = arith.constant 4 : i32
    %mul3A_349 = vector.broadcast %mul3A_348 : i32 to vector<16xi32>
    %mul3A_350 = arith.muli %rem3A_347, %mul3A_349 : vector<16xi32>
    %add3A_351 = arith.addi %mul3A_344, %mul3A_350 : vector<16xi32>
    %div3A_352 = arith.constant 8192 : i32
    %div3A_353 = vector.broadcast %div3A_352 : i32 to vector<16xi32>
    %div3A_354 = arith.divsi %get3A_338, %div3A_353 : vector<16xi32>
    %rem3A_355 = arith.constant 4 : i32
    %rem3A_356 = vector.broadcast %rem3A_355 : i32 to vector<16xi32>
    %rem3A_357 = arith.remsi %div3A_354, %rem3A_356 : vector<16xi32>
    %add3A_358 = arith.addi %add3A_351, %rem3A_357 : vector<16xi32>
    %swap3A_359 = arith.constant 0 : i32
    %swap3A_360 = arith.index_cast %swap3A_359 : i32 to index
    %swap3A_361 = arith.constant 96 : index
    %swap3A_362 = tpu.vector_load %arg13[%swap3A_360, %swap3A_361] {strides = array<i32>} : memref<4x128xi32, #tpu.memory_space<vmem>>, vector<16xi32>,
    tpu.vector_store %arg13[%swap3A_360, %swap3A_361], %add3A_358 {strides = array<i32>} : memref<4x128xi32, #tpu.memory_space<vmem>>, vector<16xi32>,
    %get3A_363 = arith.constant 0 : i32
    %get3A_364 = arith.index_cast %get3A_363 : i32 to index
    %get3A_365 = arith.constant 96 : index
    %get3A_366 = tpu.vector_load %arg12[%get3A_364, %get3A_365] {strides = array<i32>} : memref<4x128xi32, #tpu.memory_space<vmem>>, vector<16xi32>,
    %div3A_367 = arith.constant 32768 : i32
    %div3A_368 = vector.broadcast %div3A_367 : i32 to vector<16xi32>
    %div3A_369 = arith.divsi %get3A_366, %div3A_368 : vector<16xi32>
    %mul3A_370 = arith.constant 32768 : i32
    %mul3A_371 = vector.broadcast %mul3A_370 : i32 to vector<16xi32>
    %mul3A_372 = arith.muli %div3A_369, %mul3A_371 : vector<16xi32>
    %rem3A_373 = arith.constant 8192 : i32
    %rem3A_374 = vector.broadcast %rem3A_373 : i32 to vector<16xi32>
    %rem3A_375 = arith.remsi %get3A_366, %rem3A_374 : vector<16xi32>
    %mul3A_376 = arith.constant 4 : i32
    %mul3A_377 = vector.broadcast %mul3A_376 : i32 to vector<16xi32>
    %mul3A_378 = arith.muli %rem3A_375, %mul3A_377 : vector<16xi32>
    %add3A_379 = arith.addi %mul3A_372, %mul3A_378 : vector<16xi32>
    %div3A_380 = arith.constant 8192 : i32
    %div3A_381 = vector.broadcast %div3A_380 : i32 to vector<16xi32>
    %div3A_382 = arith.divsi %get3A_366, %div3A_381 : vector<16xi32>
    %rem3A_383 = arith.constant 4 : i32
    %rem3A_384 = vector.broadcast %rem3A_383 : i32 to vector<16xi32>
    %rem3A_385 = arith.remsi %div3A_382, %rem3A_384 : vector<16xi32>
    %add3A_386 = arith.addi %add3A_379, %rem3A_385 : vector<16xi32>
    %swap3A_387 = arith.constant 0 : i32
    %swap3A_388 = arith.index_cast %swap3A_387 : i32 to index
    %swap3A_389 = arith.constant 96 : index
    %swap3A_390 = tpu.vector_load %arg14[%swap3A_388, %swap3A_389] {strides = array<i32>} : memref<4x128xi32, #tpu.memory_space<vmem>>, vector<16xi32>,
    tpu.vector_store %arg14[%swap3A_388, %swap3A_389], %add3A_386 {strides = array<i32>} : memref<4x128xi32, #tpu.memory_space<vmem>>, vector<16xi32>,
    %get3A_391 = arith.constant 0 : i32
    %get3A_392 = arith.index_cast %get3A_391 : i32 to index
    %get3A_393 = arith.constant 112 : index
    %get3A_394 = tpu.vector_load %arg11[%get3A_392, %get3A_393] {strides = array<i32>} : memref<4x128xi32, #tpu.memory_space<vmem>>, vector<16xi32>,
    %div3A_395 = arith.constant 32768 : i32
    %div3A_396 = vector.broadcast %div3A_395 : i32 to vector<16xi32>
    %div3A_397 = arith.divsi %get3A_394, %div3A_396 : vector<16xi32>
    %mul3A_398 = arith.constant 32768 : i32
    %mul3A_399 = vector.broadcast %mul3A_398 : i32 to vector<16xi32>
    %mul3A_400 = arith.muli %div3A_397, %mul3A_399 : vector<16xi32>
    %rem3A_401 = arith.constant 8192 : i32
    %rem3A_402 = vector.broadcast %rem3A_401 : i32 to vector<16xi32>
    %rem3A_403 = arith.remsi %get3A_394, %rem3A_402 : vector<16xi32>
    %mul3A_404 = arith.constant 4 : i32
    %mul3A_405 = vector.broadcast %mul3A_404 : i32 to vector<16xi32>
    %mul3A_406 = arith.muli %rem3A_403, %mul3A_405 : vector<16xi32>
    %add3A_407 = arith.addi %mul3A_400, %mul3A_406 : vector<16xi32>
    %div3A_408 = arith.constant 8192 : i32
    %div3A_409 = vector.broadcast %div3A_408 : i32 to vector<16xi32>
    %div3A_410 = arith.divsi %get3A_394, %div3A_409 : vector<16xi32>
    %rem3A_411 = arith.constant 4 : i32
    %rem3A_412 = vector.broadcast %rem3A_411 : i32 to vector<16xi32>
    %rem3A_413 = arith.remsi %div3A_410, %rem3A_412 : vector<16xi32>
    %add3A_414 = arith.addi %add3A_407, %rem3A_413 : vector<16xi32>
    %swap3A_415 = arith.constant 0 : i32
    %swap3A_416 = arith.index_cast %swap3A_415 : i32 to index
    %swap3A_417 = arith.constant 112 : index
    %swap3A_418 = tpu.vector_load %arg13[%swap3A_416, %swap3A_417] {strides = array<i32>} : memref<4x128xi32, #tpu.memory_space<vmem>>, vector<16xi32>,
    tpu.vector_store %arg13[%swap3A_416, %swap3A_417], %add3A_414 {strides = array<i32>} : memref<4x128xi32, #tpu.memory_space<vmem>>, vector<16xi32>,
    %get3A_419 = arith.constant 0 : i32
    %get3A_420 = arith.index_cast %get3A_419 : i32 to index
    %get3A_421 = arith.constant 112 : index
    %get3A_422 = tpu.vector_load %arg12[%get3A_420, %get3A_421] {strides = array<i32>} : memref<4x128xi32, #tpu.memory_space<vmem>>, vector<16xi32>,
    %div3A_423 = arith.constant 32768 : i32
    %div3A_424 = vector.broadcast %div3A_423 : i32 to vector<16xi32>
    %div3A_425 = arith.divsi %get3A_422, %div3A_424 : vector<16xi32>
    %mul3A_426 = arith.constant 32768 : i32
    %mul3A_427 = vector.broadcast %mul3A_426 : i32 to vector<16xi32>
    %mul3A_428 = arith.muli %div3A_425, %mul3A_427 : vector<16xi32>
    %rem3A_429 = arith.constant 8192 : i32
    %rem3A_430 = vector.broadcast %rem3A_429 : i32 to vector<16xi32>
    %rem3A_431 = arith.remsi %get3A_422, %rem3A_430 : vector<16xi32>
    %mul3A_432 = arith.constant 4 : i32
    %mul3A_433 = vector.broadcast %mul3A_432 : i32 to vector<16xi32>
    %mul3A_434 = arith.muli %rem3A_431, %mul3A_433 : vector<16xi32>
    %add3A_435 = arith.addi %mul3A_428, %mul3A_434 : vector<16xi32>
    %div3A_436 = arith.constant 8192 : i32
    %div3A_437 = vector.broadcast %div3A_436 : i32 to vector<16xi32>
    %div3A_438 = arith.divsi %get3A_422, %div3A_437 : vector<16xi32>
    %rem3A_439 = arith.constant 4 : i32
    %rem3A_440 = vector.broadcast %rem3A_439 : i32 to vector<16xi32>
    %rem3A_441 = arith.remsi %div3A_438, %rem3A_440 : vector<16xi32>
    %add3A_442 = arith.addi %add3A_435, %rem3A_441 : vector<16xi32>
    %swap3A_443 = arith.constant 0 : i32
    %swap3A_444 = arith.index_cast %swap3A_443 : i32 to index
    %swap3A_445 = arith.constant 112 : index
    %swap3A_446 = tpu.vector_load %arg14[%swap3A_444, %swap3A_445] {strides = array<i32>} : memref<4x128xi32, #tpu.memory_space<vmem>>, vector<16xi32>,
    tpu.vector_store %arg14[%swap3A_444, %swap3A_445], %add3A_442 {strides = array<i32>} : memref<4x128xi32, #tpu.memory_space<vmem>>, vector<16xi32>,
    %get3A_447 = arith.constant 1 : i32
    %get3A_448 = arith.index_cast %get3A_447 : i32 to index
    %get3A_449 = arith.constant 0 : index
    %get3A_450 = tpu.vector_load %arg11[%get3A_448, %get3A_449] {strides = array<i32>} : memref<4x128xi32, #tpu.memory_space<vmem>>, vector<16xi32>,
    %div3A_451 = arith.constant 32768 : i32
    %div3A_452 = vector.broadcast %div3A_451 : i32 to vector<16xi32>
    %div3A_453 = arith.divsi %get3A_450, %div3A_452 : vector<16xi32>
    %mul3A_454 = arith.constant 32768 : i32
    %mul3A_455 = vector.broadcast %mul3A_454 : i32 to vector<16xi32>
    %mul3A_456 = arith.muli %div3A_453, %mul3A_455 : vector<16xi32>
    %rem3A_457 = arith.constant 8192 : i32
    %rem3A_458 = vector.broadcast %rem3A_457 : i32 to vector<16xi32>
    %rem3A_459 = arith.remsi %get3A_450, %rem3A_458 : vector<16xi32>
    %mul3A_460 = arith.constant 4 : i32
    %mul3A_461 = vector.broadcast %mul3A_460 : i32 to vector<16xi32>
    %mul3A_462 = arith.muli %rem3A_459, %mul3A_461 : vector<16xi32>
    %add3A_463 = arith.addi %mul3A_456, %mul3A_462 : vector<16xi32>
    %div3A_464 = arith.constant 8192 : i32
    %div3A_465 = vector.broadcast %div3A_464 : i32 to vector<16xi32>
    %div3A_466 = arith.divsi %get3A_450, %div3A_465 : vector<16xi32>
    %rem3A_467 = arith.constant 4 : i32
    %rem3A_468 = vector.broadcast %rem3A_467 : i32 to vector<16xi32>
    %rem3A_469 = arith.remsi %div3A_466, %rem3A_468 : vector<16xi32>
    %add3A_470 = arith.addi %add3A_463, %rem3A_469 : vector<16xi32>
    %swap3A_471 = arith.constant 1 : i32
    %swap3A_472 = arith.index_cast %swap3A_471 : i32 to index
    %swap3A_473 = arith.constant 0 : index
    %swap3A_474 = tpu.vector_load %arg13[%swap3A_472, %swap3A_473] {strides = array<i32>} : memref<4x128xi32, #tpu.memory_space<vmem>>, vector<16xi32>,
    tpu.vector_store %arg13[%swap3A_472, %swap3A_473], %add3A_470 {strides = array<i32>} : memref<4x128xi32, #tpu.memory_space<vmem>>, vector<16xi32>,
    %get3A_475 = arith.constant 1 : i32
    %get3A_476 = arith.index_cast %get3A_475 : i32 to index
    %get3A_477 = arith.constant 0 : index
    %get3A_478 = tpu.vector_load %arg12[%get3A_476, %get3A_477] {strides = array<i32>} : memref<4x128xi32, #tpu.memory_space<vmem>>, vector<16xi32>,
    %div3A_479 = arith.constant 32768 : i32
    %div3A_480 = vector.broadcast %div3A_479 : i32 to vector<16xi32>
    %div3A_481 = arith.divsi %get3A_478, %div3A_480 : vector<16xi32>
    %mul3A_482 = arith.constant 32768 : i32
    %mul3A_483 = vector.broadcast %mul3A_482 : i32 to vector<16xi32>
    %mul3A_484 = arith.muli %div3A_481, %mul3A_483 : vector<16xi32>
    %rem3A_485 = arith.constant 8192 : i32
    %rem3A_486 = vector.broadcast %rem3A_485 : i32 to vector<16xi32>
    %rem3A_487 = arith.remsi %get3A_478, %rem3A_486 : vector<16xi32>
    %mul3A_488 = arith.constant 4 : i32
    %mul3A_489 = vector.broadcast %mul3A_488 : i32 to vector<16xi32>
    %mul3A_490 = arith.muli %rem3A_487, %mul3A_489 : vector<16xi32>
    %add3A_491 = arith.addi %mul3A_484, %mul3A_490 : vector<16xi32>
    %div3A_492 = arith.constant 8192 : i32
    %div3A_493 = vector.broadcast %div3A_492 : i32 to vector<16xi32>
    %div3A_494 = arith.divsi %get3A_478, %div3A_493 : vector<16xi32>
    %rem3A_495 = arith.constant 4 : i32
    %rem3A_496 = vector.broadcast %rem3A_495 : i32 to vector<16xi32>
    %rem3A_497 = arith.remsi %div3A_494, %rem3A_496 : vector<16xi32>
    %add3A_498 = arith.addi %add3A_491, %rem3A_497 : vector<16xi32>
    %swap3A_499 = arith.constant 1 : i32
    %swap3A_500 = arith.index_cast %swap3A_499 : i32 to index
    %swap3A_501 = arith.constant 0 : index
    %swap3A_502 = tpu.vector_load %arg14[%swap3A_500, %swap3A_501] {strides = array<i32>} : memref<4x128xi32, #tpu.memory_space<vmem>>, vector<16xi32>,
    tpu.vector_store %arg14[%swap3A_500, %swap3A_501], %add3A_498 {strides = array<i32>} : memref<4x128xi32, #tpu.memory_space<vmem>>, vector<16xi32>,
    %get3A_503 = arith.constant 1 : i32
    %get3A_504 = arith.index_cast %get3A_503 : i32 to index
    %get3A_505 = arith.constant 16 : index
    %get3A_506 = tpu.vector_load %arg11[%get3A_504, %get3A_505] {strides = array<i32>} : memref<4x128xi32, #tpu.memory_space<vmem>>, vector<16xi32>,
    %div3A_507 = arith.constant 32768 : i32
    %div3A_508 = vector.broadcast %div3A_507 : i32 to vector<16xi32>
    %div3A_509 = arith.divsi %get3A_506, %div3A_508 : vector<16xi32>
    %mul3A_510 = arith.constant 32768 : i32
    %mul3A_511 = vector.broadcast %mul3A_510 : i32 to vector<16xi32>
    %mul3A_512 = arith.muli %div3A_509, %mul3A_511 : vector<16xi32>
    %rem3A_513 = arith.constant 8192 : i32
    %rem3A_514 = vector.broadcast %rem3A_513 : i32 to vector<16xi32>
    %rem3A_515 = arith.remsi %get3A_506, %rem3A_514 : vector<16xi32>
    %mul3A_516 = arith.constant 4 : i32
    %mul3A_517 = vector.broadcast %mul3A_516 : i32 to vector<16xi32>
    %mul3A_518 = arith.muli %rem3A_515, %mul3A_517 : vector<16xi32>
    %add3A_519 = arith.addi %mul3A_512, %mul3A_518 : vector<16xi32>
    %div3A_520 = arith.constant 8192 : i32
    %div3A_521 = vector.broadcast %div3A_520 : i32 to vector<16xi32>
    %div3A_522 = arith.divsi %get3A_506, %div3A_521 : vector<16xi32>
    %rem3A_523 = arith.constant 4 : i32
    %rem3A_524 = vector.broadcast %rem3A_523 : i32 to vector<16xi32>
    %rem3A_525 = arith.remsi %div3A_522, %rem3A_524 : vector<16xi32>
    %add3A_526 = arith.addi %add3A_519, %rem3A_525 : vector<16xi32>
    %swap3A_527 = arith.constant 1 : i32
    %swap3A_528 = arith.index_cast %swap3A_527 : i32 to index
    %swap3A_529 = arith.constant 16 : index
    %swap3A_530 = tpu.vector_load %arg13[%swap3A_528, %swap3A_529] {strides = array<i32>} : memref<4x128xi32, #tpu.memory_space<vmem>>, vector<16xi32>,
    tpu.vector_store %arg13[%swap3A_528, %swap3A_529], %add3A_526 {strides = array<i32>} : memref<4x128xi32, #tpu.memory_space<vmem>>, vector<16xi32>,
    %get3A_531 = arith.constant 1 : i32
    %get3A_532 = arith.index_cast %get3A_531 : i32 to index
    %get3A_533 = arith.constant 16 : index
    %get3A_534 = tpu.vector_load %arg12[%get3A_532, %get3A_533] {strides = array<i32>} : memref<4x128xi32, #tpu.memory_space<vmem>>, vector<16xi32>,
    %div3A_535 = arith.constant 32768 : i32
    %div3A_536 = vector.broadcast %div3A_535 : i32 to vector<16xi32>
    %div3A_537 = arith.divsi %get3A_534, %div3A_536 : vector<16xi32>
    %mul3A_538 = arith.constant 32768 : i32
    %mul3A_539 = vector.broadcast %mul3A_538 : i32 to vector<16xi32>
    %mul3A_540 = arith.muli %div3A_537, %mul3A_539 : vector<16xi32>
    %rem3A_541 = arith.constant 8192 : i32
    %rem3A_542 = vector.broadcast %rem3A_541 : i32 to vector<16xi32>
    %rem3A_543 = arith.remsi %get3A_534, %rem3A_542 : vector<16xi32>
    %mul3A_544 = arith.constant 4 : i32
    %mul3A_545 = vector.broadcast %mul3A_544 : i32 to vector<16xi32>
    %mul3A_546 = arith.muli %rem3A_543, %mul3A_545 : vector<16xi32>
    %add3A_547 = arith.addi %mul3A_540, %mul3A_546 : vector<16xi32>
    %div3A_548 = arith.constant 8192 : i32
    %div3A_549 = vector.broadcast %div3A_548 : i32 to vector<16xi32>
    %div3A_550 = arith.divsi %get3A_534, %div3A_549 : vector<16xi32>
    %rem3A_551 = arith.constant 4 : i32
    %rem3A_552 = vector.broadcast %rem3A_551 : i32 to vector<16xi32>
    %rem3A_553 = arith.remsi %div3A_550, %rem3A_552 : vector<16xi32>
    %add3A_554 = arith.addi %add3A_547, %rem3A_553 : vector<16xi32>
    %swap3A_555 = arith.constant 1 : i32
    %swap3A_556 = arith.index_cast %swap3A_555 : i32 to index
    %swap3A_557 = arith.constant 16 : index
    %swap3A_558 = tpu.vector_load %arg14[%swap3A_556, %swap3A_557] {strides = array<i32>} : memref<4x128xi32, #tpu.memory_space<vmem>>, vector<16xi32>,
    tpu.vector_store %arg14[%swap3A_556, %swap3A_557], %add3A_554 {strides = array<i32>} : memref<4x128xi32, #tpu.memory_space<vmem>>, vector<16xi32>,
    %get3A_559 = arith.constant 1 : i32
    %get3A_560 = arith.index_cast %get3A_559 : i32 to index
    %get3A_561 = arith.constant 32 : index
    %get3A_562 = tpu.vector_load %arg11[%get3A_560, %get3A_561] {strides = array<i32>} : memref<4x128xi32, #tpu.memory_space<vmem>>, vector<16xi32>,
    %div3A_563 = arith.constant 32768 : i32
    %div3A_564 = vector.broadcast %div3A_563 : i32 to vector<16xi32>
    %div3A_565 = arith.divsi %get3A_562, %div3A_564 : vector<16xi32>
    %mul3A_566 = arith.constant 32768 : i32
    %mul3A_567 = vector.broadcast %mul3A_566 : i32 to vector<16xi32>
    %mul3A_568 = arith.muli %div3A_565, %mul3A_567 : vector<16xi32>
    %rem3A_569 = arith.constant 8192 : i32
    %rem3A_570 = vector.broadcast %rem3A_569 : i32 to vector<16xi32>
    %rem3A_571 = arith.remsi %get3A_562, %rem3A_570 : vector<16xi32>
    %mul3A_572 = arith.constant 4 : i32
    %mul3A_573 = vector.broadcast %mul3A_572 : i32 to vector<16xi32>
    %mul3A_574 = arith.muli %rem3A_571, %mul3A_573 : vector<16xi32>
    %add3A_575 = arith.addi %mul3A_568, %mul3A_574 : vector<16xi32>
    %div3A_576 = arith.constant 8192 : i32
    %div3A_577 = vector.broadcast %div3A_576 : i32 to vector<16xi32>
    %div3A_578 = arith.divsi %get3A_562, %div3A_577 : vector<16xi32>
    %rem3A_579 = arith.constant 4 : i32
    %rem3A_580 = vector.broadcast %rem3A_579 : i32 to vector<16xi32>
    %rem3A_581 = arith.remsi %div3A_578, %rem3A_580 : vector<16xi32>
    %add3A_582 = arith.addi %add3A_575, %rem3A_581 : vector<16xi32>
    %swap3A_583 = arith.constant 1 : i32
    %swap3A_584 = arith.index_cast %swap3A_583 : i32 to index
    %swap3A_585 = arith.constant 32 : index
    %swap3A_586 = tpu.vector_load %arg13[%swap3A_584, %swap3A_585] {strides = array<i32>} : memref<4x128xi32, #tpu.memory_space<vmem>>, vector<16xi32>,
    tpu.vector_store %arg13[%swap3A_584, %swap3A_585], %add3A_582 {strides = array<i32>} : memref<4x128xi32, #tpu.memory_space<vmem>>, vector<16xi32>,
    %get3A_587 = arith.constant 1 : i32
    %get3A_588 = arith.index_cast %get3A_587 : i32 to index
    %get3A_589 = arith.constant 32 : index
    %get3A_590 = tpu.vector_load %arg12[%get3A_588, %get3A_589] {strides = array<i32>} : memref<4x128xi32, #tpu.memory_space<vmem>>, vector<16xi32>,
    %div3A_591 = arith.constant 32768 : i32
    %div3A_592 = vector.broadcast %div3A_591 : i32 to vector<16xi32>
    %div3A_593 = arith.divsi %get3A_590, %div3A_592 : vector<16xi32>
    %mul3A_594 = arith.constant 32768 : i32
    %mul3A_595 = vector.broadcast %mul3A_594 : i32 to vector<16xi32>
    %mul3A_596 = arith.muli %div3A_593, %mul3A_595 : vector<16xi32>
    %rem3A_597 = arith.constant 8192 : i32
    %rem3A_598 = vector.broadcast %rem3A_597 : i32 to vector<16xi32>
    %rem3A_599 = arith.remsi %get3A_590, %rem3A_598 : vector<16xi32>
    %mul3A_600 = arith.constant 4 : i32
    %mul3A_601 = vector.broadcast %mul3A_600 : i32 to vector<16xi32>
    %mul3A_602 = arith.muli %rem3A_599, %mul3A_601 : vector<16xi32>
    %add3A_603 = arith.addi %mul3A_596, %mul3A_602 : vector<16xi32>
    %div3A_604 = arith.constant 8192 : i32
    %div3A_605 = vector.broadcast %div3A_604 : i32 to vector<16xi32>
    %div3A_606 = arith.divsi %get3A_590, %div3A_605 : vector<16xi32>
    %rem3A_607 = arith.constant 4 : i32
    %rem3A_608 = vector.broadcast %rem3A_607 : i32 to vector<16xi32>
    %rem3A_609 = arith.remsi %div3A_606, %rem3A_608 : vector<16xi32>
    %add3A_610 = arith.addi %add3A_603, %rem3A_609 : vector<16xi32>
    %swap3A_611 = arith.constant 1 : i32
    %swap3A_612 = arith.index_cast %swap3A_611 : i32 to index
    %swap3A_613 = arith.constant 32 : index
    %swap3A_614 = tpu.vector_load %arg14[%swap3A_612, %swap3A_613] {strides = array<i32>} : memref<4x128xi32, #tpu.memory_space<vmem>>, vector<16xi32>,
    tpu.vector_store %arg14[%swap3A_612, %swap3A_613], %add3A_610 {strides = array<i32>} : memref<4x128xi32, #tpu.memory_space<vmem>>, vector<16xi32>,
    %get3A_615 = arith.constant 1 : i32
    %get3A_616 = arith.index_cast %get3A_615 : i32 to index
    %get3A_617 = arith.constant 48 : index
    %get3A_618 = tpu.vector_load %arg11[%get3A_616, %get3A_617] {strides = array<i32>} : memref<4x128xi32, #tpu.memory_space<vmem>>, vector<16xi32>,
    %div3A_619 = arith.constant 32768 : i32
    %div3A_620 = vector.broadcast %div3A_619 : i32 to vector<16xi32>
    %div3A_621 = arith.divsi %get3A_618, %div3A_620 : vector<16xi32>
    %mul3A_622 = arith.constant 32768 : i32
    %mul3A_623 = vector.broadcast %mul3A_622 : i32 to vector<16xi32>
    %mul3A_624 = arith.muli %div3A_621, %mul3A_623 : vector<16xi32>
    %rem3A_625 = arith.constant 8192 : i32
    %rem3A_626 = vector.broadcast %rem3A_625 : i32 to vector<16xi32>
    %rem3A_627 = arith.remsi %get3A_618, %rem3A_626 : vector<16xi32>
    %mul3A_628 = arith.constant 4 : i32
    %mul3A_629 = vector.broadcast %mul3A_628 : i32 to vector<16xi32>
    %mul3A_630 = arith.muli %rem3A_627, %mul3A_629 : vector<16xi32>
    %add3A_631 = arith.addi %mul3A_624, %mul3A_630 : vector<16xi32>
    %div3A_632 = arith.constant 8192 : i32
    %div3A_633 = vector.broadcast %div3A_632 : i32 to vector<16xi32>
    %div3A_634 = arith.divsi %get3A_618, %div3A_633 : vector<16xi32>
    %rem3A_635 = arith.constant 4 : i32
    %rem3A_636 = vector.broadcast %rem3A_635 : i32 to vector<16xi32>
    %rem3A_637 = arith.remsi %div3A_634, %rem3A_636 : vector<16xi32>
    %add3A_638 = arith.addi %add3A_631, %rem3A_637 : vector<16xi32>
    %swap3A_639 = arith.constant 1 : i32
    %swap3A_640 = arith.index_cast %swap3A_639 : i32 to index
    %swap3A_641 = arith.constant 48 : index
    %swap3A_642 = tpu.vector_load %arg13[%swap3A_640, %swap3A_641] {strides = array<i32>} : memref<4x128xi32, #tpu.memory_space<vmem>>, vector<16xi32>,
    tpu.vector_store %arg13[%swap3A_640, %swap3A_641], %add3A_638 {strides = array<i32>} : memref<4x128xi32, #tpu.memory_space<vmem>>, vector<16xi32>,
    %get3A_643 = arith.constant 1 : i32
    %get3A_644 = arith.index_cast %get3A_643 : i32 to index
    %get3A_645 = arith.constant 48 : index
    %get3A_646 = tpu.vector_load %arg12[%get3A_644, %get3A_645] {strides = array<i32>} : memref<4x128xi32, #tpu.memory_space<vmem>>, vector<16xi32>,
    %div3A_647 = arith.constant 32768 : i32
    %div3A_648 = vector.broadcast %div3A_647 : i32 to vector<16xi32>
    %div3A_649 = arith.divsi %get3A_646, %div3A_648 : vector<16xi32>
    %mul3A_650 = arith.constant 32768 : i32
    %mul3A_651 = vector.broadcast %mul3A_650 : i32 to vector<16xi32>
    %mul3A_652 = arith.muli %div3A_649, %mul3A_651 : vector<16xi32>
    %rem3A_653 = arith.constant 8192 : i32
    %rem3A_654 = vector.broadcast %rem3A_653 : i32 to vector<16xi32>
    %rem3A_655 = arith.remsi %get3A_646, %rem3A_654 : vector<16xi32>
    %mul3A_656 = arith.constant 4 : i32
    %mul3A_657 = vector.broadcast %mul3A_656 : i32 to vector<16xi32>
    %mul3A_658 = arith.muli %rem3A_655, %mul3A_657 : vector<16xi32>
    %add3A_659 = arith.addi %mul3A_652, %mul3A_658 : vector<16xi32>
    %div3A_660 = arith.constant 8192 : i32
    %div3A_661 = vector.broadcast %div3A_660 : i32 to vector<16xi32>
    %div3A_662 = arith.divsi %get3A_646, %div3A_661 : vector<16xi32>
    %rem3A_663 = arith.constant 4 : i32
    %rem3A_664 = vector.broadcast %rem3A_663 : i32 to vector<16xi32>
    %rem3A_665 = arith.remsi %div3A_662, %rem3A_664 : vector<16xi32>
    %add3A_666 = arith.addi %add3A_659, %rem3A_665 : vector<16xi32>
    %swap3A_667 = arith.constant 1 : i32
    %swap3A_668 = arith.index_cast %swap3A_667 : i32 to index
    %swap3A_669 = arith.constant 48 : index
    %swap3A_670 = tpu.vector_load %arg14[%swap3A_668, %swap3A_669] {strides = array<i32>} : memref<4x128xi32, #tpu.memory_space<vmem>>, vector<16xi32>,
    tpu.vector_store %arg14[%swap3A_668, %swap3A_669], %add3A_666 {strides = array<i32>} : memref<4x128xi32, #tpu.memory_space<vmem>>, vector<16xi32>,
    %get3A_671 = arith.constant 1 : i32
    %get3A_672 = arith.index_cast %get3A_671 : i32 to index
    %get3A_673 = arith.constant 64 : index
    %get3A_674 = tpu.vector_load %arg11[%get3A_672, %get3A_673] {strides = array<i32>} : memref<4x128xi32, #tpu.memory_space<vmem>>, vector<16xi32>,
    %div3A_675 = arith.constant 32768 : i32
    %div3A_676 = vector.broadcast %div3A_675 : i32 to vector<16xi32>
    %div3A_677 = arith.divsi %get3A_674, %div3A_676 : vector<16xi32>
    %mul3A_678 = arith.constant 32768 : i32
    %mul3A_679 = vector.broadcast %mul3A_678 : i32 to vector<16xi32>
    %mul3A_680 = arith.muli %div3A_677, %mul3A_679 : vector<16xi32>
    %rem3A_681 = arith.constant 8192 : i32
    %rem3A_682 = vector.broadcast %rem3A_681 : i32 to vector<16xi32>
    %rem3A_683 = arith.remsi %get3A_674, %rem3A_682 : vector<16xi32>
    %mul3A_684 = arith.constant 4 : i32
    %mul3A_685 = vector.broadcast %mul3A_684 : i32 to vector<16xi32>
    %mul3A_686 = arith.muli %rem3A_683, %mul3A_685 : vector<16xi32>
    %add3A_687 = arith.addi %mul3A_680, %mul3A_686 : vector<16xi32>
    %div3A_688 = arith.constant 8192 : i32
    %div3A_689 = vector.broadcast %div3A_688 : i32 to vector<16xi32>
    %div3A_690 = arith.divsi %get3A_674, %div3A_689 : vector<16xi32>
    %rem3A_691 = arith.constant 4 : i32
    %rem3A_692 = vector.broadcast %rem3A_691 : i32 to vector<16xi32>
    %rem3A_693 = arith.remsi %div3A_690, %rem3A_692 : vector<16xi32>
    %add3A_694 = arith.addi %add3A_687, %rem3A_693 : vector<16xi32>
    %swap3A_695 = arith.constant 1 : i32
    %swap3A_696 = arith.index_cast %swap3A_695 : i32 to index
    %swap3A_697 = arith.constant 64 : index
    %swap3A_698 = tpu.vector_load %arg13[%swap3A_696, %swap3A_697] {strides = array<i32>} : memref<4x128xi32, #tpu.memory_space<vmem>>, vector<16xi32>,
    tpu.vector_store %arg13[%swap3A_696, %swap3A_697], %add3A_694 {strides = array<i32>} : memref<4x128xi32, #tpu.memory_space<vmem>>, vector<16xi32>,
    %get3A_699 = arith.constant 1 : i32
    %get3A_700 = arith.index_cast %get3A_699 : i32 to index
    %get3A_701 = arith.constant 64 : index
    %get3A_702 = tpu.vector_load %arg12[%get3A_700, %get3A_701] {strides = array<i32>} : memref<4x128xi32, #tpu.memory_space<vmem>>, vector<16xi32>,
    %div3A_703 = arith.constant 32768 : i32
    %div3A_704 = vector.broadcast %div3A_703 : i32 to vector<16xi32>
    %div3A_705 = arith.divsi %get3A_702, %div3A_704 : vector<16xi32>
    %mul3A_706 = arith.constant 32768 : i32
    %mul3A_707 = vector.broadcast %mul3A_706 : i32 to vector<16xi32>
    %mul3A_708 = arith.muli %div3A_705, %mul3A_707 : vector<16xi32>
    %rem3A_709 = arith.constant 8192 : i32
    %rem3A_710 = vector.broadcast %rem3A_709 : i32 to vector<16xi32>
    %rem3A_711 = arith.remsi %get3A_702, %rem3A_710 : vector<16xi32>
    %mul3A_712 = arith.constant 4 : i32
    %mul3A_713 = vector.broadcast %mul3A_712 : i32 to vector<16xi32>
    %mul3A_714 = arith.muli %rem3A_711, %mul3A_713 : vector<16xi32>
    %add3A_715 = arith.addi %mul3A_708, %mul3A_714 : vector<16xi32>
    %div3A_716 = arith.constant 8192 : i32
    %div3A_717 = vector.broadcast %div3A_716 : i32 to vector<16xi32>
    %div3A_718 = arith.divsi %get3A_702, %div3A_717 : vector<16xi32>
    %rem3A_719 = arith.constant 4 : i32
    %rem3A_720 = vector.broadcast %rem3A_719 : i32 to vector<16xi32>
    %rem3A_721 = arith.remsi %div3A_718, %rem3A_720 : vector<16xi32>
    %add3A_722 = arith.addi %add3A_715, %rem3A_721 : vector<16xi32>
    %swap3A_723 = arith.constant 1 : i32
    %swap3A_724 = arith.index_cast %swap3A_723 : i32 to index
    %swap3A_725 = arith.constant 64 : index
    %swap3A_726 = tpu.vector_load %arg14[%swap3A_724, %swap3A_725] {strides = array<i32>} : memref<4x128xi32, #tpu.memory_space<vmem>>, vector<16xi32>,
    tpu.vector_store %arg14[%swap3A_724, %swap3A_725], %add3A_722 {strides = array<i32>} : memref<4x128xi32, #tpu.memory_space<vmem>>, vector<16xi32>,
    %get3A_727 = arith.constant 1 : i32
    %get3A_728 = arith.index_cast %get3A_727 : i32 to index
    %get3A_729 = arith.constant 80 : index
    %get3A_730 = tpu.vector_load %arg11[%get3A_728, %get3A_729] {strides = array<i32>} : memref<4x128xi32, #tpu.memory_space<vmem>>, vector<16xi32>,
    %div3A_731 = arith.constant 32768 : i32
    %div3A_732 = vector.broadcast %div3A_731 : i32 to vector<16xi32>
    %div3A_733 = arith.divsi %get3A_730, %div3A_732 : vector<16xi32>
    %mul3A_734 = arith.constant 32768 : i32
    %mul3A_735 = vector.broadcast %mul3A_734 : i32 to vector<16xi32>
    %mul3A_736 = arith.muli %div3A_733, %mul3A_735 : vector<16xi32>
    %rem3A_737 = arith.constant 8192 : i32
    %rem3A_738 = vector.broadcast %rem3A_737 : i32 to vector<16xi32>
    %rem3A_739 = arith.remsi %get3A_730, %rem3A_738 : vector<16xi32>
    %mul3A_740 = arith.constant 4 : i32
    %mul3A_741 = vector.broadcast %mul3A_740 : i32 to vector<16xi32>
    %mul3A_742 = arith.muli %rem3A_739, %mul3A_741 : vector<16xi32>
    %add3A_743 = arith.addi %mul3A_736, %mul3A_742 : vector<16xi32>
    %div3A_744 = arith.constant 8192 : i32
    %div3A_745 = vector.broadcast %div3A_744 : i32 to vector<16xi32>
    %div3A_746 = arith.divsi %get3A_730, %div3A_745 : vector<16xi32>
    %rem3A_747 = arith.constant 4 : i32
    %rem3A_748 = vector.broadcast %rem3A_747 : i32 to vector<16xi32>
    %rem3A_749 = arith.remsi %div3A_746, %rem3A_748 : vector<16xi32>
    %add3A_750 = arith.addi %add3A_743, %rem3A_749 : vector<16xi32>
    %swap3A_751 = arith.constant 1 : i32
    %swap3A_752 = arith.index_cast %swap3A_751 : i32 to index
    %swap3A_753 = arith.constant 80 : index
    %swap3A_754 = tpu.vector_load %arg13[%swap3A_752, %swap3A_753] {strides = array<i32>} : memref<4x128xi32, #tpu.memory_space<vmem>>, vector<16xi32>,
    tpu.vector_store %arg13[%swap3A_752, %swap3A_753], %add3A_750 {strides = array<i32>} : memref<4x128xi32, #tpu.memory_space<vmem>>, vector<16xi32>,
    %get3A_755 = arith.constant 1 : i32
    %get3A_756 = arith.index_cast %get3A_755 : i32 to index
    %get3A_757 = arith.constant 80 : index
    %get3A_758 = tpu.vector_load %arg12[%get3A_756, %get3A_757] {strides = array<i32>} : memref<4x128xi32, #tpu.memory_space<vmem>>, vector<16xi32>,
    %div3A_759 = arith.constant 32768 : i32
    %div3A_760 = vector.broadcast %div3A_759 : i32 to vector<16xi32>
    %div3A_761 = arith.divsi %get3A_758, %div3A_760 : vector<16xi32>
    %mul3A_762 = arith.constant 32768 : i32
    %mul3A_763 = vector.broadcast %mul3A_762 : i32 to vector<16xi32>
    %mul3A_764 = arith.muli %div3A_761, %mul3A_763 : vector<16xi32>
    %rem3A_765 = arith.constant 8192 : i32
    %rem3A_766 = vector.broadcast %rem3A_765 : i32 to vector<16xi32>
    %rem3A_767 = arith.remsi %get3A_758, %rem3A_766 : vector<16xi32>
    %mul3A_768 = arith.constant 4 : i32
    %mul3A_769 = vector.broadcast %mul3A_768 : i32 to vector<16xi32>
    %mul3A_770 = arith.muli %rem3A_767, %mul3A_769 : vector<16xi32>
    %add3A_771 = arith.addi %mul3A_764, %mul3A_770 : vector<16xi32>
    %div3A_772 = arith.constant 8192 : i32
    %div3A_773 = vector.broadcast %div3A_772 : i32 to vector<16xi32>
    %div3A_774 = arith.divsi %get3A_758, %div3A_773 : vector<16xi32>
    %rem3A_775 = arith.constant 4 : i32
    %rem3A_776 = vector.broadcast %rem3A_775 : i32 to vector<16xi32>
    %rem3A_777 = arith.remsi %div3A_774, %rem3A_776 : vector<16xi32>
    %add3A_778 = arith.addi %add3A_771, %rem3A_777 : vector<16xi32>
    %swap3A_779 = arith.constant 1 : i32
    %swap3A_780 = arith.index_cast %swap3A_779 : i32 to index
    %swap3A_781 = arith.constant 80 : index
    %swap3A_782 = tpu.vector_load %arg14[%swap3A_780, %swap3A_781] {strides = array<i32>} : memref<4x128xi32, #tpu.memory_space<vmem>>, vector<16xi32>,
    tpu.vector_store %arg14[%swap3A_780, %swap3A_781], %add3A_778 {strides = array<i32>} : memref<4x128xi32, #tpu.memory_space<vmem>>, vector<16xi32>,
    %get3A_783 = arith.constant 1 : i32
    %get3A_784 = arith.index_cast %get3A_783 : i32 to index
    %get3A_785 = arith.constant 96 : index
    %get3A_786 = tpu.vector_load %arg11[%get3A_784, %get3A_785] {strides = array<i32>} : memref<4x128xi32, #tpu.memory_space<vmem>>, vector<16xi32>,
    %div3A_787 = arith.constant 32768 : i32
    %div3A_788 = vector.broadcast %div3A_787 : i32 to vector<16xi32>
    %div3A_789 = arith.divsi %get3A_786, %div3A_788 : vector<16xi32>
    %mul3A_790 = arith.constant 32768 : i32
    %mul3A_791 = vector.broadcast %mul3A_790 : i32 to vector<16xi32>
    %mul3A_792 = arith.muli %div3A_789, %mul3A_791 : vector<16xi32>
    %rem3A_793 = arith.constant 8192 : i32
    %rem3A_794 = vector.broadcast %rem3A_793 : i32 to vector<16xi32>
    %rem3A_795 = arith.remsi %get3A_786, %rem3A_794 : vector<16xi32>
    %mul3A_796 = arith.constant 4 : i32
    %mul3A_797 = vector.broadcast %mul3A_796 : i32 to vector<16xi32>
    %mul3A_798 = arith.muli %rem3A_795, %mul3A_797 : vector<16xi32>
    %add3A_799 = arith.addi %mul3A_792, %mul3A_798 : vector<16xi32>
    %div3A_800 = arith.constant 8192 : i32
    %div3A_801 = vector.broadcast %div3A_800 : i32 to vector<16xi32>
    %div3A_802 = arith.divsi %get3A_786, %div3A_801 : vector<16xi32>
    %rem3A_803 = arith.constant 4 : i32
    %rem3A_804 = vector.broadcast %rem3A_803 : i32 to vector<16xi32>
    %rem3A_805 = arith.remsi %div3A_802, %rem3A_804 : vector<16xi32>
    %add3A_806 = arith.addi %add3A_799, %rem3A_805 : vector<16xi32>
    %swap3A_807 = arith.constant 1 : i32
    %swap3A_808 = arith.index_cast %swap3A_807 : i32 to index
    %swap3A_809 = arith.constant 96 : index
    %swap3A_810 = tpu.vector_load %arg13[%swap3A_808, %swap3A_809] {strides = array<i32>} : memref<4x128xi32, #tpu.memory_space<vmem>>, vector<16xi32>,
    tpu.vector_store %arg13[%swap3A_808, %swap3A_809], %add3A_806 {strides = array<i32>} : memref<4x128xi32, #tpu.memory_space<vmem>>, vector<16xi32>,
    %get3A_811 = arith.constant 1 : i32
    %get3A_812 = arith.index_cast %get3A_811 : i32 to index
    %get3A_813 = arith.constant 96 : index
    %get3A_814 = tpu.vector_load %arg12[%get3A_812, %get3A_813] {strides = array<i32>} : memref<4x128xi32, #tpu.memory_space<vmem>>, vector<16xi32>,
    %div3A_815 = arith.constant 32768 : i32
    %div3A_816 = vector.broadcast %div3A_815 : i32 to vector<16xi32>
    %div3A_817 = arith.divsi %get3A_814, %div3A_816 : vector<16xi32>
    %mul3A_818 = arith.constant 32768 : i32
    %mul3A_819 = vector.broadcast %mul3A_818 : i32 to vector<16xi32>
    %mul3A_820 = arith.muli %div3A_817, %mul3A_819 : vector<16xi32>
    %rem3A_821 = arith.constant 8192 : i32
    %rem3A_822 = vector.broadcast %rem3A_821 : i32 to vector<16xi32>
    %rem3A_823 = arith.remsi %get3A_814, %rem3A_822 : vector<16xi32>
    %mul3A_824 = arith.constant 4 : i32
    %mul3A_825 = vector.broadcast %mul3A_824 : i32 to vector<16xi32>
    %mul3A_826 = arith.muli %rem3A_823, %mul3A_825 : vector<16xi32>
    %add3A_827 = arith.addi %mul3A_820, %mul3A_826 : vector<16xi32>
    %div3A_828 = arith.constant 8192 : i32
    %div3A_829 = vector.broadcast %div3A_828 : i32 to vector<16xi32>
    %div3A_830 = arith.divsi %get3A_814, %div3A_829 : vector<16xi32>
    %rem3A_831 = arith.constant 4 : i32
    %rem3A_832 = vector.broadcast %rem3A_831 : i32 to vector<16xi32>
    %rem3A_833 = arith.remsi %div3A_830, %rem3A_832 : vector<16xi32>
    %add3A_834 = arith.addi %add3A_827, %rem3A_833 : vector<16xi32>
    %swap3A_835 = arith.constant 1 : i32
    %swap3A_836 = arith.index_cast %swap3A_835 : i32 to index
    %swap3A_837 = arith.constant 96 : index
    %swap3A_838 = tpu.vector_load %arg14[%swap3A_836, %swap3A_837] {strides = array<i32>} : memref<4x128xi32, #tpu.memory_space<vmem>>, vector<16xi32>,
    tpu.vector_store %arg14[%swap3A_836, %swap3A_837], %add3A_834 {strides = array<i32>} : memref<4x128xi32, #tpu.memory_space<vmem>>, vector<16xi32>,
    %get3A_839 = arith.constant 1 : i32
    %get3A_840 = arith.index_cast %get3A_839 : i32 to index
    %get3A_841 = arith.constant 112 : index
    %get3A_842 = tpu.vector_load %arg11[%get3A_840, %get3A_841] {strides = array<i32>} : memref<4x128xi32, #tpu.memory_space<vmem>>, vector<16xi32>,
    %div3A_843 = arith.constant 32768 : i32
    %div3A_844 = vector.broadcast %div3A_843 : i32 to vector<16xi32>
    %div3A_845 = arith.divsi %get3A_842, %div3A_844 : vector<16xi32>
    %mul3A_846 = arith.constant 32768 : i32
    %mul3A_847 = vector.broadcast %mul3A_846 : i32 to vector<16xi32>
    %mul3A_848 = arith.muli %div3A_845, %mul3A_847 : vector<16xi32>
    %rem3A_849 = arith.constant 8192 : i32
    %rem3A_850 = vector.broadcast %rem3A_849 : i32 to vector<16xi32>
    %rem3A_851 = arith.remsi %get3A_842, %rem3A_850 : vector<16xi32>
    %mul3A_852 = arith.constant 4 : i32
    %mul3A_853 = vector.broadcast %mul3A_852 : i32 to vector<16xi32>
    %mul3A_854 = arith.muli %rem3A_851, %mul3A_853 : vector<16xi32>
    %add3A_855 = arith.addi %mul3A_848, %mul3A_854 : vector<16xi32>
    %div3A_856 = arith.constant 8192 : i32
    %div3A_857 = vector.broadcast %div3A_856 : i32 to vector<16xi32>
    %div3A_858 = arith.divsi %get3A_842, %div3A_857 : vector<16xi32>
    %rem3A_859 = arith.constant 4 : i32
    %rem3A_860 = vector.broadcast %rem3A_859 : i32 to vector<16xi32>
    %rem3A_861 = arith.remsi %div3A_858, %rem3A_860 : vector<16xi32>
    %add3A_862 = arith.addi %add3A_855, %rem3A_861 : vector<16xi32>
    %swap3A_863 = arith.constant 1 : i32
    %swap3A_864 = arith.index_cast %swap3A_863 : i32 to index
    %swap3A_865 = arith.constant 112 : index
    %swap3A_866 = tpu.vector_load %arg13[%swap3A_864, %swap3A_865] {strides = array<i32>} : memref<4x128xi32, #tpu.memory_space<vmem>>, vector<16xi32>,
    tpu.vector_store %arg13[%swap3A_864, %swap3A_865], %add3A_862 {strides = array<i32>} : memref<4x128xi32, #tpu.memory_space<vmem>>, vector<16xi32>,
    %get3A_867 = arith.constant 1 : i32
    %get3A_868 = arith.index_cast %get3A_867 : i32 to index
    %get3A_869 = arith.constant 112 : index
    %get3A_870 = tpu.vector_load %arg12[%get3A_868, %get3A_869] {strides = array<i32>} : memref<4x128xi32, #tpu.memory_space<vmem>>, vector<16xi32>,
    %div3A_871 = arith.constant 32768 : i32
    %div3A_872 = vector.broadcast %div3A_871 : i32 to vector<16xi32>
    %div3A_873 = arith.divsi %get3A_870, %div3A_872 : vector<16xi32>
    %mul3A_874 = arith.constant 32768 : i32
    %mul3A_875 = vector.broadcast %mul3A_874 : i32 to vector<16xi32>
    %mul3A_876 = arith.muli %div3A_873, %mul3A_875 : vector<16xi32>
    %rem3A_877 = arith.constant 8192 : i32
    %rem3A_878 = vector.broadcast %rem3A_877 : i32 to vector<16xi32>
    %rem3A_879 = arith.remsi %get3A_870, %rem3A_878 : vector<16xi32>
    %mul3A_880 = arith.constant 4 : i32
    %mul3A_881 = vector.broadcast %mul3A_880 : i32 to vector<16xi32>
    %mul3A_882 = arith.muli %rem3A_879, %mul3A_881 : vector<16xi32>
    %add3A_883 = arith.addi %mul3A_876, %mul3A_882 : vector<16xi32>
    %div3A_884 = arith.constant 8192 : i32
    %div3A_885 = vector.broadcast %div3A_884 : i32 to vector<16xi32>
    %div3A_886 = arith.divsi %get3A_870, %div3A_885 : vector<16xi32>
    %rem3A_887 = arith.constant 4 : i32
    %rem3A_888 = vector.broadcast %rem3A_887 : i32 to vector<16xi32>
    %rem3A_889 = arith.remsi %div3A_886, %rem3A_888 : vector<16xi32>
    %add3A_890 = arith.addi %add3A_883, %rem3A_889 : vector<16xi32>
    %swap3A_891 = arith.constant 1 : i32
    %swap3A_892 = arith.index_cast %swap3A_891 : i32 to index
    %swap3A_893 = arith.constant 112 : index
    %swap3A_894 = tpu.vector_load %arg14[%swap3A_892, %swap3A_893] {strides = array<i32>} : memref<4x128xi32, #tpu.memory_space<vmem>>, vector<16xi32>,
    tpu.vector_store %arg14[%swap3A_892, %swap3A_893], %add3A_890 {strides = array<i32>} : memref<4x128xi32, #tpu.memory_space<vmem>>, vector<16xi32>,
    %get3A_895 = arith.constant 2 : i32
    %get3A_896 = arith.index_cast %get3A_895 : i32 to index
    %get3A_897 = arith.constant 0 : index
    %get3A_898 = tpu.vector_load %arg11[%get3A_896, %get3A_897] {strides = array<i32>} : memref<4x128xi32, #tpu.memory_space<vmem>>, vector<16xi32>,
    %div3A_899 = arith.constant 32768 : i32
    %div3A_900 = vector.broadcast %div3A_899 : i32 to vector<16xi32>
    %div3A_901 = arith.divsi %get3A_898, %div3A_900 : vector<16xi32>
    %mul3A_902 = arith.constant 32768 : i32
    %mul3A_903 = vector.broadcast %mul3A_902 : i32 to vector<16xi32>
    %mul3A_904 = arith.muli %div3A_901, %mul3A_903 : vector<16xi32>
    %rem3A_905 = arith.constant 8192 : i32
    %rem3A_906 = vector.broadcast %rem3A_905 : i32 to vector<16xi32>
    %rem3A_907 = arith.remsi %get3A_898, %rem3A_906 : vector<16xi32>
    %mul3A_908 = arith.constant 4 : i32
    %mul3A_909 = vector.broadcast %mul3A_908 : i32 to vector<16xi32>
    %mul3A_910 = arith.muli %rem3A_907, %mul3A_909 : vector<16xi32>
    %add3A_911 = arith.addi %mul3A_904, %mul3A_910 : vector<16xi32>
    %div3A_912 = arith.constant 8192 : i32
    %div3A_913 = vector.broadcast %div3A_912 : i32 to vector<16xi32>
    %div3A_914 = arith.divsi %get3A_898, %div3A_913 : vector<16xi32>
    %rem3A_915 = arith.constant 4 : i32
    %rem3A_916 = vector.broadcast %rem3A_915 : i32 to vector<16xi32>
    %rem3A_917 = arith.remsi %div3A_914, %rem3A_916 : vector<16xi32>
    %add3A_918 = arith.addi %add3A_911, %rem3A_917 : vector<16xi32>
    %swap3A_919 = arith.constant 2 : i32
    %swap3A_920 = arith.index_cast %swap3A_919 : i32 to index
    %swap3A_921 = arith.constant 0 : index
    %swap3A_922 = tpu.vector_load %arg13[%swap3A_920, %swap3A_921] {strides = array<i32>} : memref<4x128xi32, #tpu.memory_space<vmem>>, vector<16xi32>,
    tpu.vector_store %arg13[%swap3A_920, %swap3A_921], %add3A_918 {strides = array<i32>} : memref<4x128xi32, #tpu.memory_space<vmem>>, vector<16xi32>,
    %get3A_923 = arith.constant 2 : i32
    %get3A_924 = arith.index_cast %get3A_923 : i32 to index
    %get3A_925 = arith.constant 0 : index
    %get3A_926 = tpu.vector_load %arg12[%get3A_924, %get3A_925] {strides = array<i32>} : memref<4x128xi32, #tpu.memory_space<vmem>>, vector<16xi32>,
    %div3A_927 = arith.constant 32768 : i32
    %div3A_928 = vector.broadcast %div3A_927 : i32 to vector<16xi32>
    %div3A_929 = arith.divsi %get3A_926, %div3A_928 : vector<16xi32>
    %mul3A_930 = arith.constant 32768 : i32
    %mul3A_931 = vector.broadcast %mul3A_930 : i32 to vector<16xi32>
    %mul3A_932 = arith.muli %div3A_929, %mul3A_931 : vector<16xi32>
    %rem3A_933 = arith.constant 8192 : i32
    %rem3A_934 = vector.broadcast %rem3A_933 : i32 to vector<16xi32>
    %rem3A_935 = arith.remsi %get3A_926, %rem3A_934 : vector<16xi32>
    %mul3A_936 = arith.constant 4 : i32
    %mul3A_937 = vector.broadcast %mul3A_936 : i32 to vector<16xi32>
    %mul3A_938 = arith.muli %rem3A_935, %mul3A_937 : vector<16xi32>
    %add3A_939 = arith.addi %mul3A_932, %mul3A_938 : vector<16xi32>
    %div3A_940 = arith.constant 8192 : i32
    %div3A_941 = vector.broadcast %div3A_940 : i32 to vector<16xi32>
    %div3A_942 = arith.divsi %get3A_926, %div3A_941 : vector<16xi32>
    %rem3A_943 = arith.constant 4 : i32
    %rem3A_944 = vector.broadcast %rem3A_943 : i32 to vector<16xi32>
    %rem3A_945 = arith.remsi %div3A_942, %rem3A_944 : vector<16xi32>
    %add3A_946 = arith.addi %add3A_939, %rem3A_945 : vector<16xi32>
    %swap3A_947 = arith.constant 2 : i32
    %swap3A_948 = arith.index_cast %swap3A_947 : i32 to index
    %swap3A_949 = arith.constant 0 : index
    %swap3A_950 = tpu.vector_load %arg14[%swap3A_948, %swap3A_949] {strides = array<i32>} : memref<4x128xi32, #tpu.memory_space<vmem>>, vector<16xi32>,
    tpu.vector_store %arg14[%swap3A_948, %swap3A_949], %add3A_946 {strides = array<i32>} : memref<4x128xi32, #tpu.memory_space<vmem>>, vector<16xi32>,
    %get3A_951 = arith.constant 2 : i32
    %get3A_952 = arith.index_cast %get3A_951 : i32 to index
    %get3A_953 = arith.constant 16 : index
    %get3A_954 = tpu.vector_load %arg11[%get3A_952, %get3A_953] {strides = array<i32>} : memref<4x128xi32, #tpu.memory_space<vmem>>, vector<16xi32>,
    %div3A_955 = arith.constant 32768 : i32
    %div3A_956 = vector.broadcast %div3A_955 : i32 to vector<16xi32>
    %div3A_957 = arith.divsi %get3A_954, %div3A_956 : vector<16xi32>
    %mul3A_958 = arith.constant 32768 : i32
    %mul3A_959 = vector.broadcast %mul3A_958 : i32 to vector<16xi32>
    %mul3A_960 = arith.muli %div3A_957, %mul3A_959 : vector<16xi32>
    %rem3A_961 = arith.constant 8192 : i32
    %rem3A_962 = vector.broadcast %rem3A_961 : i32 to vector<16xi32>
    %rem3A_963 = arith.remsi %get3A_954, %rem3A_962 : vector<16xi32>
    %mul3A_964 = arith.constant 4 : i32
    %mul3A_965 = vector.broadcast %mul3A_964 : i32 to vector<16xi32>
    %mul3A_966 = arith.muli %rem3A_963, %mul3A_965 : vector<16xi32>
    %add3A_967 = arith.addi %mul3A_960, %mul3A_966 : vector<16xi32>
    %div3A_968 = arith.constant 8192 : i32
    %div3A_969 = vector.broadcast %div3A_968 : i32 to vector<16xi32>
    %div3A_970 = arith.divsi %get3A_954, %div3A_969 : vector<16xi32>
    %rem3A_971 = arith.constant 4 : i32
    %rem3A_972 = vector.broadcast %rem3A_971 : i32 to vector<16xi32>
    %rem3A_973 = arith.remsi %div3A_970, %rem3A_972 : vector<16xi32>
    %add3A_974 = arith.addi %add3A_967, %rem3A_973 : vector<16xi32>
    %swap3A_975 = arith.constant 2 : i32
    %swap3A_976 = arith.index_cast %swap3A_975 : i32 to index
    %swap3A_977 = arith.constant 16 : index
    %swap3A_978 = tpu.vector_load %arg13[%swap3A_976, %swap3A_977] {strides = array<i32>} : memref<4x128xi32, #tpu.memory_space<vmem>>, vector<16xi32>,
    tpu.vector_store %arg13[%swap3A_976, %swap3A_977], %add3A_974 {strides = array<i32>} : memref<4x128xi32, #tpu.memory_space<vmem>>, vector<16xi32>,
    %get3A_979 = arith.constant 2 : i32
    %get3A_980 = arith.index_cast %get3A_979 : i32 to index
    %get3A_981 = arith.constant 16 : index
    %get3A_982 = tpu.vector_load %arg12[%get3A_980, %get3A_981] {strides = array<i32>} : memref<4x128xi32, #tpu.memory_space<vmem>>, vector<16xi32>,
    %div3A_983 = arith.constant 32768 : i32
    %div3A_984 = vector.broadcast %div3A_983 : i32 to vector<16xi32>
    %div3A_985 = arith.divsi %get3A_982, %div3A_984 : vector<16xi32>
    %mul3A_986 = arith.constant 32768 : i32
    %mul3A_987 = vector.broadcast %mul3A_986 : i32 to vector<16xi32>
    %mul3A_988 = arith.muli %div3A_985, %mul3A_987 : vector<16xi32>
    %rem3A_989 = arith.constant 8192 : i32
    %rem3A_990 = vector.broadcast %rem3A_989 : i32 to vector<16xi32>
    %rem3A_991 = arith.remsi %get3A_982, %rem3A_990 : vector<16xi32>
    %mul3A_992 = arith.constant 4 : i32
    %mul3A_993 = vector.broadcast %mul3A_992 : i32 to vector<16xi32>
    %mul3A_994 = arith.muli %rem3A_991, %mul3A_993 : vector<16xi32>
    %add3A_995 = arith.addi %mul3A_988, %mul3A_994 : vector<16xi32>
    %div3A_996 = arith.constant 8192 : i32
    %div3A_997 = vector.broadcast %div3A_996 : i32 to vector<16xi32>
    %div3A_998 = arith.divsi %get3A_982, %div3A_997 : vector<16xi32>
    %rem3A_999 = arith.constant 4 : i32
    %rem3A_1000 = vector.broadcast %rem3A_999 : i32 to vector<16xi32>
    %rem3A_1001 = arith.remsi %div3A_998, %rem3A_1000 : vector<16xi32>
    %add3A_1002 = arith.addi %add3A_995, %rem3A_1001 : vector<16xi32>
    %swap3A_1003 = arith.constant 2 : i32
    %swap3A_1004 = arith.index_cast %swap3A_1003 : i32 to index
    %swap3A_1005 = arith.constant 16 : index
    %swap3A_1006 = tpu.vector_load %arg14[%swap3A_1004, %swap3A_1005] {strides = array<i32>} : memref<4x128xi32, #tpu.memory_space<vmem>>, vector<16xi32>,
    tpu.vector_store %arg14[%swap3A_1004, %swap3A_1005], %add3A_1002 {strides = array<i32>} : memref<4x128xi32, #tpu.memory_space<vmem>>, vector<16xi32>,
    %get3A_1007 = arith.constant 2 : i32
    %get3A_1008 = arith.index_cast %get3A_1007 : i32 to index
    %get3A_1009 = arith.constant 32 : index
    %get3A_1010 = tpu.vector_load %arg11[%get3A_1008, %get3A_1009] {strides = array<i32>} : memref<4x128xi32, #tpu.memory_space<vmem>>, vector<16xi32>,
    %div3A_1011 = arith.constant 32768 : i32
    %div3A_1012 = vector.broadcast %div3A_1011 : i32 to vector<16xi32>
    %div3A_1013 = arith.divsi %get3A_1010, %div3A_1012 : vector<16xi32>
    %mul3A_1014 = arith.constant 32768 : i32
    %mul3A_1015 = vector.broadcast %mul3A_1014 : i32 to vector<16xi32>
    %mul3A_1016 = arith.muli %div3A_1013, %mul3A_1015 : vector<16xi32>
    %rem3A_1017 = arith.constant 8192 : i32
    %rem3A_1018 = vector.broadcast %rem3A_1017 : i32 to vector<16xi32>
    %rem3A_1019 = arith.remsi %get3A_1010, %rem3A_1018 : vector<16xi32>
    %mul3A_1020 = arith.constant 4 : i32
    %mul3A_1021 = vector.broadcast %mul3A_1020 : i32 to vector<16xi32>
    %mul3A_1022 = arith.muli %rem3A_1019, %mul3A_1021 : vector<16xi32>
    %add3A_1023 = arith.addi %mul3A_1016, %mul3A_1022 : vector<16xi32>
    %div3A_1024 = arith.constant 8192 : i32
    %div3A_1025 = vector.broadcast %div3A_1024 : i32 to vector<16xi32>
    %div3A_1026 = arith.divsi %get3A_1010, %div3A_1025 : vector<16xi32>
    %rem3A_1027 = arith.constant 4 : i32
    %rem3A_1028 = vector.broadcast %rem3A_1027 : i32 to vector<16xi32>
    %rem3A_1029 = arith.remsi %div3A_1026, %rem3A_1028 : vector<16xi32>
    %add3A_1030 = arith.addi %add3A_1023, %rem3A_1029 : vector<16xi32>
    %swap3A_1031 = arith.constant 2 : i32
    %swap3A_1032 = arith.index_cast %swap3A_1031 : i32 to index
    %swap3A_1033 = arith.constant 32 : index
    %swap3A_1034 = tpu.vector_load %arg13[%swap3A_1032, %swap3A_1033] {strides = array<i32>} : memref<4x128xi32, #tpu.memory_space<vmem>>, vector<16xi32>,
    tpu.vector_store %arg13[%swap3A_1032, %swap3A_1033], %add3A_1030 {strides = array<i32>} : memref<4x128xi32, #tpu.memory_space<vmem>>, vector<16xi32>,
    %get3A_1035 = arith.constant 2 : i32
    %get3A_1036 = arith.index_cast %get3A_1035 : i32 to index
    %get3A_1037 = arith.constant 32 : index
    %get3A_1038 = tpu.vector_load %arg12[%get3A_1036, %get3A_1037] {strides = array<i32>} : memref<4x128xi32, #tpu.memory_space<vmem>>, vector<16xi32>,
    %div3A_1039 = arith.constant 32768 : i32
    %div3A_1040 = vector.broadcast %div3A_1039 : i32 to vector<16xi32>
    %div3A_1041 = arith.divsi %get3A_1038, %div3A_1040 : vector<16xi32>
    %mul3A_1042 = arith.constant 32768 : i32
    %mul3A_1043 = vector.broadcast %mul3A_1042 : i32 to vector<16xi32>
    %mul3A_1044 = arith.muli %div3A_1041, %mul3A_1043 : vector<16xi32>
    %rem3A_1045 = arith.constant 8192 : i32
    %rem3A_1046 = vector.broadcast %rem3A_1045 : i32 to vector<16xi32>
    %rem3A_1047 = arith.remsi %get3A_1038, %rem3A_1046 : vector<16xi32>
    %mul3A_1048 = arith.constant 4 : i32
    %mul3A_1049 = vector.broadcast %mul3A_1048 : i32 to vector<16xi32>
    %mul3A_1050 = arith.muli %rem3A_1047, %mul3A_1049 : vector<16xi32>
    %add3A_1051 = arith.addi %mul3A_1044, %mul3A_1050 : vector<16xi32>
    %div3A_1052 = arith.constant 8192 : i32
    %div3A_1053 = vector.broadcast %div3A_1052 : i32 to vector<16xi32>
    %div3A_1054 = arith.divsi %get3A_1038, %div3A_1053 : vector<16xi32>
    %rem3A_1055 = arith.constant 4 : i32
    %rem3A_1056 = vector.broadcast %rem3A_1055 : i32 to vector<16xi32>
    %rem3A_1057 = arith.remsi %div3A_1054, %rem3A_1056 : vector<16xi32>
    %add3A_1058 = arith.addi %add3A_1051, %rem3A_1057 : vector<16xi32>
    %swap3A_1059 = arith.constant 2 : i32
    %swap3A_1060 = arith.index_cast %swap3A_1059 : i32 to index
    %swap3A_1061 = arith.constant 32 : index
    %swap3A_1062 = tpu.vector_load %arg14[%swap3A_1060, %swap3A_1061] {strides = array<i32>} : memref<4x128xi32, #tpu.memory_space<vmem>>, vector<16xi32>,
    tpu.vector_store %arg14[%swap3A_1060, %swap3A_1061], %add3A_1058 {strides = array<i32>} : memref<4x128xi32, #tpu.memory_space<vmem>>, vector<16xi32>,
    %get3A_1063 = arith.constant 2 : i32
    %get3A_1064 = arith.index_cast %get3A_1063 : i32 to index
    %get3A_1065 = arith.constant 48 : index
    %get3A_1066 = tpu.vector_load %arg11[%get3A_1064, %get3A_1065] {strides = array<i32>} : memref<4x128xi32, #tpu.memory_space<vmem>>, vector<16xi32>,
    %div3A_1067 = arith.constant 32768 : i32
    %div3A_1068 = vector.broadcast %div3A_1067 : i32 to vector<16xi32>
    %div3A_1069 = arith.divsi %get3A_1066, %div3A_1068 : vector<16xi32>
    %mul3A_1070 = arith.constant 32768 : i32
    %mul3A_1071 = vector.broadcast %mul3A_1070 : i32 to vector<16xi32>
    %mul3A_1072 = arith.muli %div3A_1069, %mul3A_1071 : vector<16xi32>
    %rem3A_1073 = arith.constant 8192 : i32
    %rem3A_1074 = vector.broadcast %rem3A_1073 : i32 to vector<16xi32>
    %rem3A_1075 = arith.remsi %get3A_1066, %rem3A_1074 : vector<16xi32>
    %mul3A_1076 = arith.constant 4 : i32
    %mul3A_1077 = vector.broadcast %mul3A_1076 : i32 to vector<16xi32>
    %mul3A_1078 = arith.muli %rem3A_1075, %mul3A_1077 : vector<16xi32>
    %add3A_1079 = arith.addi %mul3A_1072, %mul3A_1078 : vector<16xi32>
    %div3A_1080 = arith.constant 8192 : i32
    %div3A_1081 = vector.broadcast %div3A_1080 : i32 to vector<16xi32>
    %div3A_1082 = arith.divsi %get3A_1066, %div3A_1081 : vector<16xi32>
    %rem3A_1083 = arith.constant 4 : i32
    %rem3A_1084 = vector.broadcast %rem3A_1083 : i32 to vector<16xi32>
    %rem3A_1085 = arith.remsi %div3A_1082, %rem3A_1084 : vector<16xi32>
    %add3A_1086 = arith.addi %add3A_1079, %rem3A_1085 : vector<16xi32>
    %swap3A_1087 = arith.constant 2 : i32
    %swap3A_1088 = arith.index_cast %swap3A_1087 : i32 to index
    %swap3A_1089 = arith.constant 48 : index
    %swap3A_1090 = tpu.vector_load %arg13[%swap3A_1088, %swap3A_1089] {strides = array<i32>} : memref<4x128xi32, #tpu.memory_space<vmem>>, vector<16xi32>,
    tpu.vector_store %arg13[%swap3A_1088, %swap3A_1089], %add3A_1086 {strides = array<i32>} : memref<4x128xi32, #tpu.memory_space<vmem>>, vector<16xi32>,
    %get3A_1091 = arith.constant 2 : i32
    %get3A_1092 = arith.index_cast %get3A_1091 : i32 to index
    %get3A_1093 = arith.constant 48 : index
    %get3A_1094 = tpu.vector_load %arg12[%get3A_1092, %get3A_1093] {strides = array<i32>} : memref<4x128xi32, #tpu.memory_space<vmem>>, vector<16xi32>,
    %div3A_1095 = arith.constant 32768 : i32
    %div3A_1096 = vector.broadcast %div3A_1095 : i32 to vector<16xi32>
    %div3A_1097 = arith.divsi %get3A_1094, %div3A_1096 : vector<16xi32>
    %mul3A_1098 = arith.constant 32768 : i32
    %mul3A_1099 = vector.broadcast %mul3A_1098 : i32 to vector<16xi32>
    %mul3A_1100 = arith.muli %div3A_1097, %mul3A_1099 : vector<16xi32>
    %rem3A_1101 = arith.constant 8192 : i32
    %rem3A_1102 = vector.broadcast %rem3A_1101 : i32 to vector<16xi32>
    %rem3A_1103 = arith.remsi %get3A_1094, %rem3A_1102 : vector<16xi32>
    %mul3A_1104 = arith.constant 4 : i32
    %mul3A_1105 = vector.broadcast %mul3A_1104 : i32 to vector<16xi32>
    %mul3A_1106 = arith.muli %rem3A_1103, %mul3A_1105 : vector<16xi32>
    %add3A_1107 = arith.addi %mul3A_1100, %mul3A_1106 : vector<16xi32>
    %div3A_1108 = arith.constant 8192 : i32
    %div3A_1109 = vector.broadcast %div3A_1108 : i32 to vector<16xi32>
    %div3A_1110 = arith.divsi %get3A_1094, %div3A_1109 : vector<16xi32>
    %rem3A_1111 = arith.constant 4 : i32
    %rem3A_1112 = vector.broadcast %rem3A_1111 : i32 to vector<16xi32>
    %rem3A_1113 = arith.remsi %div3A_1110, %rem3A_1112 : vector<16xi32>
    %add3A_1114 = arith.addi %add3A_1107, %rem3A_1113 : vector<16xi32>
    %swap3A_1115 = arith.constant 2 : i32
    %swap3A_1116 = arith.index_cast %swap3A_1115 : i32 to index
    %swap3A_1117 = arith.constant 48 : index
    %swap3A_1118 = tpu.vector_load %arg14[%swap3A_1116, %swap3A_1117] {strides = array<i32>} : memref<4x128xi32, #tpu.memory_space<vmem>>, vector<16xi32>,
    tpu.vector_store %arg14[%swap3A_1116, %swap3A_1117], %add3A_1114 {strides = array<i32>} : memref<4x128xi32, #tpu.memory_space<vmem>>, vector<16xi32>,
    %get3A_1119 = arith.constant 2 : i32
    %get3A_1120 = arith.index_cast %get3A_1119 : i32 to index
    %get3A_1121 = arith.constant 64 : index
    %get3A_1122 = tpu.vector_load %arg11[%get3A_1120, %get3A_1121] {strides = array<i32>} : memref<4x128xi32, #tpu.memory_space<vmem>>, vector<16xi32>,
    %div3A_1123 = arith.constant 32768 : i32
    %div3A_1124 = vector.broadcast %div3A_1123 : i32 to vector<16xi32>
    %div3A_1125 = arith.divsi %get3A_1122, %div3A_1124 : vector<16xi32>
    %mul3A_1126 = arith.constant 32768 : i32
    %mul3A_1127 = vector.broadcast %mul3A_1126 : i32 to vector<16xi32>
    %mul3A_1128 = arith.muli %div3A_1125, %mul3A_1127 : vector<16xi32>
    %rem3A_1129 = arith.constant 8192 : i32
    %rem3A_1130 = vector.broadcast %rem3A_1129 : i32 to vector<16xi32>
    %rem3A_1131 = arith.remsi %get3A_1122, %rem3A_1130 : vector<16xi32>
    %mul3A_1132 = arith.constant 4 : i32
    %mul3A_1133 = vector.broadcast %mul3A_1132 : i32 to vector<16xi32>
    %mul3A_1134 = arith.muli %rem3A_1131, %mul3A_1133 : vector<16xi32>
    %add3A_1135 = arith.addi %mul3A_1128, %mul3A_1134 : vector<16xi32>
    %div3A_1136 = arith.constant 8192 : i32
    %div3A_1137 = vector.broadcast %div3A_1136 : i32 to vector<16xi32>
    %div3A_1138 = arith.divsi %get3A_1122, %div3A_1137 : vector<16xi32>
    %rem3A_1139 = arith.constant 4 : i32
    %rem3A_1140 = vector.broadcast %rem3A_1139 : i32 to vector<16xi32>
    %rem3A_1141 = arith.remsi %div3A_1138, %rem3A_1140 : vector<16xi32>
    %add3A_1142 = arith.addi %add3A_1135, %rem3A_1141 : vector<16xi32>
    %swap3A_1143 = arith.constant 2 : i32
    %swap3A_1144 = arith.index_cast %swap3A_1143 : i32 to index
    %swap3A_1145 = arith.constant 64 : index
    %swap3A_1146 = tpu.vector_load %arg13[%swap3A_1144, %swap3A_1145] {strides = array<i32>} : memref<4x128xi32, #tpu.memory_space<vmem>>, vector<16xi32>,
    tpu.vector_store %arg13[%swap3A_1144, %swap3A_1145], %add3A_1142 {strides = array<i32>} : memref<4x128xi32, #tpu.memory_space<vmem>>, vector<16xi32>,
    %get3A_1147 = arith.constant 2 : i32
    %get3A_1148 = arith.index_cast %get3A_1147 : i32 to index
    %get3A_1149 = arith.constant 64 : index
    %get3A_1150 = tpu.vector_load %arg12[%get3A_1148, %get3A_1149] {strides = array<i32>} : memref<4x128xi32, #tpu.memory_space<vmem>>, vector<16xi32>,
    %div3A_1151 = arith.constant 32768 : i32
    %div3A_1152 = vector.broadcast %div3A_1151 : i32 to vector<16xi32>
    %div3A_1153 = arith.divsi %get3A_1150, %div3A_1152 : vector<16xi32>
    %mul3A_1154 = arith.constant 32768 : i32
    %mul3A_1155 = vector.broadcast %mul3A_1154 : i32 to vector<16xi32>
    %mul3A_1156 = arith.muli %div3A_1153, %mul3A_1155 : vector<16xi32>
    %rem3A_1157 = arith.constant 8192 : i32
    %rem3A_1158 = vector.broadcast %rem3A_1157 : i32 to vector<16xi32>
    %rem3A_1159 = arith.remsi %get3A_1150, %rem3A_1158 : vector<16xi32>
    %mul3A_1160 = arith.constant 4 : i32
    %mul3A_1161 = vector.broadcast %mul3A_1160 : i32 to vector<16xi32>
    %mul3A_1162 = arith.muli %rem3A_1159, %mul3A_1161 : vector<16xi32>
    %add3A_1163 = arith.addi %mul3A_1156, %mul3A_1162 : vector<16xi32>
    %div3A_1164 = arith.constant 8192 : i32
    %div3A_1165 = vector.broadcast %div3A_1164 : i32 to vector<16xi32>
    %div3A_1166 = arith.divsi %get3A_1150, %div3A_1165 : vector<16xi32>
    %rem3A_1167 = arith.constant 4 : i32
    %rem3A_1168 = vector.broadcast %rem3A_1167 : i32 to vector<16xi32>
    %rem3A_1169 = arith.remsi %div3A_1166, %rem3A_1168 : vector<16xi32>
    %add3A_1170 = arith.addi %add3A_1163, %rem3A_1169 : vector<16xi32>
    %swap3A_1171 = arith.constant 2 : i32
    %swap3A_1172 = arith.index_cast %swap3A_1171 : i32 to index
    %swap3A_1173 = arith.constant 64 : index
    %swap3A_1174 = tpu.vector_load %arg14[%swap3A_1172, %swap3A_1173] {strides = array<i32>} : memref<4x128xi32, #tpu.memory_space<vmem>>, vector<16xi32>,
    tpu.vector_store %arg14[%swap3A_1172, %swap3A_1173], %add3A_1170 {strides = array<i32>} : memref<4x128xi32, #tpu.memory_space<vmem>>, vector<16xi32>,
    %get3A_1175 = arith.constant 2 : i32
    %get3A_1176 = arith.index_cast %get3A_1175 : i32 to index
    %get3A_1177 = arith.constant 80 : index
    %get3A_1178 = tpu.vector_load %arg11[%get3A_1176, %get3A_1177] {strides = array<i32>} : memref<4x128xi32, #tpu.memory_space<vmem>>, vector<16xi32>,
    %div3A_1179 = arith.constant 32768 : i32
    %div3A_1180 = vector.broadcast %div3A_1179 : i32 to vector<16xi32>
    %div3A_1181 = arith.divsi %get3A_1178, %div3A_1180 : vector<16xi32>
    %mul3A_1182 = arith.constant 32768 : i32
    %mul3A_1183 = vector.broadcast %mul3A_1182 : i32 to vector<16xi32>
    %mul3A_1184 = arith.muli %div3A_1181, %mul3A_1183 : vector<16xi32>
    %rem3A_1185 = arith.constant 8192 : i32
    %rem3A_1186 = vector.broadcast %rem3A_1185 : i32 to vector<16xi32>
    %rem3A_1187 = arith.remsi %get3A_1178, %rem3A_1186 : vector<16xi32>
    %mul3A_1188 = arith.constant 4 : i32
    %mul3A_1189 = vector.broadcast %mul3A_1188 : i32 to vector<16xi32>
    %mul3A_1190 = arith.muli %rem3A_1187, %mul3A_1189 : vector<16xi32>
    %add3A_1191 = arith.addi %mul3A_1184, %mul3A_1190 : vector<16xi32>
    %div3A_1192 = arith.constant 8192 : i32
    %div3A_1193 = vector.broadcast %div3A_1192 : i32 to vector<16xi32>
    %div3A_1194 = arith.divsi %get3A_1178, %div3A_1193 : vector<16xi32>
    %rem3A_1195 = arith.constant 4 : i32
    %rem3A_1196 = vector.broadcast %rem3A_1195 : i32 to vector<16xi32>
    %rem3A_1197 = arith.remsi %div3A_1194, %rem3A_1196 : vector<16xi32>
    %add3A_1198 = arith.addi %add3A_1191, %rem3A_1197 : vector<16xi32>
    %swap3A_1199 = arith.constant 2 : i32
    %swap3A_1200 = arith.index_cast %swap3A_1199 : i32 to index
    %swap3A_1201 = arith.constant 80 : index
    %swap3A_1202 = tpu.vector_load %arg13[%swap3A_1200, %swap3A_1201] {strides = array<i32>} : memref<4x128xi32, #tpu.memory_space<vmem>>, vector<16xi32>,
    tpu.vector_store %arg13[%swap3A_1200, %swap3A_1201], %add3A_1198 {strides = array<i32>} : memref<4x128xi32, #tpu.memory_space<vmem>>, vector<16xi32>,
    %get3A_1203 = arith.constant 2 : i32
    %get3A_1204 = arith.index_cast %get3A_1203 : i32 to index
    %get3A_1205 = arith.constant 80 : index
    %get3A_1206 = tpu.vector_load %arg12[%get3A_1204, %get3A_1205] {strides = array<i32>} : memref<4x128xi32, #tpu.memory_space<vmem>>, vector<16xi32>,
    %div3A_1207 = arith.constant 32768 : i32
    %div3A_1208 = vector.broadcast %div3A_1207 : i32 to vector<16xi32>
    %div3A_1209 = arith.divsi %get3A_1206, %div3A_1208 : vector<16xi32>
    %mul3A_1210 = arith.constant 32768 : i32
    %mul3A_1211 = vector.broadcast %mul3A_1210 : i32 to vector<16xi32>
    %mul3A_1212 = arith.muli %div3A_1209, %mul3A_1211 : vector<16xi32>
    %rem3A_1213 = arith.constant 8192 : i32
    %rem3A_1214 = vector.broadcast %rem3A_1213 : i32 to vector<16xi32>
    %rem3A_1215 = arith.remsi %get3A_1206, %rem3A_1214 : vector<16xi32>
    %mul3A_1216 = arith.constant 4 : i32
    %mul3A_1217 = vector.broadcast %mul3A_1216 : i32 to vector<16xi32>
    %mul3A_1218 = arith.muli %rem3A_1215, %mul3A_1217 : vector<16xi32>
    %add3A_1219 = arith.addi %mul3A_1212, %mul3A_1218 : vector<16xi32>
    %div3A_1220 = arith.constant 8192 : i32
    %div3A_1221 = vector.broadcast %div3A_1220 : i32 to vector<16xi32>
    %div3A_1222 = arith.divsi %get3A_1206, %div3A_1221 : vector<16xi32>
    %rem3A_1223 = arith.constant 4 : i32
    %rem3A_1224 = vector.broadcast %rem3A_1223 : i32 to vector<16xi32>
    %rem3A_1225 = arith.remsi %div3A_1222, %rem3A_1224 : vector<16xi32>
    %add3A_1226 = arith.addi %add3A_1219, %rem3A_1225 : vector<16xi32>
    %swap3A_1227 = arith.constant 2 : i32
    %swap3A_1228 = arith.index_cast %swap3A_1227 : i32 to index
    %swap3A_1229 = arith.constant 80 : index
    %swap3A_1230 = tpu.vector_load %arg14[%swap3A_1228, %swap3A_1229] {strides = array<i32>} : memref<4x128xi32, #tpu.memory_space<vmem>>, vector<16xi32>,
    tpu.vector_store %arg14[%swap3A_1228, %swap3A_1229], %add3A_1226 {strides = array<i32>} : memref<4x128xi32, #tpu.memory_space<vmem>>, vector<16xi32>,
    %get3A_1231 = arith.constant 2 : i32
    %get3A_1232 = arith.index_cast %get3A_1231 : i32 to index
    %get3A_1233 = arith.constant 96 : index
    %get3A_1234 = tpu.vector_load %arg11[%get3A_1232, %get3A_1233] {strides = array<i32>} : memref<4x128xi32, #tpu.memory_space<vmem>>, vector<16xi32>,
    %div3A_1235 = arith.constant 32768 : i32
    %div3A_1236 = vector.broadcast %div3A_1235 : i32 to vector<16xi32>
    %div3A_1237 = arith.divsi %get3A_1234, %div3A_1236 : vector<16xi32>
    %mul3A_1238 = arith.constant 32768 : i32
    %mul3A_1239 = vector.broadcast %mul3A_1238 : i32 to vector<16xi32>
    %mul3A_1240 = arith.muli %div3A_1237, %mul3A_1239 : vector<16xi32>
    %rem3A_1241 = arith.constant 8192 : i32
    %rem3A_1242 = vector.broadcast %rem3A_1241 : i32 to vector<16xi32>
    %rem3A_1243 = arith.remsi %get3A_1234, %rem3A_1242 : vector<16xi32>
    %mul3A_1244 = arith.constant 4 : i32
    %mul3A_1245 = vector.broadcast %mul3A_1244 : i32 to vector<16xi32>
    %mul3A_1246 = arith.muli %rem3A_1243, %mul3A_1245 : vector<16xi32>
    %add3A_1247 = arith.addi %mul3A_1240, %mul3A_1246 : vector<16xi32>
    %div3A_1248 = arith.constant 8192 : i32
    %div3A_1249 = vector.broadcast %div3A_1248 : i32 to vector<16xi32>
    %div3A_1250 = arith.divsi %get3A_1234, %div3A_1249 : vector<16xi32>
    %rem3A_1251 = arith.constant 4 : i32
    %rem3A_1252 = vector.broadcast %rem3A_1251 : i32 to vector<16xi32>
    %rem3A_1253 = arith.remsi %div3A_1250, %rem3A_1252 : vector<16xi32>
    %add3A_1254 = arith.addi %add3A_1247, %rem3A_1253 : vector<16xi32>
    %swap3A_1255 = arith.constant 2 : i32
    %swap3A_1256 = arith.index_cast %swap3A_1255 : i32 to index
    %swap3A_1257 = arith.constant 96 : index
    %swap3A_1258 = tpu.vector_load %arg13[%swap3A_1256, %swap3A_1257] {strides = array<i32>} : memref<4x128xi32, #tpu.memory_space<vmem>>, vector<16xi32>,
    tpu.vector_store %arg13[%swap3A_1256, %swap3A_1257], %add3A_1254 {strides = array<i32>} : memref<4x128xi32, #tpu.memory_space<vmem>>, vector<16xi32>,
    %get3A_1259 = arith.constant 2 : i32
    %get3A_1260 = arith.index_cast %get3A_1259 : i32 to index
    %get3A_1261 = arith.constant 96 : index
    %get3A_1262 = tpu.vector_load %arg12[%get3A_1260, %get3A_1261] {strides = array<i32>} : memref<4x128xi32, #tpu.memory_space<vmem>>, vector<16xi32>,
    %div3A_1263 = arith.constant 32768 : i32
    %div3A_1264 = vector.broadcast %div3A_1263 : i32 to vector<16xi32>
    %div3A_1265 = arith.divsi %get3A_1262, %div3A_1264 : vector<16xi32>
    %mul3A_1266 = arith.constant 32768 : i32
    %mul3A_1267 = vector.broadcast %mul3A_1266 : i32 to vector<16xi32>
    %mul3A_1268 = arith.muli %div3A_1265, %mul3A_1267 : vector<16xi32>
    %rem3A_1269 = arith.constant 8192 : i32
    %rem3A_1270 = vector.broadcast %rem3A_1269 : i32 to vector<16xi32>
    %rem3A_1271 = arith.remsi %get3A_1262, %rem3A_1270 : vector<16xi32>
    %mul3A_1272 = arith.constant 4 : i32
    %mul3A_1273 = vector.broadcast %mul3A_1272 : i32 to vector<16xi32>
    %mul3A_1274 = arith.muli %rem3A_1271, %mul3A_1273 : vector<16xi32>
    %add3A_1275 = arith.addi %mul3A_1268, %mul3A_1274 : vector<16xi32>
    %div3A_1276 = arith.constant 8192 : i32
    %div3A_1277 = vector.broadcast %div3A_1276 : i32 to vector<16xi32>
    %div3A_1278 = arith.divsi %get3A_1262, %div3A_1277 : vector<16xi32>
    %rem3A_1279 = arith.constant 4 : i32
    %rem3A_1280 = vector.broadcast %rem3A_1279 : i32 to vector<16xi32>
    %rem3A_1281 = arith.remsi %div3A_1278, %rem3A_1280 : vector<16xi32>
    %add3A_1282 = arith.addi %add3A_1275, %rem3A_1281 : vector<16xi32>
    %swap3A_1283 = arith.constant 2 : i32
    %swap3A_1284 = arith.index_cast %swap3A_1283 : i32 to index
    %swap3A_1285 = arith.constant 96 : index
    %swap3A_1286 = tpu.vector_load %arg14[%swap3A_1284, %swap3A_1285] {strides = array<i32>} : memref<4x128xi32, #tpu.memory_space<vmem>>, vector<16xi32>,
    tpu.vector_store %arg14[%swap3A_1284, %swap3A_1285], %add3A_1282 {strides = array<i32>} : memref<4x128xi32, #tpu.memory_space<vmem>>, vector<16xi32>,
    %get3A_1287 = arith.constant 2 : i32
    %get3A_1288 = arith.index_cast %get3A_1287 : i32 to index
    %get3A_1289 = arith.constant 112 : index
    %get3A_1290 = tpu.vector_load %arg11[%get3A_1288, %get3A_1289] {strides = array<i32>} : memref<4x128xi32, #tpu.memory_space<vmem>>, vector<16xi32>,
    %div3A_1291 = arith.constant 32768 : i32
    %div3A_1292 = vector.broadcast %div3A_1291 : i32 to vector<16xi32>
    %div3A_1293 = arith.divsi %get3A_1290, %div3A_1292 : vector<16xi32>
    %mul3A_1294 = arith.constant 32768 : i32
    %mul3A_1295 = vector.broadcast %mul3A_1294 : i32 to vector<16xi32>
    %mul3A_1296 = arith.muli %div3A_1293, %mul3A_1295 : vector<16xi32>
    %rem3A_1297 = arith.constant 8192 : i32
    %rem3A_1298 = vector.broadcast %rem3A_1297 : i32 to vector<16xi32>
    %rem3A_1299 = arith.remsi %get3A_1290, %rem3A_1298 : vector<16xi32>
    %mul3A_1300 = arith.constant 4 : i32
    %mul3A_1301 = vector.broadcast %mul3A_1300 : i32 to vector<16xi32>
    %mul3A_1302 = arith.muli %rem3A_1299, %mul3A_1301 : vector<16xi32>
    %add3A_1303 = arith.addi %mul3A_1296, %mul3A_1302 : vector<16xi32>
    %div3A_1304 = arith.constant 8192 : i32
    %div3A_1305 = vector.broadcast %div3A_1304 : i32 to vector<16xi32>
    %div3A_1306 = arith.divsi %get3A_1290, %div3A_1305 : vector<16xi32>
    %rem3A_1307 = arith.constant 4 : i32
    %rem3A_1308 = vector.broadcast %rem3A_1307 : i32 to vector<16xi32>
    %rem3A_1309 = arith.remsi %div3A_1306, %rem3A_1308 : vector<16xi32>
    %add3A_1310 = arith.addi %add3A_1303, %rem3A_1309 : vector<16xi32>
    %swap3A_1311 = arith.constant 2 : i32
    %swap3A_1312 = arith.index_cast %swap3A_1311 : i32 to index
    %swap3A_1313 = arith.constant 112 : index
    %swap3A_1314 = tpu.vector_load %arg13[%swap3A_1312, %swap3A_1313] {strides = array<i32>} : memref<4x128xi32, #tpu.memory_space<vmem>>, vector<16xi32>,
    tpu.vector_store %arg13[%swap3A_1312, %swap3A_1313], %add3A_1310 {strides = array<i32>} : memref<4x128xi32, #tpu.memory_space<vmem>>, vector<16xi32>,
    %get3A_1315 = arith.constant 2 : i32
    %get3A_1316 = arith.index_cast %get3A_1315 : i32 to index
    %get3A_1317 = arith.constant 112 : index
    %get3A_1318 = tpu.vector_load %arg12[%get3A_1316, %get3A_1317] {strides = array<i32>} : memref<4x128xi32, #tpu.memory_space<vmem>>, vector<16xi32>,
    %div3A_1319 = arith.constant 32768 : i32
    %div3A_1320 = vector.broadcast %div3A_1319 : i32 to vector<16xi32>
    %div3A_1321 = arith.divsi %get3A_1318, %div3A_1320 : vector<16xi32>
    %mul3A_1322 = arith.constant 32768 : i32
    %mul3A_1323 = vector.broadcast %mul3A_1322 : i32 to vector<16xi32>
    %mul3A_1324 = arith.muli %div3A_1321, %mul3A_1323 : vector<16xi32>
    %rem3A_1325 = arith.constant 8192 : i32
    %rem3A_1326 = vector.broadcast %rem3A_1325 : i32 to vector<16xi32>
    %rem3A_1327 = arith.remsi %get3A_1318, %rem3A_1326 : vector<16xi32>
    %mul3A_1328 = arith.constant 4 : i32
    %mul3A_1329 = vector.broadcast %mul3A_1328 : i32 to vector<16xi32>
    %mul3A_1330 = arith.muli %rem3A_1327, %mul3A_1329 : vector<16xi32>
    %add3A_1331 = arith.addi %mul3A_1324, %mul3A_1330 : vector<16xi32>
    %div3A_1332 = arith.constant 8192 : i32
    %div3A_1333 = vector.broadcast %div3A_1332 : i32 to vector<16xi32>
    %div3A_1334 = arith.divsi %get3A_1318, %div3A_1333 : vector<16xi32>
    %rem3A_1335 = arith.constant 4 : i32
    %rem3A_1336 = vector.broadcast %rem3A_1335 : i32 to vector<16xi32>
    %rem3A_1337 = arith.remsi %div3A_1334, %rem3A_1336 : vector<16xi32>
    %add3A_1338 = arith.addi %add3A_1331, %rem3A_1337 : vector<16xi32>
    %swap3A_1339 = arith.constant 2 : i32
    %swap3A_1340 = arith.index_cast %swap3A_1339 : i32 to index
    %swap3A_1341 = arith.constant 112 : index
    %swap3A_1342 = tpu.vector_load %arg14[%swap3A_1340, %swap3A_1341] {strides = array<i32>} : memref<4x128xi32, #tpu.memory_space<vmem>>, vector<16xi32>,
    tpu.vector_store %arg14[%swap3A_1340, %swap3A_1341], %add3A_1338 {strides = array<i32>} : memref<4x128xi32, #tpu.memory_space<vmem>>, vector<16xi32>,
    %get3A_1343 = arith.constant 3 : i32
    %get3A_1344 = arith.index_cast %get3A_1343 : i32 to index
    %get3A_1345 = arith.constant 0 : index
    %get3A_1346 = tpu.vector_load %arg11[%get3A_1344, %get3A_1345] {strides = array<i32>} : memref<4x128xi32, #tpu.memory_space<vmem>>, vector<16xi32>,
    %div3A_1347 = arith.constant 32768 : i32
    %div3A_1348 = vector.broadcast %div3A_1347 : i32 to vector<16xi32>
    %div3A_1349 = arith.divsi %get3A_1346, %div3A_1348 : vector<16xi32>
    %mul3A_1350 = arith.constant 32768 : i32
    %mul3A_1351 = vector.broadcast %mul3A_1350 : i32 to vector<16xi32>
    %mul3A_1352 = arith.muli %div3A_1349, %mul3A_1351 : vector<16xi32>
    %rem3A_1353 = arith.constant 8192 : i32
    %rem3A_1354 = vector.broadcast %rem3A_1353 : i32 to vector<16xi32>
    %rem3A_1355 = arith.remsi %get3A_1346, %rem3A_1354 : vector<16xi32>
    %mul3A_1356 = arith.constant 4 : i32
    %mul3A_1357 = vector.broadcast %mul3A_1356 : i32 to vector<16xi32>
    %mul3A_1358 = arith.muli %rem3A_1355, %mul3A_1357 : vector<16xi32>
    %add3A_1359 = arith.addi %mul3A_1352, %mul3A_1358 : vector<16xi32>
    %div3A_1360 = arith.constant 8192 : i32
    %div3A_1361 = vector.broadcast %div3A_1360 : i32 to vector<16xi32>
    %div3A_1362 = arith.divsi %get3A_1346, %div3A_1361 : vector<16xi32>
    %rem3A_1363 = arith.constant 4 : i32
    %rem3A_1364 = vector.broadcast %rem3A_1363 : i32 to vector<16xi32>
    %rem3A_1365 = arith.remsi %div3A_1362, %rem3A_1364 : vector<16xi32>
    %add3A_1366 = arith.addi %add3A_1359, %rem3A_1365 : vector<16xi32>
    %swap3A_1367 = arith.constant 3 : i32
    %swap3A_1368 = arith.index_cast %swap3A_1367 : i32 to index
    %swap3A_1369 = arith.constant 0 : index
    %swap3A_1370 = tpu.vector_load %arg13[%swap3A_1368, %swap3A_1369] {strides = array<i32>} : memref<4x128xi32, #tpu.memory_space<vmem>>, vector<16xi32>,
    tpu.vector_store %arg13[%swap3A_1368, %swap3A_1369], %add3A_1366 {strides = array<i32>} : memref<4x128xi32, #tpu.memory_space<vmem>>, vector<16xi32>,
    %get3A_1371 = arith.constant 3 : i32
    %get3A_1372 = arith.index_cast %get3A_1371 : i32 to index
    %get3A_1373 = arith.constant 0 : index
    %get3A_1374 = tpu.vector_load %arg12[%get3A_1372, %get3A_1373] {strides = array<i32>} : memref<4x128xi32, #tpu.memory_space<vmem>>, vector<16xi32>,
    %div3A_1375 = arith.constant 32768 : i32
    %div3A_1376 = vector.broadcast %div3A_1375 : i32 to vector<16xi32>
    %div3A_1377 = arith.divsi %get3A_1374, %div3A_1376 : vector<16xi32>
    %mul3A_1378 = arith.constant 32768 : i32
    %mul3A_1379 = vector.broadcast %mul3A_1378 : i32 to vector<16xi32>
    %mul3A_1380 = arith.muli %div3A_1377, %mul3A_1379 : vector<16xi32>
    %rem3A_1381 = arith.constant 8192 : i32
    %rem3A_1382 = vector.broadcast %rem3A_1381 : i32 to vector<16xi32>
    %rem3A_1383 = arith.remsi %get3A_1374, %rem3A_1382 : vector<16xi32>
    %mul3A_1384 = arith.constant 4 : i32
    %mul3A_1385 = vector.broadcast %mul3A_1384 : i32 to vector<16xi32>
    %mul3A_1386 = arith.muli %rem3A_1383, %mul3A_1385 : vector<16xi32>
    %add3A_1387 = arith.addi %mul3A_1380, %mul3A_1386 : vector<16xi32>
    %div3A_1388 = arith.constant 8192 : i32
    %div3A_1389 = vector.broadcast %div3A_1388 : i32 to vector<16xi32>
    %div3A_1390 = arith.divsi %get3A_1374, %div3A_1389 : vector<16xi32>
    %rem3A_1391 = arith.constant 4 : i32
    %rem3A_1392 = vector.broadcast %rem3A_1391 : i32 to vector<16xi32>
    %rem3A_1393 = arith.remsi %div3A_1390, %rem3A_1392 : vector<16xi32>
    %add3A_1394 = arith.addi %add3A_1387, %rem3A_1393 : vector<16xi32>
    %swap3A_1395 = arith.constant 3 : i32
    %swap3A_1396 = arith.index_cast %swap3A_1395 : i32 to index
    %swap3A_1397 = arith.constant 0 : index
    %swap3A_1398 = tpu.vector_load %arg14[%swap3A_1396, %swap3A_1397] {strides = array<i32>} : memref<4x128xi32, #tpu.memory_space<vmem>>, vector<16xi32>,
    tpu.vector_store %arg14[%swap3A_1396, %swap3A_1397], %add3A_1394 {strides = array<i32>} : memref<4x128xi32, #tpu.memory_space<vmem>>, vector<16xi32>,
    %get3A_1399 = arith.constant 3 : i32
    %get3A_1400 = arith.index_cast %get3A_1399 : i32 to index
    %get3A_1401 = arith.constant 16 : index
    %get3A_1402 = tpu.vector_load %arg11[%get3A_1400, %get3A_1401] {strides = array<i32>} : memref<4x128xi32, #tpu.memory_space<vmem>>, vector<16xi32>,
    %div3A_1403 = arith.constant 32768 : i32
    %div3A_1404 = vector.broadcast %div3A_1403 : i32 to vector<16xi32>
    %div3A_1405 = arith.divsi %get3A_1402, %div3A_1404 : vector<16xi32>
    %mul3A_1406 = arith.constant 32768 : i32
    %mul3A_1407 = vector.broadcast %mul3A_1406 : i32 to vector<16xi32>
    %mul3A_1408 = arith.muli %div3A_1405, %mul3A_1407 : vector<16xi32>
    %rem3A_1409 = arith.constant 8192 : i32
    %rem3A_1410 = vector.broadcast %rem3A_1409 : i32 to vector<16xi32>
    %rem3A_1411 = arith.remsi %get3A_1402, %rem3A_1410 : vector<16xi32>
    %mul3A_1412 = arith.constant 4 : i32
    %mul3A_1413 = vector.broadcast %mul3A_1412 : i32 to vector<16xi32>
    %mul3A_1414 = arith.muli %rem3A_1411, %mul3A_1413 : vector<16xi32>
    %add3A_1415 = arith.addi %mul3A_1408, %mul3A_1414 : vector<16xi32>
    %div3A_1416 = arith.constant 8192 : i32
    %div3A_1417 = vector.broadcast %div3A_1416 : i32 to vector<16xi32>
    %div3A_1418 = arith.divsi %get3A_1402, %div3A_1417 : vector<16xi32>
    %rem3A_1419 = arith.constant 4 : i32
    %rem3A_1420 = vector.broadcast %rem3A_1419 : i32 to vector<16xi32>
    %rem3A_1421 = arith.remsi %div3A_1418, %rem3A_1420 : vector<16xi32>
    %add3A_1422 = arith.addi %add3A_1415, %rem3A_1421 : vector<16xi32>
    %swap3A_1423 = arith.constant 3 : i32
    %swap3A_1424 = arith.index_cast %swap3A_1423 : i32 to index
    %swap3A_1425 = arith.constant 16 : index
    %swap3A_1426 = tpu.vector_load %arg13[%swap3A_1424, %swap3A_1425] {strides = array<i32>} : memref<4x128xi32, #tpu.memory_space<vmem>>, vector<16xi32>,
    tpu.vector_store %arg13[%swap3A_1424, %swap3A_1425], %add3A_1422 {strides = array<i32>} : memref<4x128xi32, #tpu.memory_space<vmem>>, vector<16xi32>,
    %get3A_1427 = arith.constant 3 : i32
    %get3A_1428 = arith.index_cast %get3A_1427 : i32 to index
    %get3A_1429 = arith.constant 16 : index
    %get3A_1430 = tpu.vector_load %arg12[%get3A_1428, %get3A_1429] {strides = array<i32>} : memref<4x128xi32, #tpu.memory_space<vmem>>, vector<16xi32>,
    %div3A_1431 = arith.constant 32768 : i32
    %div3A_1432 = vector.broadcast %div3A_1431 : i32 to vector<16xi32>
    %div3A_1433 = arith.divsi %get3A_1430, %div3A_1432 : vector<16xi32>
    %mul3A_1434 = arith.constant 32768 : i32
    %mul3A_1435 = vector.broadcast %mul3A_1434 : i32 to vector<16xi32>
    %mul3A_1436 = arith.muli %div3A_1433, %mul3A_1435 : vector<16xi32>
    %rem3A_1437 = arith.constant 8192 : i32
    %rem3A_1438 = vector.broadcast %rem3A_1437 : i32 to vector<16xi32>
    %rem3A_1439 = arith.remsi %get3A_1430, %rem3A_1438 : vector<16xi32>
    %mul3A_1440 = arith.constant 4 : i32
    %mul3A_1441 = vector.broadcast %mul3A_1440 : i32 to vector<16xi32>
    %mul3A_1442 = arith.muli %rem3A_1439, %mul3A_1441 : vector<16xi32>
    %add3A_1443 = arith.addi %mul3A_1436, %mul3A_1442 : vector<16xi32>
    %div3A_1444 = arith.constant 8192 : i32
    %div3A_1445 = vector.broadcast %div3A_1444 : i32 to vector<16xi32>
    %div3A_1446 = arith.divsi %get3A_1430, %div3A_1445 : vector<16xi32>
    %rem3A_1447 = arith.constant 4 : i32
    %rem3A_1448 = vector.broadcast %rem3A_1447 : i32 to vector<16xi32>
    %rem3A_1449 = arith.remsi %div3A_1446, %rem3A_1448 : vector<16xi32>
    %add3A_1450 = arith.addi %add3A_1443, %rem3A_1449 : vector<16xi32>
    %swap3A_1451 = arith.constant 3 : i32
    %swap3A_1452 = arith.index_cast %swap3A_1451 : i32 to index
    %swap3A_1453 = arith.constant 16 : index
    %swap3A_1454 = tpu.vector_load %arg14[%swap3A_1452, %swap3A_1453] {strides = array<i32>} : memref<4x128xi32, #tpu.memory_space<vmem>>, vector<16xi32>,
    tpu.vector_store %arg14[%swap3A_1452, %swap3A_1453], %add3A_1450 {strides = array<i32>} : memref<4x128xi32, #tpu.memory_space<vmem>>, vector<16xi32>,
    %get3A_1455 = arith.constant 3 : i32
    %get3A_1456 = arith.index_cast %get3A_1455 : i32 to index
    %get3A_1457 = arith.constant 32 : index
    %get3A_1458 = tpu.vector_load %arg11[%get3A_1456, %get3A_1457] {strides = array<i32>} : memref<4x128xi32, #tpu.memory_space<vmem>>, vector<16xi32>,
    %div3A_1459 = arith.constant 32768 : i32
    %div3A_1460 = vector.broadcast %div3A_1459 : i32 to vector<16xi32>
    %div3A_1461 = arith.divsi %get3A_1458, %div3A_1460 : vector<16xi32>
    %mul3A_1462 = arith.constant 32768 : i32
    %mul3A_1463 = vector.broadcast %mul3A_1462 : i32 to vector<16xi32>
    %mul3A_1464 = arith.muli %div3A_1461, %mul3A_1463 : vector<16xi32>
    %rem3A_1465 = arith.constant 8192 : i32
    %rem3A_1466 = vector.broadcast %rem3A_1465 : i32 to vector<16xi32>
    %rem3A_1467 = arith.remsi %get3A_1458, %rem3A_1466 : vector<16xi32>
    %mul3A_1468 = arith.constant 4 : i32
    %mul3A_1469 = vector.broadcast %mul3A_1468 : i32 to vector<16xi32>
    %mul3A_1470 = arith.muli %rem3A_1467, %mul3A_1469 : vector<16xi32>
    %add3A_1471 = arith.addi %mul3A_1464, %mul3A_1470 : vector<16xi32>
    %div3A_1472 = arith.constant 8192 : i32
    %div3A_1473 = vector.broadcast %div3A_1472 : i32 to vector<16xi32>
    %div3A_1474 = arith.divsi %get3A_1458, %div3A_1473 : vector<16xi32>
    %rem3A_1475 = arith.constant 4 : i32
    %rem3A_1476 = vector.broadcast %rem3A_1475 : i32 to vector<16xi32>
    %rem3A_1477 = arith.remsi %div3A_1474, %rem3A_1476 : vector<16xi32>
    %add3A_1478 = arith.addi %add3A_1471, %rem3A_1477 : vector<16xi32>
    %swap3A_1479 = arith.constant 3 : i32
    %swap3A_1480 = arith.index_cast %swap3A_1479 : i32 to index
    %swap3A_1481 = arith.constant 32 : index
    %swap3A_1482 = tpu.vector_load %arg13[%swap3A_1480, %swap3A_1481] {strides = array<i32>} : memref<4x128xi32, #tpu.memory_space<vmem>>, vector<16xi32>,
    tpu.vector_store %arg13[%swap3A_1480, %swap3A_1481], %add3A_1478 {strides = array<i32>} : memref<4x128xi32, #tpu.memory_space<vmem>>, vector<16xi32>,
    %get3A_1483 = arith.constant 3 : i32
    %get3A_1484 = arith.index_cast %get3A_1483 : i32 to index
    %get3A_1485 = arith.constant 32 : index
    %get3A_1486 = tpu.vector_load %arg12[%get3A_1484, %get3A_1485] {strides = array<i32>} : memref<4x128xi32, #tpu.memory_space<vmem>>, vector<16xi32>,
    %div3A_1487 = arith.constant 32768 : i32
    %div3A_1488 = vector.broadcast %div3A_1487 : i32 to vector<16xi32>
    %div3A_1489 = arith.divsi %get3A_1486, %div3A_1488 : vector<16xi32>
    %mul3A_1490 = arith.constant 32768 : i32
    %mul3A_1491 = vector.broadcast %mul3A_1490 : i32 to vector<16xi32>
    %mul3A_1492 = arith.muli %div3A_1489, %mul3A_1491 : vector<16xi32>
    %rem3A_1493 = arith.constant 8192 : i32
    %rem3A_1494 = vector.broadcast %rem3A_1493 : i32 to vector<16xi32>
    %rem3A_1495 = arith.remsi %get3A_1486, %rem3A_1494 : vector<16xi32>
    %mul3A_1496 = arith.constant 4 : i32
    %mul3A_1497 = vector.broadcast %mul3A_1496 : i32 to vector<16xi32>
    %mul3A_1498 = arith.muli %rem3A_1495, %mul3A_1497 : vector<16xi32>
    %add3A_1499 = arith.addi %mul3A_1492, %mul3A_1498 : vector<16xi32>
    %div3A_1500 = arith.constant 8192 : i32
    %div3A_1501 = vector.broadcast %div3A_1500 : i32 to vector<16xi32>
    %div3A_1502 = arith.divsi %get3A_1486, %div3A_1501 : vector<16xi32>
    %rem3A_1503 = arith.constant 4 : i32
    %rem3A_1504 = vector.broadcast %rem3A_1503 : i32 to vector<16xi32>
    %rem3A_1505 = arith.remsi %div3A_1502, %rem3A_1504 : vector<16xi32>
    %add3A_1506 = arith.addi %add3A_1499, %rem3A_1505 : vector<16xi32>
    %swap3A_1507 = arith.constant 3 : i32
    %swap3A_1508 = arith.index_cast %swap3A_1507 : i32 to index
    %swap3A_1509 = arith.constant 32 : index
    %swap3A_1510 = tpu.vector_load %arg14[%swap3A_1508, %swap3A_1509] {strides = array<i32>} : memref<4x128xi32, #tpu.memory_space<vmem>>, vector<16xi32>,
    tpu.vector_store %arg14[%swap3A_1508, %swap3A_1509], %add3A_1506 {strides = array<i32>} : memref<4x128xi32, #tpu.memory_space<vmem>>, vector<16xi32>,
    %get3A_1511 = arith.constant 3 : i32
    %get3A_1512 = arith.index_cast %get3A_1511 : i32 to index
    %get3A_1513 = arith.constant 48 : index
    %get3A_1514 = tpu.vector_load %arg11[%get3A_1512, %get3A_1513] {strides = array<i32>} : memref<4x128xi32, #tpu.memory_space<vmem>>, vector<16xi32>,
    %div3A_1515 = arith.constant 32768 : i32
    %div3A_1516 = vector.broadcast %div3A_1515 : i32 to vector<16xi32>
    %div3A_1517 = arith.divsi %get3A_1514, %div3A_1516 : vector<16xi32>
    %mul3A_1518 = arith.constant 32768 : i32
    %mul3A_1519 = vector.broadcast %mul3A_1518 : i32 to vector<16xi32>
    %mul3A_1520 = arith.muli %div3A_1517, %mul3A_1519 : vector<16xi32>
    %rem3A_1521 = arith.constant 8192 : i32
    %rem3A_1522 = vector.broadcast %rem3A_1521 : i32 to vector<16xi32>
    %rem3A_1523 = arith.remsi %get3A_1514, %rem3A_1522 : vector<16xi32>
    %mul3A_1524 = arith.constant 4 : i32
    %mul3A_1525 = vector.broadcast %mul3A_1524 : i32 to vector<16xi32>
    %mul3A_1526 = arith.muli %rem3A_1523, %mul3A_1525 : vector<16xi32>
    %add3A_1527 = arith.addi %mul3A_1520, %mul3A_1526 : vector<16xi32>
    %div3A_1528 = arith.constant 8192 : i32
    %div3A_1529 = vector.broadcast %div3A_1528 : i32 to vector<16xi32>
    %div3A_1530 = arith.divsi %get3A_1514, %div3A_1529 : vector<16xi32>
    %rem3A_1531 = arith.constant 4 : i32
    %rem3A_1532 = vector.broadcast %rem3A_1531 : i32 to vector<16xi32>
    %rem3A_1533 = arith.remsi %div3A_1530, %rem3A_1532 : vector<16xi32>
    %add3A_1534 = arith.addi %add3A_1527, %rem3A_1533 : vector<16xi32>
    %swap3A_1535 = arith.constant 3 : i32
    %swap3A_1536 = arith.index_cast %swap3A_1535 : i32 to index
    %swap3A_1537 = arith.constant 48 : index
    %swap3A_1538 = tpu.vector_load %arg13[%swap3A_1536, %swap3A_1537] {strides = array<i32>} : memref<4x128xi32, #tpu.memory_space<vmem>>, vector<16xi32>,
    tpu.vector_store %arg13[%swap3A_1536, %swap3A_1537], %add3A_1534 {strides = array<i32>} : memref<4x128xi32, #tpu.memory_space<vmem>>, vector<16xi32>,
    %get3A_1539 = arith.constant 3 : i32
    %get3A_1540 = arith.index_cast %get3A_1539 : i32 to index
    %get3A_1541 = arith.constant 48 : index
    %get3A_1542 = tpu.vector_load %arg12[%get3A_1540, %get3A_1541] {strides = array<i32>} : memref<4x128xi32, #tpu.memory_space<vmem>>, vector<16xi32>,
    %div3A_1543 = arith.constant 32768 : i32
    %div3A_1544 = vector.broadcast %div3A_1543 : i32 to vector<16xi32>
    %div3A_1545 = arith.divsi %get3A_1542, %div3A_1544 : vector<16xi32>
    %mul3A_1546 = arith.constant 32768 : i32
    %mul3A_1547 = vector.broadcast %mul3A_1546 : i32 to vector<16xi32>
    %mul3A_1548 = arith.muli %div3A_1545, %mul3A_1547 : vector<16xi32>
    %rem3A_1549 = arith.constant 8192 : i32
    %rem3A_1550 = vector.broadcast %rem3A_1549 : i32 to vector<16xi32>
    %rem3A_1551 = arith.remsi %get3A_1542, %rem3A_1550 : vector<16xi32>
    %mul3A_1552 = arith.constant 4 : i32
    %mul3A_1553 = vector.broadcast %mul3A_1552 : i32 to vector<16xi32>
    %mul3A_1554 = arith.muli %rem3A_1551, %mul3A_1553 : vector<16xi32>
    %add3A_1555 = arith.addi %mul3A_1548, %mul3A_1554 : vector<16xi32>
    %div3A_1556 = arith.constant 8192 : i32
    %div3A_1557 = vector.broadcast %div3A_1556 : i32 to vector<16xi32>
    %div3A_1558 = arith.divsi %get3A_1542, %div3A_1557 : vector<16xi32>
    %rem3A_1559 = arith.constant 4 : i32
    %rem3A_1560 = vector.broadcast %rem3A_1559 : i32 to vector<16xi32>
    %rem3A_1561 = arith.remsi %div3A_1558, %rem3A_1560 : vector<16xi32>
    %add3A_1562 = arith.addi %add3A_1555, %rem3A_1561 : vector<16xi32>
    %swap3A_1563 = arith.constant 3 : i32
    %swap3A_1564 = arith.index_cast %swap3A_1563 : i32 to index
    %swap3A_1565 = arith.constant 48 : index
    %swap3A_1566 = tpu.vector_load %arg14[%swap3A_1564, %swap3A_1565] {strides = array<i32>} : memref<4x128xi32, #tpu.memory_space<vmem>>, vector<16xi32>,
    tpu.vector_store %arg14[%swap3A_1564, %swap3A_1565], %add3A_1562 {strides = array<i32>} : memref<4x128xi32, #tpu.memory_space<vmem>>, vector<16xi32>,
    %get3A_1567 = arith.constant 3 : i32
    %get3A_1568 = arith.index_cast %get3A_1567 : i32 to index
    %get3A_1569 = arith.constant 64 : index
    %get3A_1570 = tpu.vector_load %arg11[%get3A_1568, %get3A_1569] {strides = array<i32>} : memref<4x128xi32, #tpu.memory_space<vmem>>, vector<16xi32>,
    %div3A_1571 = arith.constant 32768 : i32
    %div3A_1572 = vector.broadcast %div3A_1571 : i32 to vector<16xi32>
    %div3A_1573 = arith.divsi %get3A_1570, %div3A_1572 : vector<16xi32>
    %mul3A_1574 = arith.constant 32768 : i32
    %mul3A_1575 = vector.broadcast %mul3A_1574 : i32 to vector<16xi32>
    %mul3A_1576 = arith.muli %div3A_1573, %mul3A_1575 : vector<16xi32>
    %rem3A_1577 = arith.constant 8192 : i32
    %rem3A_1578 = vector.broadcast %rem3A_1577 : i32 to vector<16xi32>
    %rem3A_1579 = arith.remsi %get3A_1570, %rem3A_1578 : vector<16xi32>
    %mul3A_1580 = arith.constant 4 : i32
    %mul3A_1581 = vector.broadcast %mul3A_1580 : i32 to vector<16xi32>
    %mul3A_1582 = arith.muli %rem3A_1579, %mul3A_1581 : vector<16xi32>
    %add3A_1583 = arith.addi %mul3A_1576, %mul3A_1582 : vector<16xi32>
    %div3A_1584 = arith.constant 8192 : i32
    %div3A_1585 = vector.broadcast %div3A_1584 : i32 to vector<16xi32>
    %div3A_1586 = arith.divsi %get3A_1570, %div3A_1585 : vector<16xi32>
    %rem3A_1587 = arith.constant 4 : i32
    %rem3A_1588 = vector.broadcast %rem3A_1587 : i32 to vector<16xi32>
    %rem3A_1589 = arith.remsi %div3A_1586, %rem3A_1588 : vector<16xi32>
    %add3A_1590 = arith.addi %add3A_1583, %rem3A_1589 : vector<16xi32>
    %swap3A_1591 = arith.constant 3 : i32
    %swap3A_1592 = arith.index_cast %swap3A_1591 : i32 to index
    %swap3A_1593 = arith.constant 64 : index
    %swap3A_1594 = tpu.vector_load %arg13[%swap3A_1592, %swap3A_1593] {strides = array<i32>} : memref<4x128xi32, #tpu.memory_space<vmem>>, vector<16xi32>,
    tpu.vector_store %arg13[%swap3A_1592, %swap3A_1593], %add3A_1590 {strides = array<i32>} : memref<4x128xi32, #tpu.memory_space<vmem>>, vector<16xi32>,
    %get3A_1595 = arith.constant 3 : i32
    %get3A_1596 = arith.index_cast %get3A_1595 : i32 to index
    %get3A_1597 = arith.constant 64 : index
    %get3A_1598 = tpu.vector_load %arg12[%get3A_1596, %get3A_1597] {strides = array<i32>} : memref<4x128xi32, #tpu.memory_space<vmem>>, vector<16xi32>,
    %div3A_1599 = arith.constant 32768 : i32
    %div3A_1600 = vector.broadcast %div3A_1599 : i32 to vector<16xi32>
    %div3A_1601 = arith.divsi %get3A_1598, %div3A_1600 : vector<16xi32>
    %mul3A_1602 = arith.constant 32768 : i32
    %mul3A_1603 = vector.broadcast %mul3A_1602 : i32 to vector<16xi32>
    %mul3A_1604 = arith.muli %div3A_1601, %mul3A_1603 : vector<16xi32>
    %rem3A_1605 = arith.constant 8192 : i32
    %rem3A_1606 = vector.broadcast %rem3A_1605 : i32 to vector<16xi32>
    %rem3A_1607 = arith.remsi %get3A_1598, %rem3A_1606 : vector<16xi32>
    %mul3A_1608 = arith.constant 4 : i32
    %mul3A_1609 = vector.broadcast %mul3A_1608 : i32 to vector<16xi32>
    %mul3A_1610 = arith.muli %rem3A_1607, %mul3A_1609 : vector<16xi32>
    %add3A_1611 = arith.addi %mul3A_1604, %mul3A_1610 : vector<16xi32>
    %div3A_1612 = arith.constant 8192 : i32
    %div3A_1613 = vector.broadcast %div3A_1612 : i32 to vector<16xi32>
    %div3A_1614 = arith.divsi %get3A_1598, %div3A_1613 : vector<16xi32>
    %rem3A_1615 = arith.constant 4 : i32
    %rem3A_1616 = vector.broadcast %rem3A_1615 : i32 to vector<16xi32>
    %rem3A_1617 = arith.remsi %div3A_1614, %rem3A_1616 : vector<16xi32>
    %add3A_1618 = arith.addi %add3A_1611, %rem3A_1617 : vector<16xi32>
    %swap3A_1619 = arith.constant 3 : i32
    %swap3A_1620 = arith.index_cast %swap3A_1619 : i32 to index
    %swap3A_1621 = arith.constant 64 : index
    %swap3A_1622 = tpu.vector_load %arg14[%swap3A_1620, %swap3A_1621] {strides = array<i32>} : memref<4x128xi32, #tpu.memory_space<vmem>>, vector<16xi32>,
    tpu.vector_store %arg14[%swap3A_1620, %swap3A_1621], %add3A_1618 {strides = array<i32>} : memref<4x128xi32, #tpu.memory_space<vmem>>, vector<16xi32>,
    %get3A_1623 = arith.constant 3 : i32
    %get3A_1624 = arith.index_cast %get3A_1623 : i32 to index
    %get3A_1625 = arith.constant 80 : index
    %get3A_1626 = tpu.vector_load %arg11[%get3A_1624, %get3A_1625] {strides = array<i32>} : memref<4x128xi32, #tpu.memory_space<vmem>>, vector<16xi32>,
    %div3A_1627 = arith.constant 32768 : i32
    %div3A_1628 = vector.broadcast %div3A_1627 : i32 to vector<16xi32>
    %div3A_1629 = arith.divsi %get3A_1626, %div3A_1628 : vector<16xi32>
    %mul3A_1630 = arith.constant 32768 : i32
    %mul3A_1631 = vector.broadcast %mul3A_1630 : i32 to vector<16xi32>
    %mul3A_1632 = arith.muli %div3A_1629, %mul3A_1631 : vector<16xi32>
    %rem3A_1633 = arith.constant 8192 : i32
    %rem3A_1634 = vector.broadcast %rem3A_1633 : i32 to vector<16xi32>
    %rem3A_1635 = arith.remsi %get3A_1626, %rem3A_1634 : vector<16xi32>
    %mul3A_1636 = arith.constant 4 : i32
    %mul3A_1637 = vector.broadcast %mul3A_1636 : i32 to vector<16xi32>
    %mul3A_1638 = arith.muli %rem3A_1635, %mul3A_1637 : vector<16xi32>
    %add3A_1639 = arith.addi %mul3A_1632, %mul3A_1638 : vector<16xi32>
    %div3A_1640 = arith.constant 8192 : i32
    %div3A_1641 = vector.broadcast %div3A_1640 : i32 to vector<16xi32>
    %div3A_1642 = arith.divsi %get3A_1626, %div3A_1641 : vector<16xi32>
    %rem3A_1643 = arith.constant 4 : i32
    %rem3A_1644 = vector.broadcast %rem3A_1643 : i32 to vector<16xi32>
    %rem3A_1645 = arith.remsi %div3A_1642, %rem3A_1644 : vector<16xi32>
    %add3A_1646 = arith.addi %add3A_1639, %rem3A_1645 : vector<16xi32>
    %swap3A_1647 = arith.constant 3 : i32
    %swap3A_1648 = arith.index_cast %swap3A_1647 : i32 to index
    %swap3A_1649 = arith.constant 80 : index
    %swap3A_1650 = tpu.vector_load %arg13[%swap3A_1648, %swap3A_1649] {strides = array<i32>} : memref<4x128xi32, #tpu.memory_space<vmem>>, vector<16xi32>,
    tpu.vector_store %arg13[%swap3A_1648, %swap3A_1649], %add3A_1646 {strides = array<i32>} : memref<4x128xi32, #tpu.memory_space<vmem>>, vector<16xi32>,
    %get3A_1651 = arith.constant 3 : i32
    %get3A_1652 = arith.index_cast %get3A_1651 : i32 to index
    %get3A_1653 = arith.constant 80 : index
    %get3A_1654 = tpu.vector_load %arg12[%get3A_1652, %get3A_1653] {strides = array<i32>} : memref<4x128xi32, #tpu.memory_space<vmem>>, vector<16xi32>,
    %div3A_1655 = arith.constant 32768 : i32
    %div3A_1656 = vector.broadcast %div3A_1655 : i32 to vector<16xi32>
    %div3A_1657 = arith.divsi %get3A_1654, %div3A_1656 : vector<16xi32>
    %mul3A_1658 = arith.constant 32768 : i32
    %mul3A_1659 = vector.broadcast %mul3A_1658 : i32 to vector<16xi32>
    %mul3A_1660 = arith.muli %div3A_1657, %mul3A_1659 : vector<16xi32>
    %rem3A_1661 = arith.constant 8192 : i32
    %rem3A_1662 = vector.broadcast %rem3A_1661 : i32 to vector<16xi32>
    %rem3A_1663 = arith.remsi %get3A_1654, %rem3A_1662 : vector<16xi32>
    %mul3A_1664 = arith.constant 4 : i32
    %mul3A_1665 = vector.broadcast %mul3A_1664 : i32 to vector<16xi32>
    %mul3A_1666 = arith.muli %rem3A_1663, %mul3A_1665 : vector<16xi32>
    %add3A_1667 = arith.addi %mul3A_1660, %mul3A_1666 : vector<16xi32>
    %div3A_1668 = arith.constant 8192 : i32
    %div3A_1669 = vector.broadcast %div3A_1668 : i32 to vector<16xi32>
    %div3A_1670 = arith.divsi %get3A_1654, %div3A_1669 : vector<16xi32>
    %rem3A_1671 = arith.constant 4 : i32
    %rem3A_1672 = vector.broadcast %rem3A_1671 : i32 to vector<16xi32>
    %rem3A_1673 = arith.remsi %div3A_1670, %rem3A_1672 : vector<16xi32>
    %add3A_1674 = arith.addi %add3A_1667, %rem3A_1673 : vector<16xi32>
    %swap3A_1675 = arith.constant 3 : i32
    %swap3A_1676 = arith.index_cast %swap3A_1675 : i32 to index
    %swap3A_1677 = arith.constant 80 : index
    %swap3A_1678 = tpu.vector_load %arg14[%swap3A_1676, %swap3A_1677] {strides = array<i32>} : memref<4x128xi32, #tpu.memory_space<vmem>>, vector<16xi32>,
    tpu.vector_store %arg14[%swap3A_1676, %swap3A_1677], %add3A_1674 {strides = array<i32>} : memref<4x128xi32, #tpu.memory_space<vmem>>, vector<16xi32>,
    %get3A_1679 = arith.constant 3 : i32
    %get3A_1680 = arith.index_cast %get3A_1679 : i32 to index
    %get3A_1681 = arith.constant 96 : index
    %get3A_1682 = tpu.vector_load %arg11[%get3A_1680, %get3A_1681] {strides = array<i32>} : memref<4x128xi32, #tpu.memory_space<vmem>>, vector<16xi32>,
    %div3A_1683 = arith.constant 32768 : i32
    %div3A_1684 = vector.broadcast %div3A_1683 : i32 to vector<16xi32>
    %div3A_1685 = arith.divsi %get3A_1682, %div3A_1684 : vector<16xi32>
    %mul3A_1686 = arith.constant 32768 : i32
    %mul3A_1687 = vector.broadcast %mul3A_1686 : i32 to vector<16xi32>
    %mul3A_1688 = arith.muli %div3A_1685, %mul3A_1687 : vector<16xi32>
    %rem3A_1689 = arith.constant 8192 : i32
    %rem3A_1690 = vector.broadcast %rem3A_1689 : i32 to vector<16xi32>
    %rem3A_1691 = arith.remsi %get3A_1682, %rem3A_1690 : vector<16xi32>
    %mul3A_1692 = arith.constant 4 : i32
    %mul3A_1693 = vector.broadcast %mul3A_1692 : i32 to vector<16xi32>
    %mul3A_1694 = arith.muli %rem3A_1691, %mul3A_1693 : vector<16xi32>
    %add3A_1695 = arith.addi %mul3A_1688, %mul3A_1694 : vector<16xi32>
    %div3A_1696 = arith.constant 8192 : i32
    %div3A_1697 = vector.broadcast %div3A_1696 : i32 to vector<16xi32>
    %div3A_1698 = arith.divsi %get3A_1682, %div3A_1697 : vector<16xi32>
    %rem3A_1699 = arith.constant 4 : i32
    %rem3A_1700 = vector.broadcast %rem3A_1699 : i32 to vector<16xi32>
    %rem3A_1701 = arith.remsi %div3A_1698, %rem3A_1700 : vector<16xi32>
    %add3A_1702 = arith.addi %add3A_1695, %rem3A_1701 : vector<16xi32>
    %swap3A_1703 = arith.constant 3 : i32
    %swap3A_1704 = arith.index_cast %swap3A_1703 : i32 to index
    %swap3A_1705 = arith.constant 96 : index
    %swap3A_1706 = tpu.vector_load %arg13[%swap3A_1704, %swap3A_1705] {strides = array<i32>} : memref<4x128xi32, #tpu.memory_space<vmem>>, vector<16xi32>,
    tpu.vector_store %arg13[%swap3A_1704, %swap3A_1705], %add3A_1702 {strides = array<i32>} : memref<4x128xi32, #tpu.memory_space<vmem>>, vector<16xi32>,
    %get3A_1707 = arith.constant 3 : i32
    %get3A_1708 = arith.index_cast %get3A_1707 : i32 to index
    %get3A_1709 = arith.constant 96 : index
    %get3A_1710 = tpu.vector_load %arg12[%get3A_1708, %get3A_1709] {strides = array<i32>} : memref<4x128xi32, #tpu.memory_space<vmem>>, vector<16xi32>,
    %div3A_1711 = arith.constant 32768 : i32
    %div3A_1712 = vector.broadcast %div3A_1711 : i32 to vector<16xi32>
    %div3A_1713 = arith.divsi %get3A_1710, %div3A_1712 : vector<16xi32>
    %mul3A_1714 = arith.constant 32768 : i32
    %mul3A_1715 = vector.broadcast %mul3A_1714 : i32 to vector<16xi32>
    %mul3A_1716 = arith.muli %div3A_1713, %mul3A_1715 : vector<16xi32>
    %rem3A_1717 = arith.constant 8192 : i32
    %rem3A_1718 = vector.broadcast %rem3A_1717 : i32 to vector<16xi32>
    %rem3A_1719 = arith.remsi %get3A_1710, %rem3A_1718 : vector<16xi32>
    %mul3A_1720 = arith.constant 4 : i32
    %mul3A_1721 = vector.broadcast %mul3A_1720 : i32 to vector<16xi32>
    %mul3A_1722 = arith.muli %rem3A_1719, %mul3A_1721 : vector<16xi32>
    %add3A_1723 = arith.addi %mul3A_1716, %mul3A_1722 : vector<16xi32>
    %div3A_1724 = arith.constant 8192 : i32
    %div3A_1725 = vector.broadcast %div3A_1724 : i32 to vector<16xi32>
    %div3A_1726 = arith.divsi %get3A_1710, %div3A_1725 : vector<16xi32>
    %rem3A_1727 = arith.constant 4 : i32
    %rem3A_1728 = vector.broadcast %rem3A_1727 : i32 to vector<16xi32>
    %rem3A_1729 = arith.remsi %div3A_1726, %rem3A_1728 : vector<16xi32>
    %add3A_1730 = arith.addi %add3A_1723, %rem3A_1729 : vector<16xi32>
    %swap3A_1731 = arith.constant 3 : i32
    %swap3A_1732 = arith.index_cast %swap3A_1731 : i32 to index
    %swap3A_1733 = arith.constant 96 : index
    %swap3A_1734 = tpu.vector_load %arg14[%swap3A_1732, %swap3A_1733] {strides = array<i32>} : memref<4x128xi32, #tpu.memory_space<vmem>>, vector<16xi32>,
    tpu.vector_store %arg14[%swap3A_1732, %swap3A_1733], %add3A_1730 {strides = array<i32>} : memref<4x128xi32, #tpu.memory_space<vmem>>, vector<16xi32>,
    %get3A_1735 = arith.constant 3 : i32
    %get3A_1736 = arith.index_cast %get3A_1735 : i32 to index
    %get3A_1737 = arith.constant 112 : index
    %get3A_1738 = tpu.vector_load %arg11[%get3A_1736, %get3A_1737] {strides = array<i32>} : memref<4x128xi32, #tpu.memory_space<vmem>>, vector<16xi32>,
    %div3A_1739 = arith.constant 32768 : i32
    %div3A_1740 = vector.broadcast %div3A_1739 : i32 to vector<16xi32>
    %div3A_1741 = arith.divsi %get3A_1738, %div3A_1740 : vector<16xi32>
    %mul3A_1742 = arith.constant 32768 : i32
    %mul3A_1743 = vector.broadcast %mul3A_1742 : i32 to vector<16xi32>
    %mul3A_1744 = arith.muli %div3A_1741, %mul3A_1743 : vector<16xi32>
    %rem3A_1745 = arith.constant 8192 : i32
    %rem3A_1746 = vector.broadcast %rem3A_1745 : i32 to vector<16xi32>
    %rem3A_1747 = arith.remsi %get3A_1738, %rem3A_1746 : vector<16xi32>
    %mul3A_1748 = arith.constant 4 : i32
    %mul3A_1749 = vector.broadcast %mul3A_1748 : i32 to vector<16xi32>
    %mul3A_1750 = arith.muli %rem3A_1747, %mul3A_1749 : vector<16xi32>
    %add3A_1751 = arith.addi %mul3A_1744, %mul3A_1750 : vector<16xi32>
    %div3A_1752 = arith.constant 8192 : i32
    %div3A_1753 = vector.broadcast %div3A_1752 : i32 to vector<16xi32>
    %div3A_1754 = arith.divsi %get3A_1738, %div3A_1753 : vector<16xi32>
    %rem3A_1755 = arith.constant 4 : i32
    %rem3A_1756 = vector.broadcast %rem3A_1755 : i32 to vector<16xi32>
    %rem3A_1757 = arith.remsi %div3A_1754, %rem3A_1756 : vector<16xi32>
    %add3A_1758 = arith.addi %add3A_1751, %rem3A_1757 : vector<16xi32>
    %swap3A_1759 = arith.constant 3 : i32
    %swap3A_1760 = arith.index_cast %swap3A_1759 : i32 to index
    %swap3A_1761 = arith.constant 112 : index
    %swap3A_1762 = tpu.vector_load %arg13[%swap3A_1760, %swap3A_1761] {strides = array<i32>} : memref<4x128xi32, #tpu.memory_space<vmem>>, vector<16xi32>,
    tpu.vector_store %arg13[%swap3A_1760, %swap3A_1761], %add3A_1758 {strides = array<i32>} : memref<4x128xi32, #tpu.memory_space<vmem>>, vector<16xi32>,
    %get3A_1763 = arith.constant 3 : i32
    %get3A_1764 = arith.index_cast %get3A_1763 : i32 to index
    %get3A_1765 = arith.constant 112 : index
    %get3A_1766 = tpu.vector_load %arg12[%get3A_1764, %get3A_1765] {strides = array<i32>} : memref<4x128xi32, #tpu.memory_space<vmem>>, vector<16xi32>,
    %div3A_1767 = arith.constant 32768 : i32
    %div3A_1768 = vector.broadcast %div3A_1767 : i32 to vector<16xi32>
    %div3A_1769 = arith.divsi %get3A_1766, %div3A_1768 : vector<16xi32>
    %mul3A_1770 = arith.constant 32768 : i32
    %mul3A_1771 = vector.broadcast %mul3A_1770 : i32 to vector<16xi32>
    %mul3A_1772 = arith.muli %div3A_1769, %mul3A_1771 : vector<16xi32>
    %rem3A_1773 = arith.constant 8192 : i32
    %rem3A_1774 = vector.broadcast %rem3A_1773 : i32 to vector<16xi32>
    %rem3A_1775 = arith.remsi %get3A_1766, %rem3A_1774 : vector<16xi32>
    %mul3A_1776 = arith.constant 4 : i32
    %mul3A_1777 = vector.broadcast %mul3A_1776 : i32 to vector<16xi32>
    %mul3A_1778 = arith.muli %rem3A_1775, %mul3A_1777 : vector<16xi32>
    %add3A_1779 = arith.addi %mul3A_1772, %mul3A_1778 : vector<16xi32>
    %div3A_1780 = arith.constant 8192 : i32
    %div3A_1781 = vector.broadcast %div3A_1780 : i32 to vector<16xi32>
    %div3A_1782 = arith.divsi %get3A_1766, %div3A_1781 : vector<16xi32>
    %rem3A_1783 = arith.constant 4 : i32
    %rem3A_1784 = vector.broadcast %rem3A_1783 : i32 to vector<16xi32>
    %rem3A_1785 = arith.remsi %div3A_1782, %rem3A_1784 : vector<16xi32>
    %add3A_1786 = arith.addi %add3A_1779, %rem3A_1785 : vector<16xi32>
    %swap3A_1787 = arith.constant 3 : i32
    %swap3A_1788 = arith.index_cast %swap3A_1787 : i32 to index
    %swap3A_1789 = arith.constant 112 : index
    %swap3A_1790 = tpu.vector_load %arg14[%swap3A_1788, %swap3A_1789] {strides = array<i32>} : memref<4x128xi32, #tpu.memory_space<vmem>>, vector<16xi32>,
    tpu.vector_store %arg14[%swap3A_1788, %swap3A_1789], %add3A_1786 {strides = array<i32>} : memref<4x128xi32, #tpu.memory_space<vmem>>, vector<16xi32>,
    %dma_start3A = arith.constant 0 : i32
    %dma_start3A_1791 = arith.constant 0 : i32
    %dma_start3A_1792 = arith.constant 0 : i32
    %dma_start3A_1793 = arith.constant 0 : i32
    %dma_start3A_1794 = tpu.memref_slice %arg15[%dma_start3A_1791, %dma_start3A_1792, %dma_start3A_1793] : memref<4x128x32xf32, #tpu.memory_space<vmem>> -> memref<1x128x32xf32, #tpu.memory_space<vmem>>
    %dma_start3A_1795 = tpu.memref_squeeze %dma_start3A_1794 : memref<1x128x32xf32, #tpu.memory_space<vmem>> -> memref<128x32xf32, #tpu.memory_space<vmem>>
    %dma_start3A_1796 = arith.constant 0 : i32
    %dma_start3A_1797 = tpu.memref_slice %arg13[%dma_start3A, %dma_start3A_1796] : memref<4x128xi32, #tpu.memory_space<vmem>> -> memref<1x128xi32, #tpu.memory_space<vmem>>
    %dma_start3A_1798 = tpu.memref_squeeze %dma_start3A_1797 : memref<1x128xi32, #tpu.memory_space<vmem>> -> memref<128xi32, #tpu.memory_space<vmem>>
    %dma_start3A_1799 = arith.constant 0 : i32
    %dma_start3A_1800 = arith.constant 0 : i32
    %dma_start3A_1801 = tpu.memref_slice %arg2[%dma_start3A_1799, %dma_start3A_1800] : memref<1015808x32xf32, #tpu.memory_space<hbm>> -> memref<1015808x32xf32, #tpu.memory_space<hbm>>
    tpu.enqueue_indirect_dma source(%dma_start3A_1801 : memref<1015808x32xf32, #tpu.memory_space<hbm>>) target(%dma_start3A_1795 : memref<128x32xf32, #tpu.memory_space<vmem>>) offsets(%dma_start3A_1798 : memref<128xi32, #tpu.memory_space<vmem>>) semaphore(%arg19 : memref<!tpu.dma_semaphore, #tpu.memory_space<semaphore_mem>>)
    %dma_start3A_1802 = arith.constant 0 : i32
    %dma_start3A_1803 = arith.constant 0 : i32
    %dma_start3A_1804 = arith.constant 0 : i32
    %dma_start3A_1805 = arith.constant 0 : i32
    %dma_start3A_1806 = tpu.memref_slice %arg16[%dma_start3A_1803, %dma_start3A_1804, %dma_start3A_1805] : memref<4x128x32xf32, #tpu.memory_space<vmem>> -> memref<1x128x32xf32, #tpu.memory_space<vmem>>
    %dma_start3A_1807 = tpu.memref_squeeze %dma_start3A_1806 : memref<1x128x32xf32, #tpu.memory_space<vmem>> -> memref<128x32xf32, #tpu.memory_space<vmem>>
    %dma_start3A_1808 = arith.constant 0 : i32
    %dma_start3A_1809 = tpu.memref_slice %arg14[%dma_start3A_1802, %dma_start3A_1808] : memref<4x128xi32, #tpu.memory_space<vmem>> -> memref<1x128xi32, #tpu.memory_space<vmem>>
    %dma_start3A_1810 = tpu.memref_squeeze %dma_start3A_1809 : memref<1x128xi32, #tpu.memory_space<vmem>> -> memref<128xi32, #tpu.memory_space<vmem>>
    %dma_start3A_1811 = arith.constant 0 : i32
    %dma_start3A_1812 = arith.constant 0 : i32
    %dma_start3A_1813 = tpu.memref_slice %arg2[%dma_start3A_1811, %dma_start3A_1812] : memref<1015808x32xf32, #tpu.memory_space<hbm>> -> memref<1015808x32xf32, #tpu.memory_space<hbm>>
    tpu.enqueue_indirect_dma source(%dma_start3A_1813 : memref<1015808x32xf32, #tpu.memory_space<hbm>>) target(%dma_start3A_1807 : memref<128x32xf32, #tpu.memory_space<vmem>>) offsets(%dma_start3A_1810 : memref<128xi32, #tpu.memory_space<vmem>>) semaphore(%arg19 : memref<!tpu.dma_semaphore, #tpu.memory_space<semaphore_mem>>)
    %dma_start3A_1814 = arith.constant 0 : i32
    %dma_start3A_1815 = arith.constant 0 : i32
    %dma_start3A_1816 = arith.constant 0 : i32
    %dma_start3A_1817 = tpu.memref_slice %arg17[%dma_start3A_1815, %dma_start3A_1816] : memref<4x128xf32, #tpu.memory_space<vmem>> -> memref<1x128xf32, #tpu.memory_space<vmem>>
    %dma_start3A_1818 = tpu.memref_squeeze %dma_start3A_1817 : memref<1x128xf32, #tpu.memory_space<vmem>> -> memref<128xf32, #tpu.memory_space<vmem>>
    %dma_start3A_1819 = arith.constant 0 : i32
    %dma_start3A_1820 = tpu.memref_slice %arg11[%dma_start3A_1814, %dma_start3A_1819] : memref<4x128xi32, #tpu.memory_space<vmem>> -> memref<1x128xi32, #tpu.memory_space<vmem>>
    %dma_start3A_1821 = tpu.memref_squeeze %dma_start3A_1820 : memref<1x128xi32, #tpu.memory_space<vmem>> -> memref<128xi32, #tpu.memory_space<vmem>>
    %dma_start3A_1822 = arith.constant 0 : i32
    %dma_start3A_1823 = tpu.memref_slice %arg3[%dma_start3A_1822] : memref<1000000xf32, #tpu.memory_space<hbm>> -> memref<1000000xf32, #tpu.memory_space<hbm>>
    tpu.enqueue_indirect_dma source(%dma_start3A_1823 : memref<1000000xf32, #tpu.memory_space<hbm>>) target(%dma_start3A_1818 : memref<128xf32, #tpu.memory_space<vmem>>) offsets(%dma_start3A_1821 : memref<128xi32, #tpu.memory_space<vmem>>) semaphore(%arg19 : memref<!tpu.dma_semaphore, #tpu.memory_space<semaphore_mem>>)
    %dma_start3A_1824 = arith.constant 0 : i32
    %dma_start3A_1825 = arith.constant 0 : i32
    %dma_start3A_1826 = arith.constant 0 : i32
    %dma_start3A_1827 = tpu.memref_slice %arg18[%dma_start3A_1825, %dma_start3A_1826] : memref<4x128xf32, #tpu.memory_space<vmem>> -> memref<1x128xf32, #tpu.memory_space<vmem>>
    %dma_start3A_1828 = tpu.memref_squeeze %dma_start3A_1827 : memref<1x128xf32, #tpu.memory_space<vmem>> -> memref<128xf32, #tpu.memory_space<vmem>>
    %dma_start3A_1829 = arith.constant 0 : i32
    %dma_start3A_1830 = tpu.memref_slice %arg12[%dma_start3A_1824, %dma_start3A_1829] : memref<4x128xi32, #tpu.memory_space<vmem>> -> memref<1x128xi32, #tpu.memory_space<vmem>>
    %dma_start3A_1831 = tpu.memref_squeeze %dma_start3A_1830 : memref<1x128xi32, #tpu.memory_space<vmem>> -> memref<128xi32, #tpu.memory_space<vmem>>
    %dma_start3A_1832 = arith.constant 0 : i32
    %dma_start3A_1833 = tpu.memref_slice %arg4[%dma_start3A_1832] : memref<1000000xf32, #tpu.memory_space<hbm>> -> memref<1000000xf32, #tpu.memory_space<hbm>>
    tpu.enqueue_indirect_dma source(%dma_start3A_1833 : memref<1000000xf32, #tpu.memory_space<hbm>>) target(%dma_start3A_1828 : memref<128xf32, #tpu.memory_space<vmem>>) offsets(%dma_start3A_1831 : memref<128xi32, #tpu.memory_space<vmem>>) semaphore(%arg19 : memref<!tpu.dma_semaphore, #tpu.memory_space<semaphore_mem>>)
    %dma_start3A_1834 = arith.constant 1 : i32
    %dma_start3A_1835 = arith.constant 1 : i32
    %dma_start3A_1836 = arith.constant 0 : i32
    %dma_start3A_1837 = arith.constant 0 : i32
    %dma_start3A_1838 = tpu.memref_slice %arg15[%dma_start3A_1835, %dma_start3A_1836, %dma_start3A_1837] : memref<4x128x32xf32, #tpu.memory_space<vmem>> -> memref<1x128x32xf32, #tpu.memory_space<vmem>>
    %dma_start3A_1839 = tpu.memref_squeeze %dma_start3A_1838 : memref<1x128x32xf32, #tpu.memory_space<vmem>> -> memref<128x32xf32, #tpu.memory_space<vmem>>
    %dma_start3A_1840 = arith.constant 0 : i32
    %dma_start3A_1841 = tpu.memref_slice %arg13[%dma_start3A_1834, %dma_start3A_1840] : memref<4x128xi32, #tpu.memory_space<vmem>> -> memref<1x128xi32, #tpu.memory_space<vmem>>
    %dma_start3A_1842 = tpu.memref_squeeze %dma_start3A_1841 : memref<1x128xi32, #tpu.memory_space<vmem>> -> memref<128xi32, #tpu.memory_space<vmem>>
    %dma_start3A_1843 = arith.constant 0 : i32
    %dma_start3A_1844 = arith.constant 0 : i32
    %dma_start3A_1845 = tpu.memref_slice %arg2[%dma_start3A_1843, %dma_start3A_1844] : memref<1015808x32xf32, #tpu.memory_space<hbm>> -> memref<1015808x32xf32, #tpu.memory_space<hbm>>
    tpu.enqueue_indirect_dma source(%dma_start3A_1845 : memref<1015808x32xf32, #tpu.memory_space<hbm>>) target(%dma_start3A_1839 : memref<128x32xf32, #tpu.memory_space<vmem>>) offsets(%dma_start3A_1842 : memref<128xi32, #tpu.memory_space<vmem>>) semaphore(%arg19 : memref<!tpu.dma_semaphore, #tpu.memory_space<semaphore_mem>>)
    %dma_start3A_1846 = arith.constant 1 : i32
    %dma_start3A_1847 = arith.constant 1 : i32
    %dma_start3A_1848 = arith.constant 0 : i32
    %dma_start3A_1849 = arith.constant 0 : i32
    %dma_start3A_1850 = tpu.memref_slice %arg16[%dma_start3A_1847, %dma_start3A_1848, %dma_start3A_1849] : memref<4x128x32xf32, #tpu.memory_space<vmem>> -> memref<1x128x32xf32, #tpu.memory_space<vmem>>
    %dma_start3A_1851 = tpu.memref_squeeze %dma_start3A_1850 : memref<1x128x32xf32, #tpu.memory_space<vmem>> -> memref<128x32xf32, #tpu.memory_space<vmem>>
    %dma_start3A_1852 = arith.constant 0 : i32
    %dma_start3A_1853 = tpu.memref_slice %arg14[%dma_start3A_1846, %dma_start3A_1852] : memref<4x128xi32, #tpu.memory_space<vmem>> -> memref<1x128xi32, #tpu.memory_space<vmem>>
    %dma_start3A_1854 = tpu.memref_squeeze %dma_start3A_1853 : memref<1x128xi32, #tpu.memory_space<vmem>> -> memref<128xi32, #tpu.memory_space<vmem>>
    %dma_start3A_1855 = arith.constant 0 : i32
    %dma_start3A_1856 = arith.constant 0 : i32
    %dma_start3A_1857 = tpu.memref_slice %arg2[%dma_start3A_1855, %dma_start3A_1856] : memref<1015808x32xf32, #tpu.memory_space<hbm>> -> memref<1015808x32xf32, #tpu.memory_space<hbm>>
    tpu.enqueue_indirect_dma source(%dma_start3A_1857 : memref<1015808x32xf32, #tpu.memory_space<hbm>>) target(%dma_start3A_1851 : memref<128x32xf32, #tpu.memory_space<vmem>>) offsets(%dma_start3A_1854 : memref<128xi32, #tpu.memory_space<vmem>>) semaphore(%arg19 : memref<!tpu.dma_semaphore, #tpu.memory_space<semaphore_mem>>)
    %dma_start3A_1858 = arith.constant 1 : i32
    %dma_start3A_1859 = arith.constant 1 : i32
    %dma_start3A_1860 = arith.constant 0 : i32
    %dma_start3A_1861 = tpu.memref_slice %arg17[%dma_start3A_1859, %dma_start3A_1860] : memref<4x128xf32, #tpu.memory_space<vmem>> -> memref<1x128xf32, #tpu.memory_space<vmem>>
    %dma_start3A_1862 = tpu.memref_squeeze %dma_start3A_1861 : memref<1x128xf32, #tpu.memory_space<vmem>> -> memref<128xf32, #tpu.memory_space<vmem>>
    %dma_start3A_1863 = arith.constant 0 : i32
    %dma_start3A_1864 = tpu.memref_slice %arg11[%dma_start3A_1858, %dma_start3A_1863] : memref<4x128xi32, #tpu.memory_space<vmem>> -> memref<1x128xi32, #tpu.memory_space<vmem>>
    %dma_start3A_1865 = tpu.memref_squeeze %dma_start3A_1864 : memref<1x128xi32, #tpu.memory_space<vmem>> -> memref<128xi32, #tpu.memory_space<vmem>>
    %dma_start3A_1866 = arith.constant 0 : i32
    %dma_start3A_1867 = tpu.memref_slice %arg3[%dma_start3A_1866] : memref<1000000xf32, #tpu.memory_space<hbm>> -> memref<1000000xf32, #tpu.memory_space<hbm>>
    tpu.enqueue_indirect_dma source(%dma_start3A_1867 : memref<1000000xf32, #tpu.memory_space<hbm>>) target(%dma_start3A_1862 : memref<128xf32, #tpu.memory_space<vmem>>) offsets(%dma_start3A_1865 : memref<128xi32, #tpu.memory_space<vmem>>) semaphore(%arg19 : memref<!tpu.dma_semaphore, #tpu.memory_space<semaphore_mem>>)
    %dma_start3A_1868 = arith.constant 1 : i32
    %dma_start3A_1869 = arith.constant 1 : i32
    %dma_start3A_1870 = arith.constant 0 : i32
    %dma_start3A_1871 = tpu.memref_slice %arg18[%dma_start3A_1869, %dma_start3A_1870] : memref<4x128xf32, #tpu.memory_space<vmem>> -> memref<1x128xf32, #tpu.memory_space<vmem>>
    %dma_start3A_1872 = tpu.memref_squeeze %dma_start3A_1871 : memref<1x128xf32, #tpu.memory_space<vmem>> -> memref<128xf32, #tpu.memory_space<vmem>>
    %dma_start3A_1873 = arith.constant 0 : i32
    %dma_start3A_1874 = tpu.memref_slice %arg12[%dma_start3A_1868, %dma_start3A_1873] : memref<4x128xi32, #tpu.memory_space<vmem>> -> memref<1x128xi32, #tpu.memory_space<vmem>>
    %dma_start3A_1875 = tpu.memref_squeeze %dma_start3A_1874 : memref<1x128xi32, #tpu.memory_space<vmem>> -> memref<128xi32, #tpu.memory_space<vmem>>
    %dma_start3A_1876 = arith.constant 0 : i32
    %dma_start3A_1877 = tpu.memref_slice %arg4[%dma_start3A_1876] : memref<1000000xf32, #tpu.memory_space<hbm>> -> memref<1000000xf32, #tpu.memory_space<hbm>>
    tpu.enqueue_indirect_dma source(%dma_start3A_1877 : memref<1000000xf32, #tpu.memory_space<hbm>>) target(%dma_start3A_1872 : memref<128xf32, #tpu.memory_space<vmem>>) offsets(%dma_start3A_1875 : memref<128xi32, #tpu.memory_space<vmem>>) semaphore(%arg19 : memref<!tpu.dma_semaphore, #tpu.memory_space<semaphore_mem>>)
    %dma_start3A_1878 = arith.constant 2 : i32
    %dma_start3A_1879 = arith.constant 2 : i32
    %dma_start3A_1880 = arith.constant 0 : i32
    %dma_start3A_1881 = arith.constant 0 : i32
    %dma_start3A_1882 = tpu.memref_slice %arg15[%dma_start3A_1879, %dma_start3A_1880, %dma_start3A_1881] : memref<4x128x32xf32, #tpu.memory_space<vmem>> -> memref<1x128x32xf32, #tpu.memory_space<vmem>>
    %dma_start3A_1883 = tpu.memref_squeeze %dma_start3A_1882 : memref<1x128x32xf32, #tpu.memory_space<vmem>> -> memref<128x32xf32, #tpu.memory_space<vmem>>
    %dma_start3A_1884 = arith.constant 0 : i32
    %dma_start3A_1885 = tpu.memref_slice %arg13[%dma_start3A_1878, %dma_start3A_1884] : memref<4x128xi32, #tpu.memory_space<vmem>> -> memref<1x128xi32, #tpu.memory_space<vmem>>
    %dma_start3A_1886 = tpu.memref_squeeze %dma_start3A_1885 : memref<1x128xi32, #tpu.memory_space<vmem>> -> memref<128xi32, #tpu.memory_space<vmem>>
    %dma_start3A_1887 = arith.constant 0 : i32
    %dma_start3A_1888 = arith.constant 0 : i32
    %dma_start3A_1889 = tpu.memref_slice %arg2[%dma_start3A_1887, %dma_start3A_1888] : memref<1015808x32xf32, #tpu.memory_space<hbm>> -> memref<1015808x32xf32, #tpu.memory_space<hbm>>
    tpu.enqueue_indirect_dma source(%dma_start3A_1889 : memref<1015808x32xf32, #tpu.memory_space<hbm>>) target(%dma_start3A_1883 : memref<128x32xf32, #tpu.memory_space<vmem>>) offsets(%dma_start3A_1886 : memref<128xi32, #tpu.memory_space<vmem>>) semaphore(%arg19 : memref<!tpu.dma_semaphore, #tpu.memory_space<semaphore_mem>>)
    %dma_start3A_1890 = arith.constant 2 : i32
    %dma_start3A_1891 = arith.constant 2 : i32
    %dma_start3A_1892 = arith.constant 0 : i32
    %dma_start3A_1893 = arith.constant 0 : i32
    %dma_start3A_1894 = tpu.memref_slice %arg16[%dma_start3A_1891, %dma_start3A_1892, %dma_start3A_1893] : memref<4x128x32xf32, #tpu.memory_space<vmem>> -> memref<1x128x32xf32, #tpu.memory_space<vmem>>
    %dma_start3A_1895 = tpu.memref_squeeze %dma_start3A_1894 : memref<1x128x32xf32, #tpu.memory_space<vmem>> -> memref<128x32xf32, #tpu.memory_space<vmem>>
    %dma_start3A_1896 = arith.constant 0 : i32
    %dma_start3A_1897 = tpu.memref_slice %arg14[%dma_start3A_1890, %dma_start3A_1896] : memref<4x128xi32, #tpu.memory_space<vmem>> -> memref<1x128xi32, #tpu.memory_space<vmem>>
    %dma_start3A_1898 = tpu.memref_squeeze %dma_start3A_1897 : memref<1x128xi32, #tpu.memory_space<vmem>> -> memref<128xi32, #tpu.memory_space<vmem>>
    %dma_start3A_1899 = arith.constant 0 : i32
    %dma_start3A_1900 = arith.constant 0 : i32
    %dma_start3A_1901 = tpu.memref_slice %arg2[%dma_start3A_1899, %dma_start3A_1900] : memref<1015808x32xf32, #tpu.memory_space<hbm>> -> memref<1015808x32xf32, #tpu.memory_space<hbm>>
    tpu.enqueue_indirect_dma source(%dma_start3A_1901 : memref<1015808x32xf32, #tpu.memory_space<hbm>>) target(%dma_start3A_1895 : memref<128x32xf32, #tpu.memory_space<vmem>>) offsets(%dma_start3A_1898 : memref<128xi32, #tpu.memory_space<vmem>>) semaphore(%arg19 : memref<!tpu.dma_semaphore, #tpu.memory_space<semaphore_mem>>)
    %dma_start3A_1902 = arith.constant 2 : i32
    %dma_start3A_1903 = arith.constant 2 : i32
    %dma_start3A_1904 = arith.constant 0 : i32
    %dma_start3A_1905 = tpu.memref_slice %arg17[%dma_start3A_1903, %dma_start3A_1904] : memref<4x128xf32, #tpu.memory_space<vmem>> -> memref<1x128xf32, #tpu.memory_space<vmem>>
    %dma_start3A_1906 = tpu.memref_squeeze %dma_start3A_1905 : memref<1x128xf32, #tpu.memory_space<vmem>> -> memref<128xf32, #tpu.memory_space<vmem>>
    %dma_start3A_1907 = arith.constant 0 : i32
    %dma_start3A_1908 = tpu.memref_slice %arg11[%dma_start3A_1902, %dma_start3A_1907] : memref<4x128xi32, #tpu.memory_space<vmem>> -> memref<1x128xi32, #tpu.memory_space<vmem>>
    %dma_start3A_1909 = tpu.memref_squeeze %dma_start3A_1908 : memref<1x128xi32, #tpu.memory_space<vmem>> -> memref<128xi32, #tpu.memory_space<vmem>>
    %dma_start3A_1910 = arith.constant 0 : i32
    %dma_start3A_1911 = tpu.memref_slice %arg3[%dma_start3A_1910] : memref<1000000xf32, #tpu.memory_space<hbm>> -> memref<1000000xf32, #tpu.memory_space<hbm>>
    tpu.enqueue_indirect_dma source(%dma_start3A_1911 : memref<1000000xf32, #tpu.memory_space<hbm>>) target(%dma_start3A_1906 : memref<128xf32, #tpu.memory_space<vmem>>) offsets(%dma_start3A_1909 : memref<128xi32, #tpu.memory_space<vmem>>) semaphore(%arg19 : memref<!tpu.dma_semaphore, #tpu.memory_space<semaphore_mem>>)
    %dma_start3A_1912 = arith.constant 2 : i32
    %dma_start3A_1913 = arith.constant 2 : i32
    %dma_start3A_1914 = arith.constant 0 : i32
    %dma_start3A_1915 = tpu.memref_slice %arg18[%dma_start3A_1913, %dma_start3A_1914] : memref<4x128xf32, #tpu.memory_space<vmem>> -> memref<1x128xf32, #tpu.memory_space<vmem>>
    %dma_start3A_1916 = tpu.memref_squeeze %dma_start3A_1915 : memref<1x128xf32, #tpu.memory_space<vmem>> -> memref<128xf32, #tpu.memory_space<vmem>>
    %dma_start3A_1917 = arith.constant 0 : i32
    %dma_start3A_1918 = tpu.memref_slice %arg12[%dma_start3A_1912, %dma_start3A_1917] : memref<4x128xi32, #tpu.memory_space<vmem>> -> memref<1x128xi32, #tpu.memory_space<vmem>>
    %dma_start3A_1919 = tpu.memref_squeeze %dma_start3A_1918 : memref<1x128xi32, #tpu.memory_space<vmem>> -> memref<128xi32, #tpu.memory_space<vmem>>
    %dma_start3A_1920 = arith.constant 0 : i32
    %dma_start3A_1921 = tpu.memref_slice %arg4[%dma_start3A_1920] : memref<1000000xf32, #tpu.memory_space<hbm>> -> memref<1000000xf32, #tpu.memory_space<hbm>>
    tpu.enqueue_indirect_dma source(%dma_start3A_1921 : memref<1000000xf32, #tpu.memory_space<hbm>>) target(%dma_start3A_1916 : memref<128xf32, #tpu.memory_space<vmem>>) offsets(%dma_start3A_1919 : memref<128xi32, #tpu.memory_space<vmem>>) semaphore(%arg19 : memref<!tpu.dma_semaphore, #tpu.memory_space<semaphore_mem>>)
    %dma_start3A_1922 = arith.constant 3 : i32
    %dma_start3A_1923 = arith.constant 3 : i32
    %dma_start3A_1924 = arith.constant 0 : i32
    %dma_start3A_1925 = arith.constant 0 : i32
    %dma_start3A_1926 = tpu.memref_slice %arg15[%dma_start3A_1923, %dma_start3A_1924, %dma_start3A_1925] : memref<4x128x32xf32, #tpu.memory_space<vmem>> -> memref<1x128x32xf32, #tpu.memory_space<vmem>>
    %dma_start3A_1927 = tpu.memref_squeeze %dma_start3A_1926 : memref<1x128x32xf32, #tpu.memory_space<vmem>> -> memref<128x32xf32, #tpu.memory_space<vmem>>
    %dma_start3A_1928 = arith.constant 0 : i32
    %dma_start3A_1929 = tpu.memref_slice %arg13[%dma_start3A_1922, %dma_start3A_1928] : memref<4x128xi32, #tpu.memory_space<vmem>> -> memref<1x128xi32, #tpu.memory_space<vmem>>
    %dma_start3A_1930 = tpu.memref_squeeze %dma_start3A_1929 : memref<1x128xi32, #tpu.memory_space<vmem>> -> memref<128xi32, #tpu.memory_space<vmem>>
    %dma_start3A_1931 = arith.constant 0 : i32
    %dma_start3A_1932 = arith.constant 0 : i32
    %dma_start3A_1933 = tpu.memref_slice %arg2[%dma_start3A_1931, %dma_start3A_1932] : memref<1015808x32xf32, #tpu.memory_space<hbm>> -> memref<1015808x32xf32, #tpu.memory_space<hbm>>
    tpu.enqueue_indirect_dma source(%dma_start3A_1933 : memref<1015808x32xf32, #tpu.memory_space<hbm>>) target(%dma_start3A_1927 : memref<128x32xf32, #tpu.memory_space<vmem>>) offsets(%dma_start3A_1930 : memref<128xi32, #tpu.memory_space<vmem>>) semaphore(%arg19 : memref<!tpu.dma_semaphore, #tpu.memory_space<semaphore_mem>>)
    %dma_start3A_1934 = arith.constant 3 : i32
    %dma_start3A_1935 = arith.constant 3 : i32
    %dma_start3A_1936 = arith.constant 0 : i32
    %dma_start3A_1937 = arith.constant 0 : i32
    %dma_start3A_1938 = tpu.memref_slice %arg16[%dma_start3A_1935, %dma_start3A_1936, %dma_start3A_1937] : memref<4x128x32xf32, #tpu.memory_space<vmem>> -> memref<1x128x32xf32, #tpu.memory_space<vmem>>
    %dma_start3A_1939 = tpu.memref_squeeze %dma_start3A_1938 : memref<1x128x32xf32, #tpu.memory_space<vmem>> -> memref<128x32xf32, #tpu.memory_space<vmem>>
    %dma_start3A_1940 = arith.constant 0 : i32
    %dma_start3A_1941 = tpu.memref_slice %arg14[%dma_start3A_1934, %dma_start3A_1940] : memref<4x128xi32, #tpu.memory_space<vmem>> -> memref<1x128xi32, #tpu.memory_space<vmem>>
    %dma_start3A_1942 = tpu.memref_squeeze %dma_start3A_1941 : memref<1x128xi32, #tpu.memory_space<vmem>> -> memref<128xi32, #tpu.memory_space<vmem>>
    %dma_start3A_1943 = arith.constant 0 : i32
    %dma_start3A_1944 = arith.constant 0 : i32
    %dma_start3A_1945 = tpu.memref_slice %arg2[%dma_start3A_1943, %dma_start3A_1944] : memref<1015808x32xf32, #tpu.memory_space<hbm>> -> memref<1015808x32xf32, #tpu.memory_space<hbm>>
    tpu.enqueue_indirect_dma source(%dma_start3A_1945 : memref<1015808x32xf32, #tpu.memory_space<hbm>>) target(%dma_start3A_1939 : memref<128x32xf32, #tpu.memory_space<vmem>>) offsets(%dma_start3A_1942 : memref<128xi32, #tpu.memory_space<vmem>>) semaphore(%arg19 : memref<!tpu.dma_semaphore, #tpu.memory_space<semaphore_mem>>)
    %dma_start3A_1946 = arith.constant 3 : i32
    %dma_start3A_1947 = arith.constant 3 : i32
    %dma_start3A_1948 = arith.constant 0 : i32
    %dma_start3A_1949 = tpu.memref_slice %arg17[%dma_start3A_1947, %dma_start3A_1948] : memref<4x128xf32, #tpu.memory_space<vmem>> -> memref<1x128xf32, #tpu.memory_space<vmem>>
    %dma_start3A_1950 = tpu.memref_squeeze %dma_start3A_1949 : memref<1x128xf32, #tpu.memory_space<vmem>> -> memref<128xf32, #tpu.memory_space<vmem>>
    %dma_start3A_1951 = arith.constant 0 : i32
    %dma_start3A_1952 = tpu.memref_slice %arg11[%dma_start3A_1946, %dma_start3A_1951] : memref<4x128xi32, #tpu.memory_space<vmem>> -> memref<1x128xi32, #tpu.memory_space<vmem>>
    %dma_start3A_1953 = tpu.memref_squeeze %dma_start3A_1952 : memref<1x128xi32, #tpu.memory_space<vmem>> -> memref<128xi32, #tpu.memory_space<vmem>>
    %dma_start3A_1954 = arith.constant 0 : i32
    %dma_start3A_1955 = tpu.memref_slice %arg3[%dma_start3A_1954] : memref<1000000xf32, #tpu.memory_space<hbm>> -> memref<1000000xf32, #tpu.memory_space<hbm>>
    tpu.enqueue_indirect_dma source(%dma_start3A_1955 : memref<1000000xf32, #tpu.memory_space<hbm>>) target(%dma_start3A_1950 : memref<128xf32, #tpu.memory_space<vmem>>) offsets(%dma_start3A_1953 : memref<128xi32, #tpu.memory_space<vmem>>) semaphore(%arg19 : memref<!tpu.dma_semaphore, #tpu.memory_space<semaphore_mem>>)
    %dma_start3A_1956 = arith.constant 3 : i32
    %dma_start3A_1957 = arith.constant 3 : i32
    %dma_start3A_1958 = arith.constant 0 : i32
    %dma_start3A_1959 = tpu.memref_slice %arg18[%dma_start3A_1957, %dma_start3A_1958] : memref<4x128xf32, #tpu.memory_space<vmem>> -> memref<1x128xf32, #tpu.memory_space<vmem>>
    %dma_start3A_1960 = tpu.memref_squeeze %dma_start3A_1959 : memref<1x128xf32, #tpu.memory_space<vmem>> -> memref<128xf32, #tpu.memory_space<vmem>>
    %dma_start3A_1961 = arith.constant 0 : i32
    %dma_start3A_1962 = tpu.memref_slice %arg12[%dma_start3A_1956, %dma_start3A_1961] : memref<4x128xi32, #tpu.memory_space<vmem>> -> memref<1x128xi32, #tpu.memory_space<vmem>>
    %dma_start3A_1963 = tpu.memref_squeeze %dma_start3A_1962 : memref<1x128xi32, #tpu.memory_space<vmem>> -> memref<128xi32, #tpu.memory_space<vmem>>
    %dma_start3A_1964 = arith.constant 0 : i32
    %dma_start3A_1965 = tpu.memref_slice %arg4[%dma_start3A_1964] : memref<1000000xf32, #tpu.memory_space<hbm>> -> memref<1000000xf32, #tpu.memory_space<hbm>>
    tpu.enqueue_indirect_dma source(%dma_start3A_1965 : memref<1000000xf32, #tpu.memory_space<hbm>>) target(%dma_start3A_1960 : memref<128xf32, #tpu.memory_space<vmem>>) offsets(%dma_start3A_1963 : memref<128xi32, #tpu.memory_space<vmem>>) semaphore(%arg19 : memref<!tpu.dma_semaphore, #tpu.memory_space<semaphore_mem>>)
    %dma_wait3A = arith.constant 0 : i32
    %dma_wait3A_1966 = arith.constant 0 : i32
    %dma_wait3A_1967 = arith.constant 0 : i32
    %dma_wait3A_1968 = arith.constant 0 : i32
    %dma_wait3A_1969 = tpu.memref_slice %arg15[%dma_wait3A_1966, %dma_wait3A_1967, %dma_wait3A_1968] : memref<4x128x32xf32, #tpu.memory_space<vmem>> -> memref<1x128x32xf32, #tpu.memory_space<vmem>>
    %dma_wait3A_1970 = tpu.memref_squeeze %dma_wait3A_1969 : memref<1x128x32xf32, #tpu.memory_space<vmem>> -> memref<128x32xf32, #tpu.memory_space<vmem>>
    %dma_wait3A_1971 = arith.constant 0 : i32
    %dma_wait3A_1972 = tpu.memref_slice %arg13[%dma_wait3A, %dma_wait3A_1971] : memref<4x128xi32, #tpu.memory_space<vmem>> -> memref<1x128xi32, #tpu.memory_space<vmem>>
    %dma_wait3A_1973 = tpu.memref_squeeze %dma_wait3A_1972 : memref<1x128xi32, #tpu.memory_space<vmem>> -> memref<128xi32, #tpu.memory_space<vmem>>
    %dma_wait3A_1974 = arith.constant 0 : i32
    %dma_wait3A_1975 = arith.constant 0 : i32
    %dma_wait3A_1976 = tpu.memref_slice %arg2[%dma_wait3A_1974, %dma_wait3A_1975] : memref<1015808x32xf32, #tpu.memory_space<hbm>> -> memref<1015808x32xf32, #tpu.memory_space<hbm>>
    tpu.wait_indirect_dma semaphore(%arg19 : memref<!tpu.dma_semaphore, #tpu.memory_space<semaphore_mem>>) src(%dma_wait3A_1976 : memref<1015808x32xf32, #tpu.memory_space<hbm>>) dst(%dma_wait3A_1970 : memref<128x32xf32, #tpu.memory_space<vmem>>)
    %dma_wait3A_1977 = arith.constant 0 : i32
    %dma_wait3A_1978 = arith.constant 0 : i32
    %dma_wait3A_1979 = arith.constant 0 : i32
    %dma_wait3A_1980 = arith.constant 0 : i32
    %dma_wait3A_1981 = tpu.memref_slice %arg16[%dma_wait3A_1978, %dma_wait3A_1979, %dma_wait3A_1980] : memref<4x128x32xf32, #tpu.memory_space<vmem>> -> memref<1x128x32xf32, #tpu.memory_space<vmem>>
    %dma_wait3A_1982 = tpu.memref_squeeze %dma_wait3A_1981 : memref<1x128x32xf32, #tpu.memory_space<vmem>> -> memref<128x32xf32, #tpu.memory_space<vmem>>
    %dma_wait3A_1983 = arith.constant 0 : i32
    %dma_wait3A_1984 = tpu.memref_slice %arg14[%dma_wait3A_1977, %dma_wait3A_1983] : memref<4x128xi32, #tpu.memory_space<vmem>> -> memref<1x128xi32, #tpu.memory_space<vmem>>
    %dma_wait3A_1985 = tpu.memref_squeeze %dma_wait3A_1984 : memref<1x128xi32, #tpu.memory_space<vmem>> -> memref<128xi32, #tpu.memory_space<vmem>>
    %dma_wait3A_1986 = arith.constant 0 : i32
    %dma_wait3A_1987 = arith.constant 0 : i32
    %dma_wait3A_1988 = tpu.memref_slice %arg2[%dma_wait3A_1986, %dma_wait3A_1987] : memref<1015808x32xf32, #tpu.memory_space<hbm>> -> memref<1015808x32xf32, #tpu.memory_space<hbm>>
    tpu.wait_indirect_dma semaphore(%arg19 : memref<!tpu.dma_semaphore, #tpu.memory_space<semaphore_mem>>) src(%dma_wait3A_1988 : memref<1015808x32xf32, #tpu.memory_space<hbm>>) dst(%dma_wait3A_1982 : memref<128x32xf32, #tpu.memory_space<vmem>>)
    %dma_wait3A_1989 = arith.constant 0 : i32
    %dma_wait3A_1990 = arith.constant 0 : i32
    %dma_wait3A_1991 = arith.constant 0 : i32
    %dma_wait3A_1992 = tpu.memref_slice %arg17[%dma_wait3A_1990, %dma_wait3A_1991] : memref<4x128xf32, #tpu.memory_space<vmem>> -> memref<1x128xf32, #tpu.memory_space<vmem>>
    %dma_wait3A_1993 = tpu.memref_squeeze %dma_wait3A_1992 : memref<1x128xf32, #tpu.memory_space<vmem>> -> memref<128xf32, #tpu.memory_space<vmem>>
    %dma_wait3A_1994 = arith.constant 0 : i32
    %dma_wait3A_1995 = tpu.memref_slice %arg11[%dma_wait3A_1989, %dma_wait3A_1994] : memref<4x128xi32, #tpu.memory_space<vmem>> -> memref<1x128xi32, #tpu.memory_space<vmem>>
    %dma_wait3A_1996 = tpu.memref_squeeze %dma_wait3A_1995 : memref<1x128xi32, #tpu.memory_space<vmem>> -> memref<128xi32, #tpu.memory_space<vmem>>
    %dma_wait3A_1997 = arith.constant 0 : i32
    %dma_wait3A_1998 = tpu.memref_slice %arg3[%dma_wait3A_1997] : memref<1000000xf32, #tpu.memory_space<hbm>> -> memref<1000000xf32, #tpu.memory_space<hbm>>
    tpu.wait_indirect_dma semaphore(%arg19 : memref<!tpu.dma_semaphore, #tpu.memory_space<semaphore_mem>>) src(%dma_wait3A_1998 : memref<1000000xf32, #tpu.memory_space<hbm>>) dst(%dma_wait3A_1993 : memref<128xf32, #tpu.memory_space<vmem>>)
    %dma_wait3A_1999 = arith.constant 0 : i32
    %dma_wait3A_2000 = arith.constant 0 : i32
    %dma_wait3A_2001 = arith.constant 0 : i32
    %dma_wait3A_2002 = tpu.memref_slice %arg18[%dma_wait3A_2000, %dma_wait3A_2001] : memref<4x128xf32, #tpu.memory_space<vmem>> -> memref<1x128xf32, #tpu.memory_space<vmem>>
    %dma_wait3A_2003 = tpu.memref_squeeze %dma_wait3A_2002 : memref<1x128xf32, #tpu.memory_space<vmem>> -> memref<128xf32, #tpu.memory_space<vmem>>
    %dma_wait3A_2004 = arith.constant 0 : i32
    %dma_wait3A_2005 = tpu.memref_slice %arg12[%dma_wait3A_1999, %dma_wait3A_2004] : memref<4x128xi32, #tpu.memory_space<vmem>> -> memref<1x128xi32, #tpu.memory_space<vmem>>
    %dma_wait3A_2006 = tpu.memref_squeeze %dma_wait3A_2005 : memref<1x128xi32, #tpu.memory_space<vmem>> -> memref<128xi32, #tpu.memory_space<vmem>>
    %dma_wait3A_2007 = arith.constant 0 : i32
    %dma_wait3A_2008 = tpu.memref_slice %arg4[%dma_wait3A_2007] : memref<1000000xf32, #tpu.memory_space<hbm>> -> memref<1000000xf32, #tpu.memory_space<hbm>>
    tpu.wait_indirect_dma semaphore(%arg19 : memref<!tpu.dma_semaphore, #tpu.memory_space<semaphore_mem>>) src(%dma_wait3A_2008 : memref<1000000xf32, #tpu.memory_space<hbm>>) dst(%dma_wait3A_2003 : memref<128xf32, #tpu.memory_space<vmem>>)
    %dma_wait3A_2009 = arith.constant 1 : i32
    %dma_wait3A_2010 = arith.constant 1 : i32
    %dma_wait3A_2011 = arith.constant 0 : i32
    %dma_wait3A_2012 = arith.constant 0 : i32
    %dma_wait3A_2013 = tpu.memref_slice %arg15[%dma_wait3A_2010, %dma_wait3A_2011, %dma_wait3A_2012] : memref<4x128x32xf32, #tpu.memory_space<vmem>> -> memref<1x128x32xf32, #tpu.memory_space<vmem>>
    %dma_wait3A_2014 = tpu.memref_squeeze %dma_wait3A_2013 : memref<1x128x32xf32, #tpu.memory_space<vmem>> -> memref<128x32xf32, #tpu.memory_space<vmem>>
    %dma_wait3A_2015 = arith.constant 0 : i32
    %dma_wait3A_2016 = tpu.memref_slice %arg13[%dma_wait3A_2009, %dma_wait3A_2015] : memref<4x128xi32, #tpu.memory_space<vmem>> -> memref<1x128xi32, #tpu.memory_space<vmem>>
    %dma_wait3A_2017 = tpu.memref_squeeze %dma_wait3A_2016 : memref<1x128xi32, #tpu.memory_space<vmem>> -> memref<128xi32, #tpu.memory_space<vmem>>
    %dma_wait3A_2018 = arith.constant 0 : i32
    %dma_wait3A_2019 = arith.constant 0 : i32
    %dma_wait3A_2020 = tpu.memref_slice %arg2[%dma_wait3A_2018, %dma_wait3A_2019] : memref<1015808x32xf32, #tpu.memory_space<hbm>> -> memref<1015808x32xf32, #tpu.memory_space<hbm>>
    tpu.wait_indirect_dma semaphore(%arg19 : memref<!tpu.dma_semaphore, #tpu.memory_space<semaphore_mem>>) src(%dma_wait3A_2020 : memref<1015808x32xf32, #tpu.memory_space<hbm>>) dst(%dma_wait3A_2014 : memref<128x32xf32, #tpu.memory_space<vmem>>)
    %dma_wait3A_2021 = arith.constant 1 : i32
    %dma_wait3A_2022 = arith.constant 1 : i32
    %dma_wait3A_2023 = arith.constant 0 : i32
    %dma_wait3A_2024 = arith.constant 0 : i32
    %dma_wait3A_2025 = tpu.memref_slice %arg16[%dma_wait3A_2022, %dma_wait3A_2023, %dma_wait3A_2024] : memref<4x128x32xf32, #tpu.memory_space<vmem>> -> memref<1x128x32xf32, #tpu.memory_space<vmem>>
    %dma_wait3A_2026 = tpu.memref_squeeze %dma_wait3A_2025 : memref<1x128x32xf32, #tpu.memory_space<vmem>> -> memref<128x32xf32, #tpu.memory_space<vmem>>
    %dma_wait3A_2027 = arith.constant 0 : i32
    %dma_wait3A_2028 = tpu.memref_slice %arg14[%dma_wait3A_2021, %dma_wait3A_2027] : memref<4x128xi32, #tpu.memory_space<vmem>> -> memref<1x128xi32, #tpu.memory_space<vmem>>
    %dma_wait3A_2029 = tpu.memref_squeeze %dma_wait3A_2028 : memref<1x128xi32, #tpu.memory_space<vmem>> -> memref<128xi32, #tpu.memory_space<vmem>>
    %dma_wait3A_2030 = arith.constant 0 : i32
    %dma_wait3A_2031 = arith.constant 0 : i32
    %dma_wait3A_2032 = tpu.memref_slice %arg2[%dma_wait3A_2030, %dma_wait3A_2031] : memref<1015808x32xf32, #tpu.memory_space<hbm>> -> memref<1015808x32xf32, #tpu.memory_space<hbm>>
    tpu.wait_indirect_dma semaphore(%arg19 : memref<!tpu.dma_semaphore, #tpu.memory_space<semaphore_mem>>) src(%dma_wait3A_2032 : memref<1015808x32xf32, #tpu.memory_space<hbm>>) dst(%dma_wait3A_2026 : memref<128x32xf32, #tpu.memory_space<vmem>>)
    %dma_wait3A_2033 = arith.constant 1 : i32
    %dma_wait3A_2034 = arith.constant 1 : i32
    %dma_wait3A_2035 = arith.constant 0 : i32
    %dma_wait3A_2036 = tpu.memref_slice %arg17[%dma_wait3A_2034, %dma_wait3A_2035] : memref<4x128xf32, #tpu.memory_space<vmem>> -> memref<1x128xf32, #tpu.memory_space<vmem>>
    %dma_wait3A_2037 = tpu.memref_squeeze %dma_wait3A_2036 : memref<1x128xf32, #tpu.memory_space<vmem>> -> memref<128xf32, #tpu.memory_space<vmem>>
    %dma_wait3A_2038 = arith.constant 0 : i32
    %dma_wait3A_2039 = tpu.memref_slice %arg11[%dma_wait3A_2033, %dma_wait3A_2038] : memref<4x128xi32, #tpu.memory_space<vmem>> -> memref<1x128xi32, #tpu.memory_space<vmem>>
    %dma_wait3A_2040 = tpu.memref_squeeze %dma_wait3A_2039 : memref<1x128xi32, #tpu.memory_space<vmem>> -> memref<128xi32, #tpu.memory_space<vmem>>
    %dma_wait3A_2041 = arith.constant 0 : i32
    %dma_wait3A_2042 = tpu.memref_slice %arg3[%dma_wait3A_2041] : memref<1000000xf32, #tpu.memory_space<hbm>> -> memref<1000000xf32, #tpu.memory_space<hbm>>
    tpu.wait_indirect_dma semaphore(%arg19 : memref<!tpu.dma_semaphore, #tpu.memory_space<semaphore_mem>>) src(%dma_wait3A_2042 : memref<1000000xf32, #tpu.memory_space<hbm>>) dst(%dma_wait3A_2037 : memref<128xf32, #tpu.memory_space<vmem>>)
    %dma_wait3A_2043 = arith.constant 1 : i32
    %dma_wait3A_2044 = arith.constant 1 : i32
    %dma_wait3A_2045 = arith.constant 0 : i32
    %dma_wait3A_2046 = tpu.memref_slice %arg18[%dma_wait3A_2044, %dma_wait3A_2045] : memref<4x128xf32, #tpu.memory_space<vmem>> -> memref<1x128xf32, #tpu.memory_space<vmem>>
    %dma_wait3A_2047 = tpu.memref_squeeze %dma_wait3A_2046 : memref<1x128xf32, #tpu.memory_space<vmem>> -> memref<128xf32, #tpu.memory_space<vmem>>
    %dma_wait3A_2048 = arith.constant 0 : i32
    %dma_wait3A_2049 = tpu.memref_slice %arg12[%dma_wait3A_2043, %dma_wait3A_2048] : memref<4x128xi32, #tpu.memory_space<vmem>> -> memref<1x128xi32, #tpu.memory_space<vmem>>
    %dma_wait3A_2050 = tpu.memref_squeeze %dma_wait3A_2049 : memref<1x128xi32, #tpu.memory_space<vmem>> -> memref<128xi32, #tpu.memory_space<vmem>>
    %dma_wait3A_2051 = arith.constant 0 : i32
    %dma_wait3A_2052 = tpu.memref_slice %arg4[%dma_wait3A_2051] : memref<1000000xf32, #tpu.memory_space<hbm>> -> memref<1000000xf32, #tpu.memory_space<hbm>>
    tpu.wait_indirect_dma semaphore(%arg19 : memref<!tpu.dma_semaphore, #tpu.memory_space<semaphore_mem>>) src(%dma_wait3A_2052 : memref<1000000xf32, #tpu.memory_space<hbm>>) dst(%dma_wait3A_2047 : memref<128xf32, #tpu.memory_space<vmem>>)
    %dma_wait3A_2053 = arith.constant 2 : i32
    %dma_wait3A_2054 = arith.constant 2 : i32
    %dma_wait3A_2055 = arith.constant 0 : i32
    %dma_wait3A_2056 = arith.constant 0 : i32
    %dma_wait3A_2057 = tpu.memref_slice %arg15[%dma_wait3A_2054, %dma_wait3A_2055, %dma_wait3A_2056] : memref<4x128x32xf32, #tpu.memory_space<vmem>> -> memref<1x128x32xf32, #tpu.memory_space<vmem>>
    %dma_wait3A_2058 = tpu.memref_squeeze %dma_wait3A_2057 : memref<1x128x32xf32, #tpu.memory_space<vmem>> -> memref<128x32xf32, #tpu.memory_space<vmem>>
    %dma_wait3A_2059 = arith.constant 0 : i32
    %dma_wait3A_2060 = tpu.memref_slice %arg13[%dma_wait3A_2053, %dma_wait3A_2059] : memref<4x128xi32, #tpu.memory_space<vmem>> -> memref<1x128xi32, #tpu.memory_space<vmem>>
    %dma_wait3A_2061 = tpu.memref_squeeze %dma_wait3A_2060 : memref<1x128xi32, #tpu.memory_space<vmem>> -> memref<128xi32, #tpu.memory_space<vmem>>
    %dma_wait3A_2062 = arith.constant 0 : i32
    %dma_wait3A_2063 = arith.constant 0 : i32
    %dma_wait3A_2064 = tpu.memref_slice %arg2[%dma_wait3A_2062, %dma_wait3A_2063] : memref<1015808x32xf32, #tpu.memory_space<hbm>> -> memref<1015808x32xf32, #tpu.memory_space<hbm>>
    tpu.wait_indirect_dma semaphore(%arg19 : memref<!tpu.dma_semaphore, #tpu.memory_space<semaphore_mem>>) src(%dma_wait3A_2064 : memref<1015808x32xf32, #tpu.memory_space<hbm>>) dst(%dma_wait3A_2058 : memref<128x32xf32, #tpu.memory_space<vmem>>)
    %dma_wait3A_2065 = arith.constant 2 : i32
    %dma_wait3A_2066 = arith.constant 2 : i32
    %dma_wait3A_2067 = arith.constant 0 : i32
    %dma_wait3A_2068 = arith.constant 0 : i32
    %dma_wait3A_2069 = tpu.memref_slice %arg16[%dma_wait3A_2066, %dma_wait3A_2067, %dma_wait3A_2068] : memref<4x128x32xf32, #tpu.memory_space<vmem>> -> memref<1x128x32xf32, #tpu.memory_space<vmem>>
    %dma_wait3A_2070 = tpu.memref_squeeze %dma_wait3A_2069 : memref<1x128x32xf32, #tpu.memory_space<vmem>> -> memref<128x32xf32, #tpu.memory_space<vmem>>
    %dma_wait3A_2071 = arith.constant 0 : i32
    %dma_wait3A_2072 = tpu.memref_slice %arg14[%dma_wait3A_2065, %dma_wait3A_2071] : memref<4x128xi32, #tpu.memory_space<vmem>> -> memref<1x128xi32, #tpu.memory_space<vmem>>
    %dma_wait3A_2073 = tpu.memref_squeeze %dma_wait3A_2072 : memref<1x128xi32, #tpu.memory_space<vmem>> -> memref<128xi32, #tpu.memory_space<vmem>>
    %dma_wait3A_2074 = arith.constant 0 : i32
    %dma_wait3A_2075 = arith.constant 0 : i32
    %dma_wait3A_2076 = tpu.memref_slice %arg2[%dma_wait3A_2074, %dma_wait3A_2075] : memref<1015808x32xf32, #tpu.memory_space<hbm>> -> memref<1015808x32xf32, #tpu.memory_space<hbm>>
    tpu.wait_indirect_dma semaphore(%arg19 : memref<!tpu.dma_semaphore, #tpu.memory_space<semaphore_mem>>) src(%dma_wait3A_2076 : memref<1015808x32xf32, #tpu.memory_space<hbm>>) dst(%dma_wait3A_2070 : memref<128x32xf32, #tpu.memory_space<vmem>>)
    %dma_wait3A_2077 = arith.constant 2 : i32
    %dma_wait3A_2078 = arith.constant 2 : i32
    %dma_wait3A_2079 = arith.constant 0 : i32
    %dma_wait3A_2080 = tpu.memref_slice %arg17[%dma_wait3A_2078, %dma_wait3A_2079] : memref<4x128xf32, #tpu.memory_space<vmem>> -> memref<1x128xf32, #tpu.memory_space<vmem>>
    %dma_wait3A_2081 = tpu.memref_squeeze %dma_wait3A_2080 : memref<1x128xf32, #tpu.memory_space<vmem>> -> memref<128xf32, #tpu.memory_space<vmem>>
    %dma_wait3A_2082 = arith.constant 0 : i32
    %dma_wait3A_2083 = tpu.memref_slice %arg11[%dma_wait3A_2077, %dma_wait3A_2082] : memref<4x128xi32, #tpu.memory_space<vmem>> -> memref<1x128xi32, #tpu.memory_space<vmem>>
    %dma_wait3A_2084 = tpu.memref_squeeze %dma_wait3A_2083 : memref<1x128xi32, #tpu.memory_space<vmem>> -> memref<128xi32, #tpu.memory_space<vmem>>
    %dma_wait3A_2085 = arith.constant 0 : i32
    %dma_wait3A_2086 = tpu.memref_slice %arg3[%dma_wait3A_2085] : memref<1000000xf32, #tpu.memory_space<hbm>> -> memref<1000000xf32, #tpu.memory_space<hbm>>
    tpu.wait_indirect_dma semaphore(%arg19 : memref<!tpu.dma_semaphore, #tpu.memory_space<semaphore_mem>>) src(%dma_wait3A_2086 : memref<1000000xf32, #tpu.memory_space<hbm>>) dst(%dma_wait3A_2081 : memref<128xf32, #tpu.memory_space<vmem>>)
    %dma_wait3A_2087 = arith.constant 2 : i32
    %dma_wait3A_2088 = arith.constant 2 : i32
    %dma_wait3A_2089 = arith.constant 0 : i32
    %dma_wait3A_2090 = tpu.memref_slice %arg18[%dma_wait3A_2088, %dma_wait3A_2089] : memref<4x128xf32, #tpu.memory_space<vmem>> -> memref<1x128xf32, #tpu.memory_space<vmem>>
    %dma_wait3A_2091 = tpu.memref_squeeze %dma_wait3A_2090 : memref<1x128xf32, #tpu.memory_space<vmem>> -> memref<128xf32, #tpu.memory_space<vmem>>
    %dma_wait3A_2092 = arith.constant 0 : i32
    %dma_wait3A_2093 = tpu.memref_slice %arg12[%dma_wait3A_2087, %dma_wait3A_2092] : memref<4x128xi32, #tpu.memory_space<vmem>> -> memref<1x128xi32, #tpu.memory_space<vmem>>
    %dma_wait3A_2094 = tpu.memref_squeeze %dma_wait3A_2093 : memref<1x128xi32, #tpu.memory_space<vmem>> -> memref<128xi32, #tpu.memory_space<vmem>>
    %dma_wait3A_2095 = arith.constant 0 : i32
    %dma_wait3A_2096 = tpu.memref_slice %arg4[%dma_wait3A_2095] : memref<1000000xf32, #tpu.memory_space<hbm>> -> memref<1000000xf32, #tpu.memory_space<hbm>>
    tpu.wait_indirect_dma semaphore(%arg19 : memref<!tpu.dma_semaphore, #tpu.memory_space<semaphore_mem>>) src(%dma_wait3A_2096 : memref<1000000xf32, #tpu.memory_space<hbm>>) dst(%dma_wait3A_2091 : memref<128xf32, #tpu.memory_space<vmem>>)
    %dma_wait3A_2097 = arith.constant 3 : i32
    %dma_wait3A_2098 = arith.constant 3 : i32
    %dma_wait3A_2099 = arith.constant 0 : i32
    %dma_wait3A_2100 = arith.constant 0 : i32
    %dma_wait3A_2101 = tpu.memref_slice %arg15[%dma_wait3A_2098, %dma_wait3A_2099, %dma_wait3A_2100] : memref<4x128x32xf32, #tpu.memory_space<vmem>> -> memref<1x128x32xf32, #tpu.memory_space<vmem>>
    %dma_wait3A_2102 = tpu.memref_squeeze %dma_wait3A_2101 : memref<1x128x32xf32, #tpu.memory_space<vmem>> -> memref<128x32xf32, #tpu.memory_space<vmem>>
    %dma_wait3A_2103 = arith.constant 0 : i32
    %dma_wait3A_2104 = tpu.memref_slice %arg13[%dma_wait3A_2097, %dma_wait3A_2103] : memref<4x128xi32, #tpu.memory_space<vmem>> -> memref<1x128xi32, #tpu.memory_space<vmem>>
    %dma_wait3A_2105 = tpu.memref_squeeze %dma_wait3A_2104 : memref<1x128xi32, #tpu.memory_space<vmem>> -> memref<128xi32, #tpu.memory_space<vmem>>
    %dma_wait3A_2106 = arith.constant 0 : i32
    %dma_wait3A_2107 = arith.constant 0 : i32
    %dma_wait3A_2108 = tpu.memref_slice %arg2[%dma_wait3A_2106, %dma_wait3A_2107] : memref<1015808x32xf32, #tpu.memory_space<hbm>> -> memref<1015808x32xf32, #tpu.memory_space<hbm>>
    tpu.wait_indirect_dma semaphore(%arg19 : memref<!tpu.dma_semaphore, #tpu.memory_space<semaphore_mem>>) src(%dma_wait3A_2108 : memref<1015808x32xf32, #tpu.memory_space<hbm>>) dst(%dma_wait3A_2102 : memref<128x32xf32, #tpu.memory_space<vmem>>)
    %dma_wait3A_2109 = arith.constant 3 : i32
    %dma_wait3A_2110 = arith.constant 3 : i32
    %dma_wait3A_2111 = arith.constant 0 : i32
    %dma_wait3A_2112 = arith.constant 0 : i32
    %dma_wait3A_2113 = tpu.memref_slice %arg16[%dma_wait3A_2110, %dma_wait3A_2111, %dma_wait3A_2112] : memref<4x128x32xf32, #tpu.memory_space<vmem>> -> memref<1x128x32xf32, #tpu.memory_space<vmem>>
    %dma_wait3A_2114 = tpu.memref_squeeze %dma_wait3A_2113 : memref<1x128x32xf32, #tpu.memory_space<vmem>> -> memref<128x32xf32, #tpu.memory_space<vmem>>
    %dma_wait3A_2115 = arith.constant 0 : i32
    %dma_wait3A_2116 = tpu.memref_slice %arg14[%dma_wait3A_2109, %dma_wait3A_2115] : memref<4x128xi32, #tpu.memory_space<vmem>> -> memref<1x128xi32, #tpu.memory_space<vmem>>
    %dma_wait3A_2117 = tpu.memref_squeeze %dma_wait3A_2116 : memref<1x128xi32, #tpu.memory_space<vmem>> -> memref<128xi32, #tpu.memory_space<vmem>>
    %dma_wait3A_2118 = arith.constant 0 : i32
    %dma_wait3A_2119 = arith.constant 0 : i32
    %dma_wait3A_2120 = tpu.memref_slice %arg2[%dma_wait3A_2118, %dma_wait3A_2119] : memref<1015808x32xf32, #tpu.memory_space<hbm>> -> memref<1015808x32xf32, #tpu.memory_space<hbm>>
    tpu.wait_indirect_dma semaphore(%arg19 : memref<!tpu.dma_semaphore, #tpu.memory_space<semaphore_mem>>) src(%dma_wait3A_2120 : memref<1015808x32xf32, #tpu.memory_space<hbm>>) dst(%dma_wait3A_2114 : memref<128x32xf32, #tpu.memory_space<vmem>>)
    %dma_wait3A_2121 = arith.constant 3 : i32
    %dma_wait3A_2122 = arith.constant 3 : i32
    %dma_wait3A_2123 = arith.constant 0 : i32
    %dma_wait3A_2124 = tpu.memref_slice %arg17[%dma_wait3A_2122, %dma_wait3A_2123] : memref<4x128xf32, #tpu.memory_space<vmem>> -> memref<1x128xf32, #tpu.memory_space<vmem>>
    %dma_wait3A_2125 = tpu.memref_squeeze %dma_wait3A_2124 : memref<1x128xf32, #tpu.memory_space<vmem>> -> memref<128xf32, #tpu.memory_space<vmem>>
    %dma_wait3A_2126 = arith.constant 0 : i32
    %dma_wait3A_2127 = tpu.memref_slice %arg11[%dma_wait3A_2121, %dma_wait3A_2126] : memref<4x128xi32, #tpu.memory_space<vmem>> -> memref<1x128xi32, #tpu.memory_space<vmem>>
    %dma_wait3A_2128 = tpu.memref_squeeze %dma_wait3A_2127 : memref<1x128xi32, #tpu.memory_space<vmem>> -> memref<128xi32, #tpu.memory_space<vmem>>
    %dma_wait3A_2129 = arith.constant 0 : i32
    %dma_wait3A_2130 = tpu.memref_slice %arg3[%dma_wait3A_2129] : memref<1000000xf32, #tpu.memory_space<hbm>> -> memref<1000000xf32, #tpu.memory_space<hbm>>
    tpu.wait_indirect_dma semaphore(%arg19 : memref<!tpu.dma_semaphore, #tpu.memory_space<semaphore_mem>>) src(%dma_wait3A_2130 : memref<1000000xf32, #tpu.memory_space<hbm>>) dst(%dma_wait3A_2125 : memref<128xf32, #tpu.memory_space<vmem>>)
    %dma_wait3A_2131 = arith.constant 3 : i32
    %dma_wait3A_2132 = arith.constant 3 : i32
    %dma_wait3A_2133 = arith.constant 0 : i32
    %dma_wait3A_2134 = tpu.memref_slice %arg18[%dma_wait3A_2132, %dma_wait3A_2133] : memref<4x128xf32, #tpu.memory_space<vmem>> -> memref<1x128xf32, #tpu.memory_space<vmem>>
    %dma_wait3A_2135 = tpu.memref_squeeze %dma_wait3A_2134 : memref<1x128xf32, #tpu.memory_space<vmem>> -> memref<128xf32, #tpu.memory_space<vmem>>
    %dma_wait3A_2136 = arith.constant 0 : i32
    %dma_wait3A_2137 = tpu.memref_slice %arg12[%dma_wait3A_2131, %dma_wait3A_2136] : memref<4x128xi32, #tpu.memory_space<vmem>> -> memref<1x128xi32, #tpu.memory_space<vmem>>
    %dma_wait3A_2138 = tpu.memref_squeeze %dma_wait3A_2137 : memref<1x128xi32, #tpu.memory_space<vmem>> -> memref<128xi32, #tpu.memory_space<vmem>>
    %dma_wait3A_2139 = arith.constant 0 : i32
    %dma_wait3A_2140 = tpu.memref_slice %arg4[%dma_wait3A_2139] : memref<1000000xf32, #tpu.memory_space<hbm>> -> memref<1000000xf32, #tpu.memory_space<hbm>>
    tpu.wait_indirect_dma semaphore(%arg19 : memref<!tpu.dma_semaphore, #tpu.memory_space<semaphore_mem>>) src(%dma_wait3A_2140 : memref<1000000xf32, #tpu.memory_space<hbm>>) dst(%dma_wait3A_2135 : memref<128xf32, #tpu.memory_space<vmem>>)
    "tpu.region"() ({
      %run_scoped3A = tpu.sem_alloc : memref<!tpu.dma_semaphore, #tpu.memory_space<semaphore_mem>>
      %dma_start3A_2141 = arith.constant 0 : i32
      %dma_start3A_2142 = arith.constant 0 : i32
      %dma_start3A_2143 = tpu.memref_slice %arg7[%mul3A_2, %dma_start3A_2141, %dma_start3A_2142] : memref<128x128x32xf32, #tpu.memory_space<hbm>> -> memref<4x128x32xf32, #tpu.memory_space<hbm>>
      %dma_start3A_2144 = arith.constant 0 : i32
      %dma_start3A_2145 = arith.constant 0 : i32
      %dma_start3A_2146 = tpu.memref_slice %arg7[%mul3A_2, %dma_start3A_2144, %dma_start3A_2145] : memref<128x128x32xf32, #tpu.memory_space<hbm>> -> memref<4x128x32xf32, #tpu.memory_space<hbm>>
      tpu.enqueue_dma source(%arg15 : memref<4x128x32xf32, #tpu.memory_space<vmem>>) target(%dma_start3A_2146 : memref<4x128x32xf32, #tpu.memory_space<hbm>>) target_semaphore(%run_scoped3A : memref<!tpu.dma_semaphore, #tpu.memory_space<semaphore_mem>>)
      %dma_wait3A_2147 = arith.constant 0 : i32
      %dma_wait3A_2148 = arith.constant 0 : i32
      %dma_wait3A_2149 = tpu.memref_slice %arg7[%mul3A_2, %dma_wait3A_2147, %dma_wait3A_2148] : memref<128x128x32xf32, #tpu.memory_space<hbm>> -> memref<4x128x32xf32, #tpu.memory_space<hbm>>
      %dma_wait3A_2150 = arith.constant 0 : i32
      %dma_wait3A_2151 = arith.constant 0 : i32
      %dma_wait3A_2152 = tpu.memref_slice %arg7[%mul3A_2, %dma_wait3A_2150, %dma_wait3A_2151] : memref<128x128x32xf32, #tpu.memory_space<hbm>> -> memref<4x128x32xf32, #tpu.memory_space<hbm>>
      tpu.wait_dma2 semaphore(%run_scoped3A : memref<!tpu.dma_semaphore, #tpu.memory_space<semaphore_mem>>) src(%arg15 : memref<4x128x32xf32, #tpu.memory_space<vmem>>) dst(%dma_wait3A_2152 : memref<4x128x32xf32, #tpu.memory_space<hbm>>)
      tpu.yield
    }) : () -> ()
    "tpu.region"() ({
      %run_scoped3A = tpu.sem_alloc : memref<!tpu.dma_semaphore, #tpu.memory_space<semaphore_mem>>
      %dma_start3A_2141 = arith.constant 0 : i32
      %dma_start3A_2142 = arith.constant 0 : i32
      %dma_start3A_2143 = tpu.memref_slice %arg8[%mul3A_2, %dma_start3A_2141, %dma_start3A_2142] : memref<128x128x32xf32, #tpu.memory_space<hbm>> -> memref<4x128x32xf32, #tpu.memory_space<hbm>>
      %dma_start3A_2144 = arith.constant 0 : i32
      %dma_start3A_2145 = arith.constant 0 : i32
      %dma_start3A_2146 = tpu.memref_slice %arg8[%mul3A_2, %dma_start3A_2144, %dma_start3A_2145] : memref<128x128x32xf32, #tpu.memory_space<hbm>> -> memref<4x128x32xf32, #tpu.memory_space<hbm>>
      tpu.enqueue_dma source(%arg16 : memref<4x128x32xf32, #tpu.memory_space<vmem>>) target(%dma_start3A_2146 : memref<4x128x32xf32, #tpu.memory_space<hbm>>) target_semaphore(%run_scoped3A : memref<!tpu.dma_semaphore, #tpu.memory_space<semaphore_mem>>)
      %dma_wait3A_2147 = arith.constant 0 : i32
      %dma_wait3A_2148 = arith.constant 0 : i32
      %dma_wait3A_2149 = tpu.memref_slice %arg8[%mul3A_2, %dma_wait3A_2147, %dma_wait3A_2148] : memref<128x128x32xf32, #tpu.memory_space<hbm>> -> memref<4x128x32xf32, #tpu.memory_space<hbm>>
      %dma_wait3A_2150 = arith.constant 0 : i32
      %dma_wait3A_2151 = arith.constant 0 : i32
      %dma_wait3A_2152 = tpu.memref_slice %arg8[%mul3A_2, %dma_wait3A_2150, %dma_wait3A_2151] : memref<128x128x32xf32, #tpu.memory_space<hbm>> -> memref<4x128x32xf32, #tpu.memory_space<hbm>>
      tpu.wait_dma2 semaphore(%run_scoped3A : memref<!tpu.dma_semaphore, #tpu.memory_space<semaphore_mem>>) src(%arg16 : memref<4x128x32xf32, #tpu.memory_space<vmem>>) dst(%dma_wait3A_2152 : memref<4x128x32xf32, #tpu.memory_space<hbm>>)
      tpu.yield
    }) : () -> ()
    "tpu.region"() ({
      %run_scoped3A = tpu.sem_alloc : memref<!tpu.dma_semaphore, #tpu.memory_space<semaphore_mem>>
      %dma_start3A_2141 = arith.constant 0 : i32
      %dma_start3A_2142 = tpu.memref_slice %arg9[%mul3A_2, %dma_start3A_2141] : memref<128x128xf32, #tpu.memory_space<hbm>> -> memref<4x128xf32, #tpu.memory_space<hbm>>
      %dma_start3A_2143 = arith.constant 0 : i32
      %dma_start3A_2144 = tpu.memref_slice %arg9[%mul3A_2, %dma_start3A_2143] : memref<128x128xf32, #tpu.memory_space<hbm>> -> memref<4x128xf32, #tpu.memory_space<hbm>>
      tpu.enqueue_dma source(%arg17 : memref<4x128xf32, #tpu.memory_space<vmem>>) target(%dma_start3A_2144 : memref<4x128xf32, #tpu.memory_space<hbm>>) target_semaphore(%run_scoped3A : memref<!tpu.dma_semaphore, #tpu.memory_space<semaphore_mem>>)
      %dma_wait3A_2145 = arith.constant 0 : i32
      %dma_wait3A_2146 = tpu.memref_slice %arg9[%mul3A_2, %dma_wait3A_2145] : memref<128x128xf32, #tpu.memory_space<hbm>> -> memref<4x128xf32, #tpu.memory_space<hbm>>
      %dma_wait3A_2147 = arith.constant 0 : i32
      %dma_wait3A_2148 = tpu.memref_slice %arg9[%mul3A_2, %dma_wait3A_2147] : memref<128x128xf32, #tpu.memory_space<hbm>> -> memref<4x128xf32, #tpu.memory_space<hbm>>
      tpu.wait_dma2 semaphore(%run_scoped3A : memref<!tpu.dma_semaphore, #tpu.memory_space<semaphore_mem>>) src(%arg17 : memref<4x128xf32, #tpu.memory_space<vmem>>) dst(%dma_wait3A_2148 : memref<4x128xf32, #tpu.memory_space<hbm>>)
      tpu.yield
    }) : () -> ()
    "tpu.region"() ({
      %run_scoped3A = tpu.sem_alloc : memref<!tpu.dma_semaphore, #tpu.memory_space<semaphore_mem>>
      %dma_start3A_2141 = arith.constant 0 : i32
      %dma_start3A_2142 = tpu.memref_slice %arg10[%mul3A_2, %dma_start3A_2141] : memref<128x128xf32, #tpu.memory_space<hbm>> -> memref<4x128xf32, #tpu.memory_space<hbm>>
      %dma_start3A_2143 = arith.constant 0 : i32
      %dma_start3A_2144 = tpu.memref_slice %arg10[%mul3A_2, %dma_start3A_2143] : memref<128x128xf32, #tpu.memory_space<hbm>> -> memref<4x128xf32, #tpu.memory_space<hbm>>
      tpu.enqueue_dma source(%arg18 : memref<4x128xf32, #tpu.memory_space<vmem>>) target(%dma_start3A_2144 : memref<4x128xf32, #tpu.memory_space<hbm>>) target_semaphore(%run_scoped3A : memref<!tpu.dma_semaphore, #tpu.memory_space<semaphore_mem>>)
      %dma_wait3A_2145 = arith.constant 0 : i32
      %dma_wait3A_2146 = tpu.memref_slice %arg10[%mul3A_2, %dma_wait3A_2145] : memref<128x128xf32, #tpu.memory_space<hbm>> -> memref<4x128xf32, #tpu.memory_space<hbm>>
      %dma_wait3A_2147 = arith.constant 0 : i32
      %dma_wait3A_2148 = tpu.memref_slice %arg10[%mul3A_2, %dma_wait3A_2147] : memref<128x128xf32, #tpu.memory_space<hbm>> -> memref<4x128xf32, #tpu.memory_space<hbm>>
      tpu.wait_dma2 semaphore(%run_scoped3A : memref<!tpu.dma_semaphore, #tpu.memory_space<semaphore_mem>>) src(%arg18 : memref<4x128xf32, #tpu.memory_space<vmem>>) dst(%dma_wait3A_2148 : memref<4x128xf32, #tpu.memory_space<hbm>>)
      tpu.yield
    }) : () -> ()
    return
  }
}

module attributes {stable_mosaic.version = 14 : i64} {
  func.func @_relayout_body(%arg0: i32, %arg1: memref<32x32768xf32, #tpu.memory_space<vmem>>, %arg2: memref<8192x128xf32, #tpu.memory_space<vmem>>) attributes {dimension_semantics = [#tpu.dimension_semantics<arbitrary>], iteration_bounds = array<i64: 31>, scalar_prefetch = 0 : i64, scratch_operands = 0 : i64, tpu.core_type = #tpu.core_type<tc>, window_params = [{transform_indices = @transform_0, window_bounds = array<i64: 32, 32768>}, {transform_indices = @transform_1, window_bounds = array<i64: 8192, 128>}]} {
    %iota3A = tpu.iota {dimensions = array<i32: 0>} : vector<32x32xi32>
    %iota3A_0 = tpu.iota {dimensions = array<i32: 1>} : vector<32x32xi32>
    %eq3A = arith.cmpi eq, %iota3A, %iota3A_0 : vector<32x32xi32>
    %convert_element_type3A = arith.extui %eq3A : vector<32x32xi1> to vector<32x32xi32>
    %convert_element_type3A_1 = arith.sitofp %convert_element_type3A : vector<32x32xi32> to vector<32x32xf32>
    %get3A = arith.constant 0 : index
    %get3A_2 = arith.constant 0 : index
    %get3A_3 = vector.load %arg1[%get3A, %get3A_2] : memref<32x32768xf32, #tpu.memory_space<vmem>>, vector<32x32768xf32>
    %dot_general3A = arith.constant dense<0.000000e+00> : vector<32768x32xf32>
    %dot_general3A_4 = tpu.matmul %get3A_3, %convert_element_type3A_1, %dot_general3A {dimension_numbers = #tpu.dot_dimension_numbers<[0], [0], [1], [1], [0, 1, 1, 1], [], []>, transpose_lhs_hint = false} : vector<32x32768xf32>, vector<32x32xf32>, vector<32768x32xf32> -> vector<32768x32xf32>
    %slice3A = vector.extract_strided_slice %dot_general3A_4 {offsets = [0, 0], sizes = [8192, 32], strides = [1, 1]} : vector<32768x32xf32> to vector<8192x32xf32>
    %slice3A_5 = vector.extract_strided_slice %dot_general3A_4 {offsets = [8192, 0], sizes = [8192, 32], strides = [1, 1]} : vector<32768x32xf32> to vector<8192x32xf32>
    %slice3A_6 = vector.extract_strided_slice %dot_general3A_4 {offsets = [16384, 0], sizes = [8192, 32], strides = [1, 1]} : vector<32768x32xf32> to vector<8192x32xf32>
    %slice3A_7 = vector.extract_strided_slice %dot_general3A_4 {offsets = [24576, 0], sizes = [8192, 32], strides = [1, 1]} : vector<32768x32xf32> to vector<8192x32xf32>
    %concatenate3A = tpu.concatenate %slice3A, %slice3A_5, %slice3A_6, %slice3A_7 in 1 : vector<8192x32xf32>, vector<8192x32xf32>, vector<8192x32xf32>, vector<8192x32xf32> -> vector<8192x128xf32>
    %swap3A = arith.constant 0 : index
    %swap3A_8 = arith.constant 0 : index
    %swap3A_9 = vector.load %arg2[%swap3A, %swap3A_8] : memref<8192x128xf32, #tpu.memory_space<vmem>>, vector<8192x128xf32>
    tpu.vector_store %arg2[%swap3A, %swap3A_8], %concatenate3A {strides = array<i32>} : memref<8192x128xf32, #tpu.memory_space<vmem>>, vector<8192x128xf32>,
    return
  }
  func.func @transform_0(%arg0: i32) -> (i32, i32) {
    %c0_i32 = arith.constant 0 : i32
    %c0_i32_0 = arith.constant 0 : i32
    return %c0_i32, %arg0 : i32, i32
  }
  func.func @transform_1(%arg0: i32) -> (i32, i32) {
    %c0_i32 = arith.constant 0 : i32
    %c0_i32_0 = arith.constant 0 : i32
    return %arg0, %c0_i32 : i32, i32
  }
}

module attributes {stable_mosaic.version = 14 : i64} {
  func.func @_math_body(%arg0: i32, %arg1: memref<16x128x32xf32, #tpu.memory_space<vmem>>, %arg2: memref<16x128x32xf32, #tpu.memory_space<vmem>>, %arg3: memref<16x128x1xi32, #tpu.memory_space<vmem>>, %arg4: memref<256x32xf32, #tpu.memory_space<vmem>>, %arg5: memref<256x32xf32, #tpu.memory_space<vmem>>, %arg6: memref<16x128x1xf32, #tpu.memory_space<vmem>>) attributes {dimension_semantics = [#tpu.dimension_semantics<arbitrary>], iteration_bounds = array<i64: 8>, scalar_prefetch = 0 : i64, scratch_operands = 0 : i64, tpu.core_type = #tpu.core_type<tc>, window_params = [{transform_indices = @transform_0, window_bounds = array<i64: 16, 128, 32>}, {transform_indices = @transform_1, window_bounds = array<i64: 16, 128, 32>}, {transform_indices = @transform_2, window_bounds = array<i64: 16, 128, 1>}, {pipeline_mode = #tpu.pipeline_mode<synchronous>, transform_indices = @transform_3, window_bounds = array<i64: 256, 32>}, {pipeline_mode = #tpu.pipeline_mode<synchronous>, transform_indices = @transform_4, window_bounds = array<i64: 256, 32>}, {transform_indices = @transform_5, window_bounds = array<i64: 16, 128, 1>}]} {
    %get3A = arith.constant 0 : index
    %get3A_0 = arith.constant 0 : index
    %get3A_1 = arith.constant 0 : index
    %get3A_2 = vector.load %arg3[%get3A, %get3A_0, %get3A_1] : memref<16x128x1xi32, #tpu.memory_space<vmem>>, vector<16x128x1xi32>
    %iota3A = tpu.iota {dimensions = array<i32: 2>} : vector<16x128x256xi32>
    %eq3A = vector.broadcast %get3A_2 : vector<16x128x1xi32> to vector<16x128x256xi32>
    %eq3A_3 = arith.cmpi eq, %iota3A, %eq3A : vector<16x128x256xi32>
    %convert_element_type3A = arith.extui %eq3A_3 : vector<16x128x256xi1> to vector<16x128x256xi32>
    %convert_element_type3A_4 = arith.sitofp %convert_element_type3A : vector<16x128x256xi32> to vector<16x128x256xf32>
    %get3A_5 = arith.constant 0 : index
    %get3A_6 = arith.constant 0 : index
    %get3A_7 = vector.load %arg4[%get3A_5, %get3A_6] : memref<256x32xf32, #tpu.memory_space<vmem>>, vector<256x32xf32>
    %dot_general3A = arith.constant dense<0.000000e+00> : vector<16x128x32xf32>
    %dot_general3A_8 = tpu.matmul %convert_element_type3A_4, %get3A_7, %dot_general3A {dimension_numbers = #tpu.dot_dimension_numbers<[2], [0], [0, 1], [1], [0, 0, 0, 1, 1, 1], [], []>, transpose_lhs_hint = false} : vector<16x128x256xf32>, vector<256x32xf32>, vector<16x128x32xf32> -> vector<16x128x32xf32>
    %get3A_9 = arith.constant 0 : index
    %get3A_10 = arith.constant 0 : index
    %get3A_11 = vector.load %arg5[%get3A_9, %get3A_10] : memref<256x32xf32, #tpu.memory_space<vmem>>, vector<256x32xf32>
    %dot_general3A_12 = arith.constant dense<0.000000e+00> : vector<16x128x32xf32>
    %dot_general3A_13 = tpu.matmul %convert_element_type3A_4, %get3A_11, %dot_general3A_12 {dimension_numbers = #tpu.dot_dimension_numbers<[2], [0], [0, 1], [1], [0, 0, 0, 1, 1, 1], [], []>, transpose_lhs_hint = false} : vector<16x128x256xf32>, vector<256x32xf32>, vector<16x128x32xf32> -> vector<16x128x32xf32>
    %get3A_14 = arith.constant 0 : index
    %get3A_15 = arith.constant 0 : index
    %get3A_16 = arith.constant 0 : index
    %get3A_17 = vector.load %arg1[%get3A_14, %get3A_15, %get3A_16] : memref<16x128x32xf32, #tpu.memory_space<vmem>>, vector<16x128x32xf32>
    %mul3A = arith.mulf %get3A_17, %get3A_17 : vector<16x128x32xf32>
    %reduce_sum3A = arith.constant dense<0.000000e+00> : vector<16x128xf32>
    %reduce_sum3A_18 = vector.multi_reduction <add>, %mul3A, %reduce_sum3A [2] : vector<16x128x32xf32> to vector<16x128xf32>
    %broadcast_in_dim3A = vector.shape_cast %reduce_sum3A_18 : vector<16x128xf32> to vector<16x128x1xf32>
    %sqrt3A = math.sqrt %broadcast_in_dim3A : vector<16x128x1xf32>
    %ge3A = arith.constant 1.000000e+00 : f32
    %ge3A_19 = vector.broadcast %ge3A : f32 to vector<16x128x1xf32>
    %ge3A_20 = arith.cmpf oge, %sqrt3A, %ge3A_19 : vector<16x128x1xf32>
    %sub3A = arith.constant 9.99999974E-6 : f32
    %sub3A_21 = vector.broadcast %sub3A : f32 to vector<16x128x1xf32>
    %sub3A_22 = arith.subf %sqrt3A, %sub3A_21 : vector<16x128x1xf32>
    %div3A = vector.broadcast %sub3A_22 : vector<16x128x1xf32> to vector<16x128x32xf32>
    %div3A_23 = arith.divf %get3A_17, %div3A : vector<16x128x32xf32>
    %broadcast_in_dim3A_24 = vector.shape_cast %ge3A_20 : vector<16x128x1xi1> to vector<16x128x1xi1>
    %broadcast_in_dim3A_25 = vector.broadcast %broadcast_in_dim3A_24 : vector<16x128x1xi1> to vector<16x128x32xi1>
    %select_n3A = arith.select %broadcast_in_dim3A_25, %div3A_23, %get3A_17 : vector<16x128x32xi1>, vector<16x128x32xf32>
    %get3A_26 = arith.constant 0 : index
    %get3A_27 = arith.constant 0 : index
    %get3A_28 = arith.constant 0 : index
    %get3A_29 = vector.load %arg2[%get3A_26, %get3A_27, %get3A_28] : memref<16x128x32xf32, #tpu.memory_space<vmem>>, vector<16x128x32xf32>
    %mul3A_30 = arith.mulf %get3A_29, %get3A_29 : vector<16x128x32xf32>
    %reduce_sum3A_31 = arith.constant dense<0.000000e+00> : vector<16x128xf32>
    %reduce_sum3A_32 = vector.multi_reduction <add>, %mul3A_30, %reduce_sum3A_31 [2] : vector<16x128x32xf32> to vector<16x128xf32>
    %broadcast_in_dim3A_33 = vector.shape_cast %reduce_sum3A_32 : vector<16x128xf32> to vector<16x128x1xf32>
    %sqrt3A_34 = math.sqrt %broadcast_in_dim3A_33 : vector<16x128x1xf32>
    %ge3A_35 = arith.constant 1.000000e+00 : f32
    %ge3A_36 = vector.broadcast %ge3A_35 : f32 to vector<16x128x1xf32>
    %ge3A_37 = arith.cmpf oge, %sqrt3A_34, %ge3A_36 : vector<16x128x1xf32>
    %sub3A_38 = arith.constant 9.99999974E-6 : f32
    %sub3A_39 = vector.broadcast %sub3A_38 : f32 to vector<16x128x1xf32>
    %sub3A_40 = arith.subf %sqrt3A_34, %sub3A_39 : vector<16x128x1xf32>
    %div3A_41 = vector.broadcast %sub3A_40 : vector<16x128x1xf32> to vector<16x128x32xf32>
    %div3A_42 = arith.divf %get3A_29, %div3A_41 : vector<16x128x32xf32>
    %broadcast_in_dim3A_43 = vector.shape_cast %ge3A_37 : vector<16x128x1xi1> to vector<16x128x1xi1>
    %broadcast_in_dim3A_44 = vector.broadcast %broadcast_in_dim3A_43 : vector<16x128x1xi1> to vector<16x128x32xi1>
    %select_n3A_45 = arith.select %broadcast_in_dim3A_44, %div3A_42, %get3A_29 : vector<16x128x32xi1>, vector<16x128x32xf32>
    %mul3A_46 = arith.mulf %dot_general3A_13, %dot_general3A_13 : vector<16x128x32xf32>
    %reduce_sum3A_47 = arith.constant dense<0.000000e+00> : vector<16x128xf32>
    %reduce_sum3A_48 = vector.multi_reduction <add>, %mul3A_46, %reduce_sum3A_47 [2] : vector<16x128x32xf32> to vector<16x128xf32>
    %broadcast_in_dim3A_49 = vector.shape_cast %reduce_sum3A_48 : vector<16x128xf32> to vector<16x128x1xf32>
    %sqrt3A_50 = math.sqrt %broadcast_in_dim3A_49 : vector<16x128x1xf32>
    %ge3A_51 = arith.constant 1.000000e+00 : f32
    %ge3A_52 = vector.broadcast %ge3A_51 : f32 to vector<16x128x1xf32>
    %ge3A_53 = arith.cmpf oge, %sqrt3A_50, %ge3A_52 : vector<16x128x1xf32>
    %sub3A_54 = arith.constant 9.99999974E-6 : f32
    %sub3A_55 = vector.broadcast %sub3A_54 : f32 to vector<16x128x1xf32>
    %sub3A_56 = arith.subf %sqrt3A_50, %sub3A_55 : vector<16x128x1xf32>
    %div3A_57 = vector.broadcast %sub3A_56 : vector<16x128x1xf32> to vector<16x128x32xf32>
    %div3A_58 = arith.divf %dot_general3A_13, %div3A_57 : vector<16x128x32xf32>
    %broadcast_in_dim3A_59 = vector.shape_cast %ge3A_53 : vector<16x128x1xi1> to vector<16x128x1xi1>
    %broadcast_in_dim3A_60 = vector.broadcast %broadcast_in_dim3A_59 : vector<16x128x1xi1> to vector<16x128x32xi1>
    %select_n3A_61 = arith.select %broadcast_in_dim3A_60, %div3A_58, %dot_general3A_13 : vector<16x128x32xi1>, vector<16x128x32xf32>
    %mul3A_62 = arith.mulf %select_n3A, %select_n3A : vector<16x128x32xf32>
    %reduce_sum3A_63 = arith.constant dense<0.000000e+00> : vector<16x128xf32>
    %reduce_sum3A_64 = vector.multi_reduction <add>, %mul3A_62, %reduce_sum3A_63 [2] : vector<16x128x32xf32> to vector<16x128xf32>
    %broadcast_in_dim3A_65 = vector.shape_cast %reduce_sum3A_64 : vector<16x128xf32> to vector<16x128x1xf32>
    %sqrt3A_66 = math.sqrt %broadcast_in_dim3A_65 : vector<16x128x1xf32>
    %jit3A = arith.constant 1.000000e-10 : f32
    %jit3A_67 = arith.constant 0.999989986 : f32
    %max3A = vector.broadcast %jit3A : f32 to vector<16x128x1xf32>
    %max3A_68 = arith.maximumf %max3A, %sqrt3A_66 : vector<16x128x1xf32>
    %min3A = vector.broadcast %jit3A_67 : f32 to vector<16x128x1xf32>
    %min3A_69 = arith.minimumf %min3A, %max3A_68 : vector<16x128x1xf32>
    %add3A = arith.constant 1.000000e+00 : f32
    %add3A_70 = vector.broadcast %add3A : f32 to vector<16x128x1xf32>
    %add3A_71 = arith.addf %add3A_70, %min3A_69 : vector<16x128x1xf32>
    %sub3A_72 = arith.constant 1.000000e+00 : f32
    %sub3A_73 = vector.broadcast %sub3A_72 : f32 to vector<16x128x1xf32>
    %sub3A_74 = arith.subf %sub3A_73, %min3A_69 : vector<16x128x1xf32>
    %div3A_75 = arith.divf %add3A_71, %sub3A_74 : vector<16x128x1xf32>
    %log3A = math.log %div3A_75 : vector<16x128x1xf32>
    %mul3A_76 = arith.constant 5.000000e-01 : f32
    %mul3A_77 = vector.broadcast %mul3A_76 : f32 to vector<16x128x1xf32>
    %mul3A_78 = arith.mulf %mul3A_77, %log3A : vector<16x128x1xf32>
    %mul3A_79 = vector.broadcast %mul3A_78 : vector<16x128x1xf32> to vector<16x128x32xf32>
    %mul3A_80 = arith.mulf %mul3A_79, %select_n3A : vector<16x128x32xf32>
    %div3A_81 = vector.broadcast %min3A_69 : vector<16x128x1xf32> to vector<16x128x32xf32>
    %div3A_82 = arith.divf %mul3A_80, %div3A_81 : vector<16x128x32xf32>
    %mul3A_83 = arith.mulf %div3A_82, %dot_general3A_8 : vector<16x128x32xf32>
    %mul3A_84 = arith.mulf %mul3A_83, %mul3A_83 : vector<16x128x32xf32>
    %reduce_sum3A_85 = arith.constant dense<0.000000e+00> : vector<16x128xf32>
    %reduce_sum3A_86 = vector.multi_reduction <add>, %mul3A_84, %reduce_sum3A_85 [2] : vector<16x128x32xf32> to vector<16x128xf32>
    %broadcast_in_dim3A_87 = vector.shape_cast %reduce_sum3A_86 : vector<16x128xf32> to vector<16x128x1xf32>
    %sqrt3A_88 = math.sqrt %broadcast_in_dim3A_87 : vector<16x128x1xf32>
    %jit3A_89 = arith.constant 1.000000e-10 : f32
    %max3A_90 = vector.broadcast %jit3A_89 : f32 to vector<16x128x1xf32>
    %max3A_91 = arith.maximumf %max3A_90, %sqrt3A_88 : vector<16x128x1xf32>
    %tanh3A = math.tanh %max3A_91 : vector<16x128x1xf32>
    %mul3A_92 = vector.broadcast %tanh3A : vector<16x128x1xf32> to vector<16x128x32xf32>
    %mul3A_93 = arith.mulf %mul3A_92, %mul3A_83 : vector<16x128x32xf32>
    %div3A_94 = vector.broadcast %max3A_91 : vector<16x128x1xf32> to vector<16x128x32xf32>
    %div3A_95 = arith.divf %mul3A_93, %div3A_94 : vector<16x128x32xf32>
    %mul3A_96 = arith.mulf %div3A_95, %div3A_95 : vector<16x128x32xf32>
    %reduce_sum3A_97 = arith.constant dense<0.000000e+00> : vector<16x128xf32>
    %reduce_sum3A_98 = vector.multi_reduction <add>, %mul3A_96, %reduce_sum3A_97 [2] : vector<16x128x32xf32> to vector<16x128xf32>
    %broadcast_in_dim3A_99 = vector.shape_cast %reduce_sum3A_98 : vector<16x128xf32> to vector<16x128x1xf32>
    %sqrt3A_100 = math.sqrt %broadcast_in_dim3A_99 : vector<16x128x1xf32>
    %ge3A_101 = arith.constant 1.000000e+00 : f32
    %ge3A_102 = vector.broadcast %ge3A_101 : f32 to vector<16x128x1xf32>
    %ge3A_103 = arith.cmpf oge, %sqrt3A_100, %ge3A_102 : vector<16x128x1xf32>
    %sub3A_104 = arith.constant 9.99999974E-6 : f32
    %sub3A_105 = vector.broadcast %sub3A_104 : f32 to vector<16x128x1xf32>
    %sub3A_106 = arith.subf %sqrt3A_100, %sub3A_105 : vector<16x128x1xf32>
    %div3A_107 = vector.broadcast %sub3A_106 : vector<16x128x1xf32> to vector<16x128x32xf32>
    %div3A_108 = arith.divf %div3A_95, %div3A_107 : vector<16x128x32xf32>
    %broadcast_in_dim3A_109 = vector.shape_cast %ge3A_103 : vector<16x128x1xi1> to vector<16x128x1xi1>
    %broadcast_in_dim3A_110 = vector.broadcast %broadcast_in_dim3A_109 : vector<16x128x1xi1> to vector<16x128x32xi1>
    %select_n3A_111 = arith.select %broadcast_in_dim3A_110, %div3A_108, %div3A_95 : vector<16x128x32xi1>, vector<16x128x32xf32>
    %mul3A_112 = arith.mulf %select_n3A_45, %select_n3A_45 : vector<16x128x32xf32>
    %reduce_sum3A_113 = arith.constant dense<0.000000e+00> : vector<16x128xf32>
    %reduce_sum3A_114 = vector.multi_reduction <add>, %mul3A_112, %reduce_sum3A_113 [2] : vector<16x128x32xf32> to vector<16x128xf32>
    %broadcast_in_dim3A_115 = vector.shape_cast %reduce_sum3A_114 : vector<16x128xf32> to vector<16x128x1xf32>
    %jit3A_116 = arith.constant 0.000000e+00 : f32
    %jit3A_117 = arith.constant 0.999989986 : f32
    %max3A_118 = vector.broadcast %jit3A_116 : f32 to vector<16x128x1xf32>
    %max3A_119 = arith.maximumf %max3A_118, %broadcast_in_dim3A_115 : vector<16x128x1xf32>
    %min3A_120 = vector.broadcast %jit3A_117 : f32 to vector<16x128x1xf32>
    %min3A_121 = arith.minimumf %min3A_120, %max3A_119 : vector<16x128x1xf32>
    %mul3A_122 = arith.mulf %select_n3A_61, %select_n3A_61 : vector<16x128x32xf32>
    %reduce_sum3A_123 = arith.constant dense<0.000000e+00> : vector<16x128xf32>
    %reduce_sum3A_124 = vector.multi_reduction <add>, %mul3A_122, %reduce_sum3A_123 [2] : vector<16x128x32xf32> to vector<16x128xf32>
    %broadcast_in_dim3A_125 = vector.shape_cast %reduce_sum3A_124 : vector<16x128xf32> to vector<16x128x1xf32>
    %jit3A_126 = arith.constant 0.000000e+00 : f32
    %jit3A_127 = arith.constant 0.999989986 : f32
    %max3A_128 = vector.broadcast %jit3A_126 : f32 to vector<16x128x1xf32>
    %max3A_129 = arith.maximumf %max3A_128, %broadcast_in_dim3A_125 : vector<16x128x1xf32>
    %min3A_130 = vector.broadcast %jit3A_127 : f32 to vector<16x128x1xf32>
    %min3A_131 = arith.minimumf %min3A_130, %max3A_129 : vector<16x128x1xf32>
    %mul3A_132 = arith.mulf %select_n3A_45, %select_n3A_61 : vector<16x128x32xf32>
    %reduce_sum3A_133 = arith.constant dense<0.000000e+00> : vector<16x128xf32>
    %reduce_sum3A_134 = vector.multi_reduction <add>, %mul3A_132, %reduce_sum3A_133 [2] : vector<16x128x32xf32> to vector<16x128xf32>
    %broadcast_in_dim3A_135 = vector.shape_cast %reduce_sum3A_134 : vector<16x128xf32> to vector<16x128x1xf32>
    %mul3A_136 = arith.constant 2.000000e+00 : f32
    %mul3A_137 = vector.broadcast %mul3A_136 : f32 to vector<16x128x1xf32>
    %mul3A_138 = arith.mulf %mul3A_137, %broadcast_in_dim3A_135 : vector<16x128x1xf32>
    %add3A_139 = arith.constant 1.000000e+00 : f32
    %add3A_140 = vector.broadcast %add3A_139 : f32 to vector<16x128x1xf32>
    %add3A_141 = arith.addf %add3A_140, %mul3A_138 : vector<16x128x1xf32>
    %add3A_142 = arith.addf %add3A_141, %min3A_131 : vector<16x128x1xf32>
    %mul3A_143 = vector.broadcast %add3A_142 : vector<16x128x1xf32> to vector<16x128x32xf32>
    %mul3A_144 = arith.mulf %mul3A_143, %select_n3A_45 : vector<16x128x32xf32>
    %sub3A_145 = arith.constant 1.000000e+00 : f32
    %sub3A_146 = vector.broadcast %sub3A_145 : f32 to vector<16x128x1xf32>
    %sub3A_147 = arith.subf %sub3A_146, %min3A_121 : vector<16x128x1xf32>
    %mul3A_148 = vector.broadcast %sub3A_147 : vector<16x128x1xf32> to vector<16x128x32xf32>
    %mul3A_149 = arith.mulf %mul3A_148, %select_n3A_61 : vector<16x128x32xf32>
    %add3A_150 = arith.addf %mul3A_144, %mul3A_149 : vector<16x128x32xf32>
    %mul3A_151 = arith.constant 2.000000e+00 : f32
    %mul3A_152 = vector.broadcast %mul3A_151 : f32 to vector<16x128x1xf32>
    %mul3A_153 = arith.mulf %mul3A_152, %broadcast_in_dim3A_135 : vector<16x128x1xf32>
    %add3A_154 = arith.constant 1.000000e+00 : f32
    %add3A_155 = vector.broadcast %add3A_154 : f32 to vector<16x128x1xf32>
    %add3A_156 = arith.addf %add3A_155, %mul3A_153 : vector<16x128x1xf32>
    %mul3A_157 = arith.mulf %min3A_121, %min3A_131 : vector<16x128x1xf32>
    %add3A_158 = arith.addf %add3A_156, %mul3A_157 : vector<16x128x1xf32>
    %div3A_159 = vector.broadcast %add3A_158 : vector<16x128x1xf32> to vector<16x128x32xf32>
    %div3A_160 = arith.divf %add3A_150, %div3A_159 : vector<16x128x32xf32>
    %mul3A_161 = arith.mulf %div3A_160, %div3A_160 : vector<16x128x32xf32>
    %reduce_sum3A_162 = arith.constant dense<0.000000e+00> : vector<16x128xf32>
    %reduce_sum3A_163 = vector.multi_reduction <add>, %mul3A_161, %reduce_sum3A_162 [2] : vector<16x128x32xf32> to vector<16x128xf32>
    %broadcast_in_dim3A_164 = vector.shape_cast %reduce_sum3A_163 : vector<16x128xf32> to vector<16x128x1xf32>
    %sqrt3A_165 = math.sqrt %broadcast_in_dim3A_164 : vector<16x128x1xf32>
    %ge3A_166 = arith.constant 1.000000e+00 : f32
    %ge3A_167 = vector.broadcast %ge3A_166 : f32 to vector<16x128x1xf32>
    %ge3A_168 = arith.cmpf oge, %sqrt3A_165, %ge3A_167 : vector<16x128x1xf32>
    %sub3A_169 = arith.constant 9.99999974E-6 : f32
    %sub3A_170 = vector.broadcast %sub3A_169 : f32 to vector<16x128x1xf32>
    %sub3A_171 = arith.subf %sqrt3A_165, %sub3A_170 : vector<16x128x1xf32>
    %div3A_172 = vector.broadcast %sub3A_171 : vector<16x128x1xf32> to vector<16x128x32xf32>
    %div3A_173 = arith.divf %div3A_160, %div3A_172 : vector<16x128x32xf32>
    %broadcast_in_dim3A_174 = vector.shape_cast %ge3A_168 : vector<16x128x1xi1> to vector<16x128x1xi1>
    %broadcast_in_dim3A_175 = vector.broadcast %broadcast_in_dim3A_174 : vector<16x128x1xi1> to vector<16x128x32xi1>
    %select_n3A_176 = arith.select %broadcast_in_dim3A_175, %div3A_173, %div3A_160 : vector<16x128x32xi1>, vector<16x128x32xf32>
    %neg3A = arith.constant 0.000000e+00 : f32
    %neg3A_177 = vector.broadcast %neg3A : f32 to vector<16x128x32xf32>
    %neg3A_178 = arith.subf %neg3A_177, %select_n3A_111 : vector<16x128x32xf32>
    %mul3A_179 = arith.mulf %neg3A_178, %neg3A_178 : vector<16x128x32xf32>
    %reduce_sum3A_180 = arith.constant dense<0.000000e+00> : vector<16x128xf32>
    %reduce_sum3A_181 = vector.multi_reduction <add>, %mul3A_179, %reduce_sum3A_180 [2] : vector<16x128x32xf32> to vector<16x128xf32>
    %broadcast_in_dim3A_182 = vector.shape_cast %reduce_sum3A_181 : vector<16x128xf32> to vector<16x128x1xf32>
    %jit3A_183 = arith.constant 0.000000e+00 : f32
    %jit3A_184 = arith.constant 0.999989986 : f32
    %max3A_185 = vector.broadcast %jit3A_183 : f32 to vector<16x128x1xf32>
    %max3A_186 = arith.maximumf %max3A_185, %broadcast_in_dim3A_182 : vector<16x128x1xf32>
    %min3A_187 = vector.broadcast %jit3A_184 : f32 to vector<16x128x1xf32>
    %min3A_188 = arith.minimumf %min3A_187, %max3A_186 : vector<16x128x1xf32>
    %mul3A_189 = arith.mulf %select_n3A_176, %select_n3A_176 : vector<16x128x32xf32>
    %reduce_sum3A_190 = arith.constant dense<0.000000e+00> : vector<16x128xf32>
    %reduce_sum3A_191 = vector.multi_reduction <add>, %mul3A_189, %reduce_sum3A_190 [2] : vector<16x128x32xf32> to vector<16x128xf32>
    %broadcast_in_dim3A_192 = vector.shape_cast %reduce_sum3A_191 : vector<16x128xf32> to vector<16x128x1xf32>
    %jit3A_193 = arith.constant 0.000000e+00 : f32
    %jit3A_194 = arith.constant 0.999989986 : f32
    %max3A_195 = vector.broadcast %jit3A_193 : f32 to vector<16x128x1xf32>
    %max3A_196 = arith.maximumf %max3A_195, %broadcast_in_dim3A_192 : vector<16x128x1xf32>
    %min3A_197 = vector.broadcast %jit3A_194 : f32 to vector<16x128x1xf32>
    %min3A_198 = arith.minimumf %min3A_197, %max3A_196 : vector<16x128x1xf32>
    %mul3A_199 = arith.mulf %neg3A_178, %select_n3A_176 : vector<16x128x32xf32>
    %reduce_sum3A_200 = arith.constant dense<0.000000e+00> : vector<16x128xf32>
    %reduce_sum3A_201 = vector.multi_reduction <add>, %mul3A_199, %reduce_sum3A_200 [2] : vector<16x128x32xf32> to vector<16x128xf32>
    %broadcast_in_dim3A_202 = vector.shape_cast %reduce_sum3A_201 : vector<16x128xf32> to vector<16x128x1xf32>
    %mul3A_203 = arith.constant 2.000000e+00 : f32
    %mul3A_204 = vector.broadcast %mul3A_203 : f32 to vector<16x128x1xf32>
    %mul3A_205 = arith.mulf %mul3A_204, %broadcast_in_dim3A_202 : vector<16x128x1xf32>
    %add3A_206 = arith.constant 1.000000e+00 : f32
    %add3A_207 = vector.broadcast %add3A_206 : f32 to vector<16x128x1xf32>
    %add3A_208 = arith.addf %add3A_207, %mul3A_205 : vector<16x128x1xf32>
    %add3A_209 = arith.addf %add3A_208, %min3A_198 : vector<16x128x1xf32>
    %mul3A_210 = vector.broadcast %add3A_209 : vector<16x128x1xf32> to vector<16x128x32xf32>
    %mul3A_211 = arith.mulf %mul3A_210, %neg3A_178 : vector<16x128x32xf32>
    %sub3A_212 = arith.constant 1.000000e+00 : f32
    %sub3A_213 = vector.broadcast %sub3A_212 : f32 to vector<16x128x1xf32>
    %sub3A_214 = arith.subf %sub3A_213, %min3A_188 : vector<16x128x1xf32>
    %mul3A_215 = vector.broadcast %sub3A_214 : vector<16x128x1xf32> to vector<16x128x32xf32>
    %mul3A_216 = arith.mulf %mul3A_215, %select_n3A_176 : vector<16x128x32xf32>
    %add3A_217 = arith.addf %mul3A_211, %mul3A_216 : vector<16x128x32xf32>
    %mul3A_218 = arith.constant 2.000000e+00 : f32
    %mul3A_219 = vector.broadcast %mul3A_218 : f32 to vector<16x128x1xf32>
    %mul3A_220 = arith.mulf %mul3A_219, %broadcast_in_dim3A_202 : vector<16x128x1xf32>
    %add3A_221 = arith.constant 1.000000e+00 : f32
    %add3A_222 = vector.broadcast %add3A_221 : f32 to vector<16x128x1xf32>
    %add3A_223 = arith.addf %add3A_222, %mul3A_220 : vector<16x128x1xf32>
    %mul3A_224 = arith.mulf %min3A_188, %min3A_198 : vector<16x128x1xf32>
    %add3A_225 = arith.addf %add3A_223, %mul3A_224 : vector<16x128x1xf32>
    %div3A_226 = vector.broadcast %add3A_225 : vector<16x128x1xf32> to vector<16x128x32xf32>
    %div3A_227 = arith.divf %add3A_217, %div3A_226 : vector<16x128x32xf32>
    %mul3A_228 = arith.mulf %div3A_227, %div3A_227 : vector<16x128x32xf32>
    %reduce_sum3A_229 = arith.constant dense<0.000000e+00> : vector<16x128xf32>
    %reduce_sum3A_230 = vector.multi_reduction <add>, %mul3A_228, %reduce_sum3A_229 [2] : vector<16x128x32xf32> to vector<16x128xf32>
    %broadcast_in_dim3A_231 = vector.shape_cast %reduce_sum3A_230 : vector<16x128xf32> to vector<16x128x1xf32>
    %sqrt3A_232 = math.sqrt %broadcast_in_dim3A_231 : vector<16x128x1xf32>
    %jit3A_233 = arith.constant 1.000000e-10 : f32
    %jit3A_234 = arith.constant 0.999989986 : f32
    %max3A_235 = vector.broadcast %jit3A_233 : f32 to vector<16x128x1xf32>
    %max3A_236 = arith.maximumf %max3A_235, %sqrt3A_232 : vector<16x128x1xf32>
    %min3A_237 = vector.broadcast %jit3A_234 : f32 to vector<16x128x1xf32>
    %min3A_238 = arith.minimumf %min3A_237, %max3A_236 : vector<16x128x1xf32>
    %add3A_239 = arith.constant 1.000000e+00 : f32
    %add3A_240 = vector.broadcast %add3A_239 : f32 to vector<16x128x1xf32>
    %add3A_241 = arith.addf %add3A_240, %min3A_238 : vector<16x128x1xf32>
    %sub3A_242 = arith.constant 1.000000e+00 : f32
    %sub3A_243 = vector.broadcast %sub3A_242 : f32 to vector<16x128x1xf32>
    %sub3A_244 = arith.subf %sub3A_243, %min3A_238 : vector<16x128x1xf32>
    %div3A_245 = arith.divf %add3A_241, %sub3A_244 : vector<16x128x1xf32>
    %log3A_246 = math.log %div3A_245 : vector<16x128x1xf32>
    %mul3A_247 = arith.constant 5.000000e-01 : f32
    %mul3A_248 = vector.broadcast %mul3A_247 : f32 to vector<16x128x1xf32>
    %mul3A_249 = arith.mulf %mul3A_248, %log3A_246 : vector<16x128x1xf32>
    %mul3A_250 = arith.constant 2.000000e+00 : f32
    %mul3A_251 = vector.broadcast %mul3A_250 : f32 to vector<16x128x1xf32>
    %mul3A_252 = arith.mulf %mul3A_251, %mul3A_249 : vector<16x128x1xf32>
    %integer_pow3A = arith.mulf %mul3A_252, %mul3A_252 : vector<16x128x1xf32>
    %neg3A_253 = arith.constant 0.000000e+00 : f32
    %neg3A_254 = vector.broadcast %neg3A_253 : f32 to vector<16x128x1xf32>
    %neg3A_255 = arith.subf %neg3A_254, %integer_pow3A : vector<16x128x1xf32>
    %swap3A = arith.constant 0 : index
    %swap3A_256 = arith.constant 0 : index
    %swap3A_257 = arith.constant 0 : index
    %swap3A_258 = vector.load %arg6[%swap3A, %swap3A_256, %swap3A_257] : memref<16x128x1xf32, #tpu.memory_space<vmem>>, vector<16x128x1xf32>
    tpu.vector_store %arg6[%swap3A, %swap3A_256, %swap3A_257], %neg3A_255 {strides = array<i32>} : memref<16x128x1xf32, #tpu.memory_space<vmem>>, vector<16x128x1xf32>,
    return
  }
  func.func @transform_0(%arg0: i32) -> (i32, i32, i32) {
    %c0_i32 = arith.constant 0 : i32
    %c0_i32_0 = arith.constant 0 : i32
    %c0_i32_1 = arith.constant 0 : i32
    return %arg0, %c0_i32, %c0_i32_0 : i32, i32, i32
  }
  func.func @transform_1(%arg0: i32) -> (i32, i32, i32) {
    %c0_i32 = arith.constant 0 : i32
    %c0_i32_0 = arith.constant 0 : i32
    %c0_i32_1 = arith.constant 0 : i32
    return %arg0, %c0_i32, %c0_i32_0 : i32, i32, i32
  }
  func.func @transform_2(%arg0: i32) -> (i32, i32, i32) {
    %c0_i32 = arith.constant 0 : i32
    %c0_i32_0 = arith.constant 0 : i32
    %c0_i32_1 = arith.constant 0 : i32
    return %arg0, %c0_i32, %c0_i32_0 : i32, i32, i32
  }
  func.func @transform_3(%arg0: i32) -> (i32, i32) {
    %c0_i32 = arith.constant 0 : i32
    %c0_i32_0 = arith.constant 0 : i32
    %c0_i32_1 = arith.constant 0 : i32
    return %c0_i32, %c0_i32_0 : i32, i32
  }
  func.func @transform_4(%arg0: i32) -> (i32, i32) {
    %c0_i32 = arith.constant 0 : i32
    %c0_i32_0 = arith.constant 0 : i32
    %c0_i32_1 = arith.constant 0 : i32
    return %c0_i32, %c0_i32_0 : i32, i32
  }
  func.func @transform_5(%arg0: i32) -> (i32, i32, i32) {
    %c0_i32 = arith.constant 0 : i32
    %c0_i32_0 = arith.constant 0 : i32
    %c0_i32_1 = arith.constant 0 : i32
    return %arg0, %c0_i32, %c0_i32_0 : i32, i32, i32
  }
}

</mosaic_0001>

<sc_bundles>
// kernel: kernel.5.cloned.1.call-start
scs
__scs_entry_jumppad:
0x0: {  	(pc) =	sbr.rel $0x88, $3  }
0x1: {  	(tag) =	ssettag $0x0;
	lr =	simm.s32 $0x1  }
0x2: {  	[smem:$0x3F99] =	sst lr;
	_ =	strace $0xD0000000  }
0x3: {  	_ = 	snop  }
0x4: {  	_ = 	snop  }
0x5: {  	_ = 	snop  }
0x6: {  	_ = 	snop  }
0x7: {  	_ = 	snop  }
__scs_overlays_trampoline_lowered:
0x8: {  	[smem:$0x3FA8] =	sst s0  }
0x9: {  	[smem:$0x3FA9] =	sst s1  }
0xa: {  	[smem:$0x3FAA] =	sst s2  }
0xb: {  	[smem:$0x3FAB] =	sst s3  }
0xc: {  	[smem:$0x3FAC] =	sst s4  }
0xd: {  	[smem:$0x3FAD] =	sst s5  }
0xe: {  	[smem:$0x3FAE] =	sst s6  }
0xf: {  	[smem:$0x3FAF] =	sst s7  }
0x10: {  	[smem:$0x3FB0] =	sst s8  }
0x11: {  	[smem:$0x3FB1] =	sst s9;
	s0 =	simm.s32 @!p0 $0x0  }
0x12: {  	s1 =	sld [smem:$0x3F97];
	s0 =	simm.s32 @p0 $0x1  }
0x13: {  	[smem:$0x3FB2] =	sst s0;
	s0 =	simm.s32 @!p1 $0x0  }
0x14: {  	s2 =	sld [smem:$0x3F96];
	s0 =	simm.s32 @p1 $0x1  }
0x15: {  	[smem:$0x3FB3] =	sst s0;
	s0 =	simm.s32 @!p2 $0x0  }
0x16: {  	s3 =	sld [smem:$0x3FDB];
	s0 =	simm.s32 @p2 $0x1  }
0x17: {  	s4 =	simm.s32 $0x1BF5;
	[smem:$0x3FB5] =	sst s0  }
0x18: {  	s0 =	sld [smem:$0x3F98];
	_ =	swait.ge [sflag:s4], $0x0  }
0x19: {  	s7 =	sld [smem:$0x3F99]  }
0x1a: {  	s8 =	sadd.s32 $0xFFFFE003, lr  }
0x1b: {  	s9 =	sadd.s32 $0xFFFFFEF7, lr;
	s5 =	simm.s32 $0xFFFFFFFF;
	p2 =	slt.u32 s8, $0xFFFFF086  }
0x1c: {  	p1 =	slt.u32 s9, $0xF7A;
	s5 =	simm.s32 @!p2 $0x0  }
0x1d: {  	s5 =	simm.s32 @p1 $0x1;
	p0 =	seq.s32 s7, s2  }
0x1e: {  	s7 =	smul.u32 @!p0 $0xF7A, s2;
	p2 =	seq.s32 @!p0 s5, $0x0  }
0x1f: {  	s9 =	smul.u32 $0xF7A, s1;
	s8 =	simm.s32 @!p0 $0x1BF5;
	p2 =	por !p2, p0  }
0x20: {  	[sflag:s8] =	ssyncset.s32 @!p0 $0xFFFFF086;
	s6 =	sadd.s32 @!p0 s3, s7;
	s7 =	simm.s32 @!p0 $0x108  }
0x21: {  	s3 =	sadd.s32 s3, s9;
	s6 =	sadd.s32 @!p0 $0x88, s6;
	s7 =	simm.s32 @p2 $0x1082  }
0x22: {  	[simem:s7], [sflag:s8] =	dma.local @!p0 [hbm:s6], $0xF7A  }
0x23: {  	s9 =	sor.u32 $0xD0000000, s2;
	s6 =	simm.s32 $0x108;
	_ =	swait.ge @!p0 [sflag:s8], $0x0  }
0x24: {  	s3 =	sadd.s32 $0x88, s3;
	s6 =	simm.s32 @!p1 $0x1082;
	[sflag:s4] =	ssyncset.s32 $0xFFFFF086  }
0x25: {  	[simem:s6], [sflag:s4] =	dma.local [hbm:s3], $0xF7A  }
0x26: {  	[smem:$0x3F99] =	sst s1;
	(tag) =	ssettag s2;
	_ =	strace s9  }
0x27: {  	s1 =	sld [smem:$0x3FA9]  }
0x28: {  	s2 =	sld [smem:$0x3FAA]  }
0x29: {  	s4 =	sld [smem:$0x3FAC]  }
0x2a: {  	p0 =	seq.s32 s5, $0x0;
	s5 =	sld [smem:$0x3FAD]  }
0x2b: {  	s6 =	sld [smem:$0x3FAE]  }
0x2c: {  	s7 =	sld [smem:$0x3FAF]  }
0x2d: {  	s3 =	simm.s32 $0x108;
	s8 =	sld [smem:$0x3FB0]  }
0x2e: {  	s3 =	simm.s32 @!p0 $0x1082;
	s9 =	sld [smem:$0x3FB1]  }
0x2f: {  	lr =	sadd.s32 s0, s3;
	s0 =	sld [smem:$0x3FA8]  }
0x30: {  	s3 =	sld [smem:$0x3FAB]  }
0x31: {  	[smem:$0x3FB4] =	sst s10  }
0x32: {  	s10 =	sld [smem:$0x3FB2];
	_ =	sdelay $0x3  }
0x33: {  	p0 =	seq.s32 s10, $0x1;
	s10 =	sld [smem:$0x3FB4];
	_ =	sdelay $0x3  }
0x34: {  	[smem:$0x3FB4] =	sst s10  }
0x35: {  	s10 =	sld [smem:$0x3FB3];
	_ =	sdelay $0x3  }
0x36: {  	p1 =	seq.s32 s10, $0x1;
	s10 =	sld [smem:$0x3FB4];
	_ =	sdelay $0x3  }
0x37: {  	[smem:$0x3FB4] =	sst s10  }
0x38: {  	s10 =	sld [smem:$0x3FB5]  }
0x39: {  	_ = 	snop;
	(pc) =	sbr.ind lr, $3  }
0x3a: {  	_ = 	snop  }
0x3b: {  	_ = 	snop  }
0x3c: {  	p2 =	seq.s32 s10, $0x1;
	s10 =	sld [smem:$0x3FB4]  }
0x3d: {  	_ =	shalt  }
0x3e: {  	_ =	shalt  }
0x3f: {  	_ =	shalt  }
0x40: {  	_ =	shalt  }
0x41: {  	_ =	shalt  }
0x42: {  	_ =	shalt  }
0x43: {  	_ =	shalt  }
0x44: {  	_ =	shalt  }
0x45: {  	_ =	shalt  }
0x46: {  	_ =	shalt  }
0x47: {  	_ =	shalt  }
0x48: {  	_ =	shalt  }
0x49: {  	_ =	shalt  }
0x4a: {  	_ =	shalt  }
0x4b: {  	_ =	shalt  }
0x4c: {  	_ =	shalt  }
0x4d: {  	_ =	shalt  }
0x4e: {  	_ =	shalt  }
0x4f: {  	_ =	shalt  }
0x50: {  	_ =	shalt  }
0x51: {  	_ =	shalt  }
0x52: {  	_ =	shalt  }
0x53: {  	_ =	shalt  }
0x54: {  	_ =	shalt  }
0x55: {  	_ =	shalt  }
0x56: {  	_ =	shalt  }
0x57: {  	_ =	shalt  }
0x58: {  	_ =	shalt  }
0x59: {  	_ =	shalt  }
0x5a: {  	_ =	shalt  }
0x5b: {  	_ =	shalt  }
0x5c: {  	_ =	shalt  }
0x5d: {  	_ =	shalt  }
0x5e: {  	_ =	shalt  }
0x5f: {  	_ =	shalt  }
0x60: {  	_ =	shalt  }
0x61: {  	_ =	shalt  }
0x62: {  	_ =	shalt  }
0x63: {  	_ =	shalt  }
0x64: {  	_ =	shalt  }
0x65: {  	_ =	shalt  }
0x66: {  	_ =	shalt  }
0x67: {  	_ =	shalt  }
0x68: {  	_ =	shalt  }
0x69: {  	_ =	shalt  }
0x6a: {  	_ =	shalt  }
0x6b: {  	_ =	shalt  }
0x6c: {  	_ =	shalt  }
0x6d: {  	_ =	shalt  }
0x6e: {  	_ =	shalt  }
0x6f: {  	_ =	shalt  }
0x70: {  	_ =	shalt  }
0x71: {  	_ =	shalt  }
0x72: {  	_ =	shalt  }
0x73: {  	_ =	shalt  }
0x74: {  	_ =	shalt  }
0x75: {  	_ =	shalt  }
0x76: {  	_ =	shalt  }
0x77: {  	_ =	shalt  }
0x78: {  	_ =	shalt  }
0x79: {  	_ =	shalt  }
0x7a: {  	_ =	shalt  }
0x7b: {  	_ =	shalt  }
0x7c: {  	_ =	shalt  }
0x7d: {  	_ =	shalt  }
0x7e: {  	_ =	shalt  }
0x7f: {  	_ =	shalt  }
0x80: {  	_ =	shalt  }
0x81: {  	_ =	shalt  }
0x82: {  	_ =	shalt  }
0x83: {  	_ =	shalt  }
0x84: {  	_ =	shalt  }
0x85: {  	_ =	shalt  }
0x86: {  	_ =	shalt  }
0x87: {  	_ =	shalt  }
.Lfunc_end0:
.L_simem_size_0:
called_computation_lowered:
.L_overlay_start_0:
0x88: {  	s2 =	sld [smem:$0x3FD9]  }
0x89: {  	s3 =	sld [smem:$0x3FFE];
	_ =	sdelay $0x1  }
0x8a: {  	s1 =	srdreg.scid  }
0x8b: {  	s0 =	sand.u32 $0x1, s1  }
0x8c: {  	s17 =	sshll.u32 s0, $0xA;
	s2 =	sadd.s32 s3, s2  }
0x8d: {  	s2 =	sadd.s32 s2, s17  }
0x8e: {  	[smem:$0x3FC0] =	sst s2  }
0x8f: {  	_ = 	snop  }
0x90: {  	s2 =	sld [smem:$0x3FC6]  }
0x91: {  	s18 =	sld [smem:$0x3FC5]  }
0x92: {  	s4 =	sld [smem:$0x3FC4]  }
0x93: {  	s5 =	sld [smem:$0x3FC2]  }
0x94: {  	s6 =	sld [smem:$0x3FD0];
	(tm) =	ssettm $0x1  }
0x95: {  	s7 =	sld [smem:$0x3FFB];
	_ =	sdelay $0x3  }
0x96: {  	_ =	strace s7  }
0x97: {  	s7 =	sld [smem:$0x3FFC];
	_ =	sdelay $0x3  }
0x98: {  	_ =	strace s7  }
0x99: {  	s7 =	sld [smem:$0x3FFD];
	_ =	sdelay $0x3  }
0x9a: {  	_ =	strace s7  }
0x9b: {  	_ =	strace $0x8FFFFFFF  }
0x9c: {  	s19 =	sld [smem:$0x3FDB];
	_ =	sdelay $0x1  }
0x9d: {  	s8 =	simm.s32 $_scs_section_size  }
0x9e: {  	s9 =	simm.s32 $_size__tile_overlayer_lowered;
	s10 =	simm.s32 $_tile_overlayer_lowered  }
0x9f: {  	s22 =	simm.s32 $0x1BFF;
	s21 =	sshll.u32 s10, $0x1;
	s7 =	sadd.s32 s8, s19  }
0xa0: {  	s11 =	simm.s32 $0x0;
	s20 =	sshll.u32 s9, $0x1;
	s9 =	sadd.s32 s21, s7  }
0xa1: {  	[timem:s11], [sflag:s22] =	dma.local [hbm:s9], s20  }
0xa2: {  	_ =	swait.ge [sflag:s22], s20  }
0xa3: {  	s8 =	ssub.s32 $0x0, s20;
	[sflag:s22] =	ssyncset.done $0x0  }
0xa4: {  	[sflag:s22] =	ssyncadd.s32 s8;
	_ =	sdelay $0x1  }
0xa5: {  	s23 =	simm.s32 $0x1B8B  }
0xa6: {  	_ =	swait.ge [sflag:s23], $0x1  }
0xa7: {  	[sflag:s23] =	ssyncset.done $0x0  }
0xa8: {  	s25 =	simm.s32 $0x1B8E;
	s24 =	sld [smem:$0x3FFE];
	[sflag:s23] =	ssyncadd.s32 $0xFFFFFFFF  }
0xa9: {  	s26 =	simm.s32 $execute0_lowered;
	[smem:$0x3FD2] =	sst s25  }
0xaa: {  	s9 =	sshll.u32 s26, $0x1;
	_ =	strace $0x80000046;
	[dreg:$0x1] =	wrdreg $0xFFFFFFFF  }
0xab: {  	s28 =	simm.s32 $_size_execute0_lowered;
	s7 =	sadd.s32 s7, s9;
	[dreg:$0x0] =	wrdreg $0x0  }
0xac: {  	s9 =	sshll.u32 s28, $0x1;
	[dreg:$0x2] =	wrdreg s7  }
0xad: {  	[dreg:$0x3] =	wrdreg s9  }
0xae: {  	[dreg:$0x4] =	wrdreg $0xC0  }
0xaf: {  	_ =	task [dreg:s11], $0x5FFFF  }
0xb0: {  	[dreg:$0x1] =	wrdreg $0xFFFFFFFF  }
0xb1: {  	[dreg:$0x0] =	wrdreg $0x60  }
0xb2: {  	[dreg:$0x2] =	wrdreg s24  }
0xb3: {  	[dreg:$0x3] =	wrdreg s2  }
0xb4: {  	[dreg:$0x4] =	wrdreg s18  }
0xb5: {  	[dreg:$0x5] =	wrdreg s4  }
0xb6: {  	[dreg:$0x6] =	wrdreg s5  }
0xb7: {  	[dreg:$0x7] =	wrdreg s6  }
0xb8: {  	[dreg:$0x8] =	wrdreg $0x9  }
0xb9: {  	_ =	task.clear_ibuf [dreg:s11], $0x9FFFF;
	_ =	strace $0x90000046  }
0xba: {  	s29 =	simm.s32 $0x9;
	_ =	strace $0x80000048  }
0xbb: {  	_ =	swait.ge [sflag:s29], $0x1  }
0xbc: {  	[sflag:s29] =	ssyncadd.s32 $0xFFFFFFFF  }
0xbd: {  	_ =	strace $0x90000048  }
0xbe: {  	_ =	sfence  }
0xbf: {  	s30 =	sld [smem:$0x0];
	_ =	sdelay $0x2  }
0xc0: {  	s31 =	sshll.u32 s1, $0xD;
	s1 =	sshrl.u32 s1, $0x2  }
0xc1: {  	s3 =	sand.u32 $0x4000, s31;
	s1 =	sadd.s32 s1, s30  }
0xc2: {  	s0 =	sor.u32 s3, s0;
	s1 =	sshll.u32 s1, $0x11  }
0xc3: {  	s0 =	sor.u32 s1, s0  }
0xc4: {  	s0 =	sadd.s32 $0x8F2B, s0  }
0xc5: {  	[sflag:s0] =	ssyncadd.remote.s32 $0x1  }
0xc6: {  	_ =	sfence.sel $0xFFFF  }
0xc7: {  	[dreg:$0x0] =	wrdreg $0xFFFFFFFF;
	(pc) =	sbr.abs _section_cstart, $3  }
0xc8: {  	[dreg:$0x1] =	wrdreg $0xFFFFFFFF  }
0xc9: {  	_ =	task.clear_ibuf [dreg:s11], $0x2FFFF;
	_ =	strace $0x9FFFFFFF  }
0xca: {  	(tm) =	ssettm $0x7FFFFFFF  }
0xcb: {  	_ =	shalt  }
tec
execute0_lowered:
.L_overlay_start_1:
0x0: {  	(tag) =	ssettag $0x1  }
0x1: {  	s3 =	rddreg [dreg:$0x0]  }
0x2: {  	s0 =	rddreg [dreg:$0x1]  }
0x3: {  	s2 =	rddreg [dreg:$0x2]  }
0x4: {  	s5 =	rddreg [dreg:$0x3]  }
0x5: {  	s4 =	srdreg.scid;
	s6 =	rddreg [dreg:$0x4]  }
0x6: {  	s1 =	stileid.u32;
	s8 =	rddreg [dreg:$0x5]  }
0x7: {  	s19 =	simm.s32 $0x400;
	s20 =	simm.s32 $0x600;
	s21 =	simm.s32 $0x480  }
0x8: {  	s22 =	simm.s32 $0x1800;
	s7 =	sand.u32 $0x1, s4;
	s4 =	simm.s32 $0x0  }
0x9: {  	s23 =	simm.s32 $0x680;
	s24 =	simm.s32 $0x5800;
	[smem:$0x7FF] =	sst s4  }
0xa: {  	s25 =	simm.s32 $0x8880;
	_ =	strace $0x80000047;
	[dreg:$0xd] =	wrdreg s19  }
0xb: {  	s11 =	simm.s32 $0x4800;
	s26 =	simm.s32 $0x280;
	[dreg:$0xe] =	wrdreg s20  }
0xc: {  	s12 =	simm.s32 $0x8800;
	s13 =	simm.s32 $0x8A00;
	[dreg:$0xf] =	wrdreg s21  }
0xd: {  	s28 =	simm.s32 $0x180;
	s29 =	simm.s32 $0x8980;
	[dreg:$0x10] =	wrdreg s22  }
0xe: {  	s30 =	simm.s32 $0x380;
	s31 =	simm.s32 $0x8B80;
	[dreg:$0x11] =	wrdreg s23  }
0xf: {  	s9 =	sshll.u32 s1, $0x3;
	s10 =	sshll.u32 s7, $0x2;
	[dreg:$0x12] =	wrdreg s24  }
0x10: {  	s7 =	ssub.s32 $0x2, s7;
	s9 =	sor.u32 s10, s9;
	[dreg:$0x13] =	wrdreg s25  }
0x11: {  	s18 =	sshrl.u32 s7, $0x1;
	[dreg:$0x14] =	wrdreg s26;
	s19 =	simm.s32 $0x100  }
0x12: {  	s20 =	simm.s32 $0x8900;
	s21 =	simm.s32 $0x300;
	s22 =	simm.s32 $0x8B00  }
0x13: {  	s23 =	simm.s32 $0x580;
	s24 =	simm.s32 $0x3800;
	s25 =	simm.s32 $0x780  }
0x14: {  	s26 =	simm.s32 $0x7800;
	s10 =	sshll.u32 s9, $0x4;
	s9 =	sshll.u32 s9, $0x9  }
0x15: {  	s5 =	sadd.s32 s5, s10;
	s9 =	sadd.s32 s9, s3;
	s14 =	sadd.s32 s6, s10  }
0x16: {  	s17 =	sadd.s32 s8, s10;
	s6 =	ssub.s32 s7, s18;
	s7 =	simm.s32 $0x2  }
0x17: {  	s8 =	simm.s32 $0x200;
	s18 =	simm.s32 $0x6800;
	[dreg:$0x7] =	wrdreg s5  }
0x18: {  	[dreg:$0x8] =	wrdreg s14;
	s15 =	sadd.s32 $0x3F1000, s9;
	s5 =	sadd.s32 $0x1000, s3  }
0x19: {  	s16 =	sadd.s32 $0x3E1000, s9;
	s3 =	sadd.s32 s10, s3;
	[dreg:$0xb] =	wrdreg s17  }
0x1a: {  	s6 =	smax.u32 s6, $0x1;
	s9 =	simm.s32 $0x80;
	[dreg:$0x9] =	wrdreg s15  }
0x1b: {  	s10 =	simm.s32 $0x800;
	[dreg:$0xa] =	wrdreg s16;
	s3 =	sadd.s32 $0x401000, s3  }
0x1c: {  	s17 =	simm.s32 $0x700;
	[dreg:$0xc] =	wrdreg s3;
	s3 =	simm.s32 $0x1  }
.LBB2_1:
0x1d: {  	s1 =	rddreg [dreg:$0x7]  }
0x1e: {  	[tilespmem:s4], [sflag:$0x2] =	stream.linear.gather [hbm4b:s1+s4], $0x200, $0x38;
	[tilespmem:$0x8C00] =	vst v63  }
0x1f: {  	_ =	swait.ge [sflag:s7], $0x200  }
0x20: {  	[sflag:s7] =	ssyncset.done $0x0  }
0x21: {  	s15 =	rddreg [dreg:$0x8];
	[sflag:s7] =	ssyncadd.s32 $0xFFFFFE00  }
0x22: {  	[tilespmem:s8], [sflag:$0x2] =	stream.linear.gather [hbm4b:s15+s4], $0x200, $0x38;
	[tilespmem:$0x8C00] =	vst v63  }
0x23: {  	_ =	swait.ge [sflag:s7], $0x200  }
0x24: {  	[sflag:s7] =	ssyncset.done $0x0  }
0x25: {  	[sflag:s7] =	ssyncadd.s32 $0xFFFFFE00  }
0x26: {  	v0 =	vld [tilespmem:$0x0]  }
0x27: {  	v2 =	vld [tilespmem:$0x200]  }
0x28: {  	v7 =	vld [tilespmem:$0x10]  }
0x29: {  	v26 =	vld [tilespmem:$0x210]  }
0x2a: {  	v8 =	vld [tilespmem:$0x20]  }
0x2b: {  	v10 =	vld [tilespmem:$0x220]  }
0x2c: {  	v50 =	vld [tilespmem:$0x30]  }
0x2d: {  	v11 =	vld [tilespmem:$0x230]  }
0x2e: {  	v14 =	vld [tilespmem:$0x50]  }
0x2f: {  	v1 =	vshra.s32 v0, $0x1F;
	v6 =	vshra.s32 v2, $0x1F  }
0x30: {  	v25 =	vshra.s32 v7, $0x1F;
	v31 =	vshll.u32 v7, $0x2;
	v34 =	vshra.s32 v26, $0x1F  }
0x31: {  	v9 =	vshra.s32 v8, $0x1F;
	v46 =	vshll.u32 v8, $0x2;
	v49 =	vshra.s32 v10, $0x1F  }
0x32: {  	v55 =	vshll.u32 v10, $0x2;
	v58 =	vshra.s32 v50, $0x1F;
	v12 =	vshra.s32 v11, $0x1F  }
0x33: {  	v15 =	vshra.s32 v14, $0x1F;
	v3 =	vshrl.u32 v1, $0x11;
	v1 =	vshrl.u32 v1, $0x13  }
0x34: {  	v19 =	vshrl.u32 v6, $0x13;
	v21 =	vshrl.u32 v6, $0x11;
	v27 =	vshrl.u32 v25, $0x11  }
0x35: {  	v36 =	vshrl.u32 v34, $0x13;
	v37 =	vshrl.u32 v34, $0x11;
	v42 =	vshrl.u32 v9, $0x13  }
0x36: {  	v44 =	vshrl.u32 v9, $0x11;
	v51 =	vshrl.u32 v49, $0x11;
	v60 =	vshrl.u32 v58, $0x13  }
0x37: {  	v61 =	vshrl.u32 v58, $0x11;
	v3 =	vadd.s32 v3, v0;
	v1 =	vadd.s32 v1, v0  }
0x38: {  	v0 =	vshll.u32 v0, $0x2;
	v20 =	vadd.s32 v19, v2;
	v28 =	vadd.s32 v27, v7  }
0x39: {  	v6 =	vadd.s32 v36, v26;
	v38 =	vadd.s32 v37, v26;
	v43 =	vadd.s32 v42, v8  }
0x3a: {  	v52 =	vadd.s32 v51, v10;
	v9 =	vadd.s32 v60, v50;
	v62 =	vadd.s32 v61, v50  }
0x3b: {  	v13 =	vld [tilespmem:$0x40];
	v42 =	vshrl.u32 v15, $0x13;
	v3 =	vshrl.u32 v3, $0xF;
	v1 =	vshra.s32 v1, $0xD  }
0x3c: {  	v29 =	vand.u32 $0xFFFF8000, v28;
	v39 =	vshra.s32 v6, $0xD;
	v53 =	vand.u32 $0xFFFF8000, v52  }
0x3d: {  	v63 =	vshra.s32 v9, $0xD;
	v3 =	vshll.u32 v3, $0xF;
	v4 =	vshll.u32 v1, $0xF  }
0x3e: {  	v5 =	vshrl.u32 v1, $0x1E;
	v6 =	vshll.u32 v39, $0xF;
	v40 =	vshrl.u32 v39, $0x1E  }
0x3f: {  	v9 =	vshll.u32 v63, $0xF;
	v16 =	vshrl.u32 v63, $0x1E;
	v5 =	vadd.s32 v5, v1  }
0x40: {  	v0 =	vsub.s32 v0, v4;
	v4 =	vshrl.u32 v25, $0x13;
	v25 =	vshra.s32 v13, $0x1F  }
0x41: {  	v18 =	vand.u32 $0xFFFFFFFC, v5;
	v0 =	vadd.s32 v0, v3;
	v3 =	vshra.s32 v20, $0xD  }
0x42: {  	v4 =	vadd.s32 v4, v7;
	v5 =	vshll.u32 v26, $0x2;
	v7 =	vadd.s32 v40, v39  }
0x43: {  	v20 =	vshrl.u32 v12, $0x11;
	v27 =	vshrl.u32 v25, $0x11;
	v1 =	vsub.s32 v1, v18  }
0x44: {  	v22 =	vshll.u32 v3, $0xF;
	v23 =	vshrl.u32 v3, $0x1E;
	v30 =	vshra.s32 v4, $0xD  }
0x45: {  	v5 =	vsub.s32 v5, v6;
	v41 =	vand.u32 $0xFFFFFFFC, v7;
	v7 =	vshrl.u32 v49, $0x13  }
0x46: {  	v18 =	vshrl.u32 v12, $0x13;
	v28 =	vadd.s32 v27, v13;
	v0 =	vadd.s32 v1, v0  }
0x47: {  	v1 =	vadd.s32 v21, v2;
	v2 =	vshll.u32 v2, $0x2;
	v24 =	vadd.s32 v23, v3  }
0x48: {  	v4 =	vshll.u32 v30, $0xF;
	v32 =	vshrl.u32 v30, $0x1E;
	v7 =	vadd.s32 v7, v10  }
0x49: {  	v10 =	vadd.s32 v16, v63;
	v19 =	vadd.s32 v18, v11;
	v1 =	vand.u32 $0xFFFF8000, v1  }
0x4a: {  	v2 =	vsub.s32 v2, v22;
	v4 =	vsub.s32 v31, v4;
	v33 =	vadd.s32 v32, v30  }
0x4b: {  	v26 =	vld [tilespmem:$0x240];
	v54 =	vshra.s32 v7, $0xD;
	v17 =	vand.u32 $0xFFFFFFFC, v10;
	v22 =	vshll.u32 v11, $0x2  }
0x4c: {  	v10 =	vshrl.u32 v25, $0x13;
	v31 =	vshll.u32 v13, $0x2;
	v1 =	vadd.s32 v2, v1  }
0x4d: {  	v2 =	vand.u32 $0xFFFFFFFC, v24;
	v35 =	vand.u32 $0xFFFFFFFC, v33;
	v7 =	vshll.u32 v54, $0xF  }
0x4e: {  	v56 =	vshrl.u32 v54, $0x1E;
	v10 =	vadd.s32 v10, v13;
	v2 =	vsub.s32 v3, v2  }
0x4f: {  	v3 =	vsub.s32 v30, v35;
	v7 =	vsub.s32 v55, v7;
	v57 =	vadd.s32 v56, v54  }
0x50: {  	v16 =	vld [tilespmem:$0x250];
	v30 =	vshra.s32 v10, $0xD;
	v34 =	vshra.s32 v26, $0x1F;
	v1 =	vadd.s32 v2, v1  }
0x51: {  	v2 =	vadd.s32 v4, v29;
	v4 =	vsub.s32 v39, v41;
	v59 =	vand.u32 $0xFFFFFFFC, v57  }
0x52: {  	v29 =	vand.u32 $0xFFFF8000, v28;
	v10 =	vshll.u32 v30, $0xF;
	v32 =	vshrl.u32 v30, $0x1E  }
0x53: {  	v36 =	vshrl.u32 v34, $0x13;
	v37 =	vshrl.u32 v34, $0x11;
	v2 =	vadd.s32 v3, v2  }
0x54: {  	v3 =	vand.u32 $0xFFFF8000, v38;
	v10 =	vsub.s32 v31, v10;
	v33 =	vadd.s32 v32, v30  }
0x55: {  	v12 =	vadd.s32 v36, v26;
	v38 =	vadd.s32 v37, v26;
	v49 =	vshra.s32 v16, $0x1F  }
0x56: {  	v55 =	vshll.u32 v16, $0x2;
	v3 =	vadd.s32 v5, v3;
	v5 =	vshra.s32 v43, $0xD  }
0x57: {  	v35 =	vand.u32 $0xFFFFFFFC, v33;
	v39 =	vshra.s32 v12, $0xD;
	v43 =	vadd.s32 v42, v14  }
0x58: {  	v51 =	vshrl.u32 v49, $0x11;
	v3 =	vadd.s32 v4, v3;
	v4 =	vadd.s32 v44, v8  }
0x59: {  	v45 =	vshll.u32 v5, $0xF;
	v47 =	vshrl.u32 v5, $0x1E;
	v8 =	vshll.u32 v50, $0x2  }
0x5a: {  	v12 =	vshll.u32 v39, $0xF;
	v40 =	vshrl.u32 v39, $0x1E;
	v44 =	vshrl.u32 v15, $0x11  }
0x5b: {  	v52 =	vadd.s32 v51, v16;
	v4 =	vand.u32 $0xFFFF8000, v4;
	v6 =	vsub.s32 v46, v45  }
0x5c: {  	v48 =	vadd.s32 v47, v5;
	v8 =	vsub.s32 v8, v9;
	v13 =	vadd.s32 v40, v39  }
0x5d: {  	v50 =	vld [tilespmem:$0x60];
	v46 =	vshll.u32 v14, $0x2;
	v4 =	vadd.s32 v6, v4;
	v6 =	vand.u32 $0xFFFFFFFC, v48  }
0x5e: {  	v41 =	vand.u32 $0xFFFFFFFC, v13;
	v13 =	vshrl.u32 v49, $0x13;
	v5 =	vsub.s32 v5, v6  }
0x5f: {  	v6 =	vsub.s32 v54, v59;
	v13 =	vadd.s32 v13, v16;
	v4 =	vadd.s32 v5, v4  }
0x60: {  	v5 =	vadd.s32 v7, v53;
	v7 =	vsub.s32 v63, v17;
	v53 =	vand.u32 $0xFFFF8000, v52  }
0x61: {  	v54 =	vshra.s32 v13, $0xD;
	v5 =	vadd.s32 v6, v5;
	v6 =	vand.u32 $0xFFFF8000, v62  }
0x62: {  	v13 =	vshll.u32 v54, $0xF;
	v56 =	vshrl.u32 v54, $0x1E;
	v58 =	vshra.s32 v50, $0x1F  }
0x63: {  	v6 =	vadd.s32 v8, v6;
	v8 =	vshra.s32 v19, $0xD;
	v13 =	vsub.s32 v55, v13  }
0x64: {  	v57 =	vadd.s32 v56, v54;
	v60 =	vshrl.u32 v58, $0x13;
	v61 =	vshrl.u32 v58, $0x11  }
0x65: {  	v17 =	vld [tilespmem:$0x260];
	v6 =	vadd.s32 v7, v6;
	v7 =	vadd.s32 v20, v11;
	v21 =	vshll.u32 v8, $0xF  }
0x66: {  	v23 =	vshrl.u32 v8, $0x1E;
	v11 =	vshll.u32 v26, $0x2;
	v59 =	vand.u32 $0xFFFFFFFC, v57  }
0x67: {  	v15 =	vadd.s32 v60, v50;
	v62 =	vadd.s32 v61, v50;
	v7 =	vand.u32 $0xFFFF8000, v7  }
0x68: {  	v9 =	vsub.s32 v22, v21;
	v24 =	vadd.s32 v23, v8;
	v11 =	vsub.s32 v11, v12  }
0x69: {  	v19 =	vld [tilespmem:$0x70];
	v63 =	vshra.s32 v15, $0xD;
	v7 =	vadd.s32 v9, v7;
	v9 =	vand.u32 $0xFFFFFFFC, v24  }
0x6a: {  	v31 =	vld [tilespmem:$0x270];
	v15 =	vshll.u32 v63, $0xF;
	v21 =	vshrl.u32 v63, $0x1E;
	v18 =	vshra.s32 v17, $0x1F  }
0x6b: {  	v27 =	vshll.u32 v17, $0x2;
	v8 =	vsub.s32 v8, v9;
	v9 =	vsub.s32 v30, v35  }
0x6c: {  	v20 =	vld [tilespmem:$0x80];
	v16 =	vadd.s32 v21, v63;
	v23 =	vshrl.u32 v18, $0x13;
	v25 =	vshrl.u32 v18, $0x11  }
0x6d: {  	v7 =	vadd.s32 v8, v7;
	v8 =	vadd.s32 v10, v29;
	v10 =	vsub.s32 v39, v41  }
0x6e: {  	v22 =	vand.u32 $0xFFFFFFFC, v16;
	v24 =	vadd.s32 v23, v17;
	v30 =	vshra.s32 v19, $0x1F  }
0x6f: {  	v36 =	vshll.u32 v19, $0x2;
	v39 =	vshra.s32 v31, $0x1F;
	v8 =	vadd.s32 v9, v8  }
0x70: {  	v9 =	vand.u32 $0xFFFF8000, v38;
	v32 =	vshrl.u32 v30, $0x11;
	v16 =	vshrl.u32 v30, $0x13  }
0x71: {  	v41 =	vshrl.u32 v39, $0x13;
	v42 =	vshrl.u32 v39, $0x11;
	v21 =	vshra.s32 v20, $0x1F  }
0x72: {  	v51 =	vshll.u32 v20, $0x2;
	v9 =	vadd.s32 v11, v9;
	v11 =	vshra.s32 v43, $0xD  }
0x73: {  	v33 =	vadd.s32 v32, v19;
	v16 =	vadd.s32 v16, v19;
	v18 =	vadd.s32 v41, v31  }
0x74: {  	v43 =	vadd.s32 v42, v31;
	v49 =	vshrl.u32 v21, $0x11;
	v9 =	vadd.s32 v10, v9  }
0x75: {  	v10 =	vadd.s32 v44, v14;
	v45 =	vshll.u32 v11, $0xF;
	v47 =	vshrl.u32 v11, $0x1E  }
0x76: {  	v14 =	vshll.u32 v50, $0x2;
	v34 =	vand.u32 $0xFFFF8000, v33;
	v35 =	vshra.s32 v16, $0xD  }
0x77: {  	v44 =	vshra.s32 v18, $0xD;
	v10 =	vand.u32 $0xFFFF8000, v10;
	v12 =	vsub.s32 v46, v45  }
0x78: {  	v48 =	vadd.s32 v47, v11;
	v14 =	vsub.s32 v14, v15;
	v16 =	vshll.u32 v35, $0xF  }
0x79: {  	v37 =	vshrl.u32 v35, $0x1E;
	v18 =	vshll.u32 v44, $0xF;
	v45 =	vshrl.u32 v44, $0x1E  }
0x7a: {  	v39 =	vld [tilespmem:$0x2A0];
	v47 =	vshrl.u32 v21, $0x13;
	v10 =	vadd.s32 v12, v10;
	v12 =	vand.u32 $0xFFFFFFFC, v48  }
0x7b: {  	v55 =	vld [tilespmem:$0x90];
	v16 =	vsub.s32 v36, v16;
	v38 =	vadd.s32 v37, v35;
	v19 =	vadd.s32 v45, v44  }
0x7c: {  	v48 =	vadd.s32 v47, v20;
	v11 =	vsub.s32 v11, v12;
	v12 =	vsub.s32 v54, v59  }
0x7d: {  	v40 =	vand.u32 $0xFFFFFFFC, v38;
	v10 =	vadd.s32 v11, v10;
	v11 =	vadd.s32 v13, v53  }
0x7e: {  	v46 =	vand.u32 $0xFFFFFFFC, v19;
	v11 =	vadd.s32 v12, v11;
	v12 =	vand.u32 $0xFFFF8000, v62  }
0x7f: {  	v47 =	vshra.s32 v39, $0x1F;
	v13 =	vsub.s32 v63, v22;
	v12 =	vadd.s32 v14, v12  }
0x80: {  	v22 =	vld [tilespmem:$0x280];
	v63 =	vshra.s32 v55, $0x1F;
	v14 =	vshra.s32 v24, $0xD;
	v12 =	vadd.s32 v13, v12  }
0x81: {  	v13 =	vadd.s32 v25, v17;
	v26 =	vshll.u32 v14, $0xF;
	v28 =	vshrl.u32 v14, $0x1E  }
0x82: {  	v17 =	vshll.u32 v31, $0x2;
	v25 =	vshrl.u32 v63, $0x13;
	v13 =	vand.u32 $0xFFFF8000, v13  }
0x83: {  	v23 =	vld [tilespmem:$0x290];
	v15 =	vsub.s32 v27, v26;
	v29 =	vadd.s32 v28, v14;
	v17 =	vsub.s32 v17, v18  }
0x84: {  	v26 =	vshrl.u32 v63, $0x11;
	v21 =	vadd.s32 v25, v55;
	v13 =	vadd.s32 v15, v13  }
0x85: {  	v15 =	vand.u32 $0xFFFFFFFC, v29;
	v54 =	vshra.s32 v22, $0x1F;
	v60 =	vshll.u32 v22, $0x2  }
0x86: {  	v27 =	vadd.s32 v26, v55;
	v28 =	vshra.s32 v21, $0xD;
	v14 =	vsub.s32 v14, v15  }
0x87: {  	v15 =	vsub.s32 v35, v40;
	v56 =	vshrl.u32 v54, $0x11;
	v19 =	vshrl.u32 v54, $0x13  }
0x88: {  	v25 =	vld [tilespmem:$0xA0];
	v21 =	vshll.u32 v28, $0xF;
	v29 =	vshrl.u32 v28, $0x1E;
	v35 =	vshll.u32 v23, $0x2  }
0x89: {  	[tilespmem:$0x460] =	vst v12;
	v12 =	vld [tilespmem:$0x3C0];
	v13 =	vadd.s32 v14, v13;
	v14 =	vadd.s32 v16, v34;
	v16 =	vsub.s32 v44, v46  }
0x8a: {  	v57 =	vadd.s32 v56, v22;
	v19 =	vadd.s32 v19, v22;
	v22 =	vadd.s32 v29, v28  }
0x8b: {  	v14 =	vadd.s32 v15, v14;
	v15 =	vand.u32 $0xFFFF8000, v43;
	v58 =	vand.u32 $0xFFFF8000, v57  }
0x8c: {  	v59 =	vshra.s32 v19, $0xD;
	v30 =	vand.u32 $0xFFFFFFFC, v22;
	v15 =	vadd.s32 v17, v15  }
0x8d: {  	v63 =	vld [tilespmem:$0xC0];
	v17 =	vshra.s32 v48, $0xD;
	v19 =	vshll.u32 v59, $0xF;
	v61 =	vshrl.u32 v59, $0x1E  }
0x8e: {  	[tilespmem:$0x630] =	vst v7;
	v38 =	vshra.s32 v25, $0x1F;
	v44 =	vshll.u32 v25, $0x2;
	v7 =	vshll.u32 v12, $0x2  }
0x8f: {  	v15 =	vadd.s32 v16, v15;
	v16 =	vadd.s32 v49, v20;
	v50 =	vshll.u32 v17, $0xF  }
0x90: {  	v52 =	vshrl.u32 v17, $0x1E;
	v19 =	vsub.s32 v60, v19;
	v62 =	vadd.s32 v61, v59  }
0x91: {  	v20 =	vshll.u32 v55, $0x2;
	v40 =	vshrl.u32 v38, $0x11;
	v22 =	vshrl.u32 v38, $0x13  }
0x92: {  	v29 =	vld [tilespmem:$0x2C0];
	v49 =	vshrl.u32 v47, $0x13;
	v38 =	vshra.s32 v63, $0x1F;
	v16 =	vand.u32 $0xFFFF8000, v16  }
0x93: {  	v18 =	vsub.s32 v51, v50;
	v53 =	vadd.s32 v52, v17;
	v24 =	vand.u32 $0xFFFFFFFC, v62  }
0x94: {  	v26 =	vld [tilespmem:$0xB0];
	v20 =	vsub.s32 v20, v21;
	v41 =	vadd.s32 v40, v25;
	v22 =	vadd.s32 v22, v25  }
0x95: {  	v50 =	vshrl.u32 v47, $0x11;
	v40 =	vshrl.u32 v38, $0x13;
	v16 =	vadd.s32 v18, v16  }
0x96: {  	v18 =	vand.u32 $0xFFFFFFFC, v53;
	v42 =	vand.u32 $0xFFFF8000, v41;
	v43 =	vshra.s32 v22, $0xD  }
0x97: {  	v51 =	vadd.s32 v50, v39;
	v41 =	vshrl.u32 v38, $0x11;
	v50 =	vshll.u32 v29, $0x2  }
0x98: {  	v17 =	vsub.s32 v17, v18;
	v18 =	vsub.s32 v59, v24;
	v24 =	vshra.s32 v23, $0x1F  }
0x99: {  	v22 =	vshll.u32 v43, $0xF;
	v45 =	vshrl.u32 v43, $0x1E;
	v59 =	vshll.u32 v26, $0x2  }
0x9a: {  	v16 =	vadd.s32 v17, v16;
	v17 =	vadd.s32 v19, v58;
	v31 =	vshrl.u32 v24, $0x13  }
0x9b: {  	v19 =	vsub.s32 v28, v30;
	v33 =	vshrl.u32 v24, $0x11;
	v22 =	vsub.s32 v44, v22  }
0x9c: {  	v46 =	vadd.s32 v45, v43;
	v24 =	vadd.s32 v49, v39;
	v30 =	vshra.s32 v29, $0x1F  }
0x9d: {  	v17 =	vadd.s32 v18, v17;
	v18 =	vand.u32 $0xFFFF8000, v27;
	v32 =	vadd.s32 v31, v23  }
0x9e: {  	v48 =	vand.u32 $0xFFFFFFFC, v46;
	v52 =	vshra.s32 v24, $0xD;
	v27 =	vshra.s32 v26, $0x1F  }
0x9f: {  	v46 =	vshrl.u32 v30, $0x13;
	v18 =	vadd.s32 v20, v18;
	v20 =	vshra.s32 v32, $0xD  }
0xa0: {  	v24 =	vshll.u32 v52, $0xF;
	v53 =	vshrl.u32 v52, $0x1E;
	v55 =	vshrl.u32 v27, $0x13  }
0xa1: {  	v28 =	vld [tilespmem:$0x2B0];
	v57 =	vshrl.u32 v27, $0x11;
	v27 =	vadd.s32 v40, v63;
	v47 =	vadd.s32 v46, v29  }
0xa2: {  	v18 =	vadd.s32 v19, v18;
	v19 =	vadd.s32 v33, v23;
	v34 =	vshll.u32 v20, $0xF  }
0xa3: {  	v36 =	vshrl.u32 v20, $0x1E;
	v23 =	vshll.u32 v39, $0x2;
	v25 =	vadd.s32 v53, v52  }
0xa4: {  	v56 =	vadd.s32 v55, v26;
	v19 =	vand.u32 $0xFFFF8000, v19;
	v21 =	vsub.s32 v35, v34  }
0xa5: {  	v37 =	vadd.s32 v36, v20;
	v23 =	vsub.s32 v23, v24;
	v54 =	vand.u32 $0xFFFFFFFC, v25  }
0xa6: {  	v19 =	vadd.s32 v21, v19;
	v21 =	vand.u32 $0xFFFFFFFC, v37;
	v62 =	vshra.s32 v28, $0x1F  }
0xa7: {  	v35 =	vshll.u32 v28, $0x2;
	v20 =	vsub.s32 v20, v21;
	v21 =	vsub.s32 v43, v48  }
0xa8: {  	v31 =	vshrl.u32 v62, $0x11;
	v25 =	vshrl.u32 v62, $0x13;
	v43 =	vshra.s32 v27, $0xD  }
0xa9: {  	v48 =	vshrl.u32 v30, $0x11;
	v19 =	vadd.s32 v20, v19;
	v20 =	vadd.s32 v22, v42  }
0xaa: {  	v22 =	vsub.s32 v52, v54;
	v32 =	vadd.s32 v31, v28;
	v25 =	vadd.s32 v25, v28  }
0xab: {  	v42 =	vadd.s32 v41, v63;
	v27 =	vshll.u32 v43, $0xF;
	v44 =	vshrl.u32 v43, $0x1E  }
0xac: {  	v20 =	vadd.s32 v21, v20;
	v21 =	vand.u32 $0xFFFF8000, v51;
	v33 =	vand.u32 $0xFFFF8000, v32  }
0xad: {  	v34 =	vshra.s32 v25, $0xD;
	v28 =	vadd.s32 v44, v43;
	v21 =	vadd.s32 v23, v21  }
0xae: {  	v23 =	vshra.s32 v56, $0xD;
	v25 =	vshll.u32 v34, $0xF;
	v36 =	vshrl.u32 v34, $0x1E  }
0xaf: {  	v31 =	vld [tilespmem:$0xD0];
	v45 =	vand.u32 $0xFFFFFFFC, v28;
	[tilespmem:$0x4A0] =	vst v20;
	v20 =	vshra.s32 v12, $0x1F;
	v21 =	vadd.s32 v22, v21  }
0xb0: {  	v54 =	vld [tilespmem:$0x2D0];
	v22 =	vadd.s32 v57, v26;
	v58 =	vshll.u32 v23, $0xF;
	v60 =	vshrl.u32 v23, $0x1E  }
0xb1: {  	v25 =	vsub.s32 v35, v25;
	v37 =	vadd.s32 v36, v34;
	v26 =	vshll.u32 v63, $0x2  }
0xb2: {  	v22 =	vand.u32 $0xFFFF8000, v22;
	v24 =	vsub.s32 v59, v58;
	v61 =	vadd.s32 v60, v23  }
0xb3: {  	v39 =	vand.u32 $0xFFFFFFFC, v37;
	v26 =	vsub.s32 v26, v27;
	v22 =	vadd.s32 v24, v22  }
0xb4: {  	v32 =	vld [tilespmem:$0xE0];
	v24 =	vand.u32 $0xFFFFFFFC, v61;
	v53 =	vshra.s32 v31, $0x1F;
	v59 =	vshll.u32 v31, $0x2  }
0xb5: {  	v62 =	vshra.s32 v54, $0x1F;
	v23 =	vsub.s32 v23, v24;
	v24 =	vsub.s32 v34, v39  }
0xb6: {  	v55 =	vshrl.u32 v53, $0x11;
	v28 =	vshrl.u32 v53, $0x13;
	v34 =	vshrl.u32 v62, $0x11  }
0xb7: {  	v22 =	vadd.s32 v23, v22;
	v23 =	vadd.s32 v25, v33;
	v25 =	vsub.s32 v43, v45  }
0xb8: {  	v56 =	vadd.s32 v55, v31;
	v28 =	vadd.s32 v28, v31;
	v33 =	vshrl.u32 v62, $0x13  }
0xb9: {  	v35 =	vadd.s32 v34, v54;
	v43 =	vshll.u32 v32, $0x2;
	v23 =	vadd.s32 v24, v23  }
0xba: {  	v24 =	vand.u32 $0xFFFF8000, v42;
	v57 =	vand.u32 $0xFFFF8000, v56;
	v58 =	vshra.s32 v28, $0xD  }
0xbb: {  	v30 =	vadd.s32 v33, v54;
	v33 =	vshra.s32 v32, $0x1F;
	v24 =	vadd.s32 v26, v24  }
0xbc: {  	v26 =	vshra.s32 v47, $0xD;
	v28 =	vshll.u32 v58, $0xF;
	v60 =	vshrl.u32 v58, $0x1E  }
0xbd: {  	v36 =	vshra.s32 v30, $0xD;
	v39 =	vshrl.u32 v33, $0x13;
	v41 =	vshrl.u32 v33, $0x11  }
0xbe: {  	[tilespmem:$0x6B0] =	vst v23;
	v23 =	vshrl.u32 v20, $0x13;
	v24 =	vadd.s32 v25, v24;
	v25 =	vadd.s32 v48, v29  }
0xbf: {  	v49 =	vshll.u32 v26, $0xF;
	v51 =	vshrl.u32 v26, $0x1E;
	v28 =	vsub.s32 v59, v28  }
0xc0: {  	v34 =	vld [tilespmem:$0x2E0];
	v61 =	vadd.s32 v60, v58;
	v30 =	vshll.u32 v36, $0xF;
	v37 =	vshrl.u32 v36, $0x1E  }
0xc1: {  	[tilespmem:$0x440] =	vst v8;
	v29 =	vshll.u32 v54, $0x2;
	v40 =	vadd.s32 v39, v32;
	v8 =	vadd.s32 v23, v12  }
0xc2: {  	v25 =	vand.u32 $0xFFFF8000, v25;
	v27 =	vsub.s32 v50, v49;
	v52 =	vadd.s32 v51, v26  }
0xc3: {  	v63 =	vand.u32 $0xFFFFFFFC, v61;
	v31 =	vadd.s32 v37, v36;
	v29 =	vsub.s32 v29, v30  }
0xc4: {  	v47 =	vld [tilespmem:$0xF0];
	[tilespmem:$0x4C0] =	vst v24;
	v24 =	vshrl.u32 v20, $0x11;
	v25 =	vadd.s32 v27, v25;
	v27 =	vand.u32 $0xFFFFFFFC, v52  }
0xc5: {  	v38 =	vand.u32 $0xFFFFFFFC, v31;
	v46 =	vshra.s32 v34, $0x1F;
	v52 =	vshll.u32 v34, $0x2  }
0xc6: {  	v26 =	vsub.s32 v26, v27;
	v27 =	vsub.s32 v58, v63;
	v48 =	vshrl.u32 v46, $0x11  }
0xc7: {  	v31 =	vshrl.u32 v46, $0x13;
	v25 =	vadd.s32 v26, v25;
	v26 =	vadd.s32 v28, v57  }
0xc8: {  	v37 =	vld [tilespmem:$0x100];
	v28 =	vsub.s32 v36, v38;
	v49 =	vadd.s32 v48, v34;
	v31 =	vadd.s32 v31, v34  }
0xc9: {  	v55 =	vshra.s32 v47, $0x1F;
	v26 =	vadd.s32 v27, v26;
	v27 =	vand.u32 $0xFFFF8000, v35  }
0xca: {  	v50 =	vand.u32 $0xFFFF8000, v49;
	v51 =	vshra.s32 v31, $0xD;
	v57 =	vshrl.u32 v55, $0x13  }
0xcb: {  	v58 =	vshrl.u32 v55, $0x11;
	[tilespmem:$0x6C0] =	vst v25;
	v25 =	vadd.s32 v24, v12;
	v27 =	vadd.s32 v29, v27  }
0xcc: {  	v29 =	vshra.s32 v40, $0xD;
	v31 =	vshll.u32 v51, $0xF;
	v53 =	vshrl.u32 v51, $0x1E  }
0xcd: {  	v33 =	vadd.s32 v57, v47;
	v59 =	vadd.s32 v58, v47;
	v46 =	vshra.s32 v37, $0x1F  }
0xce: {  	[tilespmem:$0x4D0] =	vst v26;
	v26 =	vshra.s32 v8, $0xD;
	v27 =	vadd.s32 v28, v27;
	v28 =	vadd.s32 v41, v32  }
0xcf: {  	v42 =	vshll.u32 v29, $0xF;
	v44 =	vshrl.u32 v29, $0x1E;
	v31 =	vsub.s32 v52, v31  }
0xd0: {  	v54 =	vadd.s32 v53, v51;
	v60 =	vshra.s32 v33, $0xD;
	v32 =	vshll.u32 v47, $0x2  }
0xd1: {  	v38 =	vld [tilespmem:$0x110];
	v48 =	vshrl.u32 v46, $0x11;
	v52 =	vshll.u32 v37, $0x2;
	v8 =	vshll.u32 v26, $0xF  }
0xd2: {  	v35 =	vld [tilespmem:$0x2F0];
	v28 =	vand.u32 $0xFFFF8000, v28;
	v30 =	vsub.s32 v43, v42;
	v45 =	vadd.s32 v44, v29  }
0xd3: {  	v56 =	vand.u32 $0xFFFFFFFC, v54;
	v33 =	vshll.u32 v60, $0xF;
	v61 =	vshrl.u32 v60, $0x1E  }
0xd4: {  	v49 =	vadd.s32 v48, v37;
	[tilespmem:$0x6D0] =	vst v27;
	v27 =	vshrl.u32 v26, $0x1E;
	v7 =	vsub.s32 v7, v8  }
0xd5: {  	v28 =	vadd.s32 v30, v28;
	v30 =	vand.u32 $0xFFFFFFFC, v45;
	v34 =	vadd.s32 v61, v60  }
0xd6: {  	[tilespmem:$0x640] =	vst v9;
	v32 =	vsub.s32 v32, v33;
	v39 =	vshra.s32 v38, $0x1F;
	v9 =	vadd.s32 v27, v26  }
0xd7: {  	v29 =	vsub.s32 v29, v30;
	v30 =	vsub.s32 v51, v56;
	v36 =	vshra.s32 v35, $0x1F  }
0xd8: {  	v47 =	vld [tilespmem:$0x300];
	v62 =	vand.u32 $0xFFFFFFFC, v34;
	v43 =	vshll.u32 v35, $0x2;
	v34 =	vshrl.u32 v46, $0x13  }
0xd9: {  	v46 =	vshll.u32 v38, $0x2;
	v28 =	vadd.s32 v29, v28;
	v29 =	vadd.s32 v31, v50  }
0xda: {  	v63 =	vshrl.u32 v36, $0x13;
	v31 =	vsub.s32 v60, v62;
	v41 =	vshrl.u32 v36, $0x11  }
0xdb: {  	v34 =	vadd.s32 v34, v37;
	v50 =	vand.u32 $0xFFFF8000, v49;
	v29 =	vadd.s32 v30, v29  }
0xdc: {  	v30 =	vand.u32 $0xFFFF8000, v59;
	v40 =	vadd.s32 v63, v35;
	v51 =	vshra.s32 v34, $0xD  }
0xdd: {  	v55 =	vshra.s32 v47, $0x1F;
	v63 =	vshrl.u32 v39, $0x13;
	v30 =	vadd.s32 v32, v30  }
0xde: {  	v32 =	vshra.s32 v40, $0xD;
	v34 =	vshll.u32 v51, $0xF;
	v53 =	vshrl.u32 v51, $0x1E  }
0xdf: {  	v57 =	vshrl.u32 v55, $0x13;
	v58 =	vshrl.u32 v55, $0x11;
	v30 =	vadd.s32 v31, v30  }
0xe0: {  	v31 =	vadd.s32 v41, v35;
	v42 =	vshll.u32 v32, $0xF;
	v44 =	vshrl.u32 v32, $0x1E  }
0xe1: {  	v34 =	vsub.s32 v52, v34;
	v54 =	vadd.s32 v53, v51;
	v36 =	vadd.s32 v57, v47  }
0xe2: {  	v59 =	vadd.s32 v58, v47;
	v35 =	vshll.u32 v47, $0x2;
	v31 =	vand.u32 $0xFFFF8000, v31  }
0xe3: {  	v40 =	vld [tilespmem:$0x310];
	v33 =	vsub.s32 v43, v42;
	v45 =	vadd.s32 v44, v32;
	v56 =	vand.u32 $0xFFFFFFFC, v54  }
0xe4: {  	v60 =	vshra.s32 v36, $0xD;
	v43 =	vadd.s32 v63, v38;
	v44 =	vshrl.u32 v39, $0x11  }
0xe5: {  	v24 =	vld [tilespmem:$0x3E0];
	v31 =	vadd.s32 v33, v31;
	v33 =	vand.u32 $0xFFFFFFFC, v45;
	v36 =	vshll.u32 v60, $0xF  }
0xe6: {  	v41 =	vld [tilespmem:$0x320];
	v61 =	vshrl.u32 v60, $0x1E;
	v32 =	vsub.s32 v32, v33;
	v33 =	vsub.s32 v51, v56  }
0xe7: {  	v37 =	vadd.s32 v61, v60;
	v35 =	vsub.s32 v35, v36;
	v31 =	vadd.s32 v32, v31  }
0xe8: {  	v32 =	vadd.s32 v34, v50;
	v62 =	vand.u32 $0xFFFFFFFC, v37;
	v49 =	vshra.s32 v40, $0x1F  }
0xe9: {  	v55 =	vshll.u32 v40, $0x2;
	v32 =	vadd.s32 v33, v32;
	v33 =	vand.u32 $0xFFFF8000, v59  }
0xea: {  	v34 =	vsub.s32 v60, v62;
	v51 =	vshrl.u32 v49, $0x11;
	v37 =	vshrl.u32 v49, $0x13  }
0xeb: {  	v42 =	vshra.s32 v41, $0x1F;
	[tilespmem:$0x6F0] =	vst v31;
	v31 =	vshra.s32 v24, $0x1F;
	v33 =	vadd.s32 v35, v33  }
0xec: {  	v35 =	vshra.s32 v43, $0xD;
	v52 =	vadd.s32 v51, v40;
	v37 =	vadd.s32 v37, v40  }
0xed: {  	v49 =	vshrl.u32 v42, $0x11;
	v51 =	vshll.u32 v41, $0x2;
	v33 =	vadd.s32 v34, v33  }
0xee: {  	v50 =	vld [tilespmem:$0x120];
	v34 =	vadd.s32 v44, v38;
	v45 =	vshll.u32 v35, $0xF;
	v47 =	vshrl.u32 v35, $0x1E  }
0xef: {  	v53 =	vand.u32 $0xFFFF8000, v52;
	v54 =	vshra.s32 v37, $0xD;
	v34 =	vand.u32 $0xFFFF8000, v34  }
0xf0: {  	v36 =	vsub.s32 v46, v45;
	v48 =	vadd.s32 v47, v35;
	v37 =	vshll.u32 v54, $0xF  }
0xf1: {  	v56 =	vshrl.u32 v54, $0x1E;
	v47 =	vshrl.u32 v42, $0x13;
	[tilespmem:$0x700] =	vst v33;
	v33 =	vshrl.u32 v31, $0x13  }
0xf2: {  	v43 =	vld [tilespmem:$0x130];
	v34 =	vadd.s32 v36, v34;
	v36 =	vand.u32 $0xFFFFFFFC, v48;
	v37 =	vsub.s32 v55, v37  }
0xf3: {  	v57 =	vadd.s32 v56, v54;
	v58 =	vshra.s32 v50, $0x1F;
	v38 =	vshll.u32 v50, $0x2  }
0xf4: {  	v48 =	vadd.s32 v47, v41;
	v35 =	vsub.s32 v35, v36;
	v59 =	vand.u32 $0xFFFFFFFC, v57  }
0xf5: {  	v60 =	vshrl.u32 v58, $0x13;
	v61 =	vshrl.u32 v58, $0x11;
	v34 =	vadd.s32 v35, v34  }
0xf6: {  	v44 =	vld [tilespmem:$0x140];
	v35 =	vadd.s32 v37, v53;
	v36 =	vsub.s32 v54, v59;
	v39 =	vadd.s32 v60, v50  }
0xf7: {  	v62 =	vadd.s32 v61, v50;
	v54 =	vshra.s32 v43, $0x1F;
	v60 =	vshll.u32 v43, $0x2  }
0xf8: {  	v35 =	vadd.s32 v36, v35;
	v63 =	vshra.s32 v39, $0xD;
	v36 =	vand.u32 $0xFFFF8000, v62  }
0xf9: {  	v56 =	vshrl.u32 v54, $0x11;
	v39 =	vshll.u32 v63, $0xF;
	v45 =	vshrl.u32 v63, $0x1E  }
0xfa: {  	v55 =	vld [tilespmem:$0x330];
	v57 =	vadd.s32 v56, v43;
	[tilespmem:$0x710] =	vst v35;
	v35 =	vadd.s32 v33, v24;
	v40 =	vadd.s32 v45, v63  }
0xfb: {  	v38 =	vsub.s32 v38, v39;
	v58 =	vand.u32 $0xFFFF8000, v57;
	v45 =	vshra.s32 v44, $0x1F  }
0xfc: {  	v46 =	vand.u32 $0xFFFFFFFC, v40;
	v36 =	vadd.s32 v38, v36;
	v38 =	vshra.s32 v48, $0xD  }
0xfd: {  	v40 =	vshrl.u32 v54, $0x13;
	v54 =	vshrl.u32 v45, $0x13;
	v56 =	vshrl.u32 v45, $0x11  }
0xfe: {  	v37 =	vsub.s32 v63, v46;
	v50 =	vshll.u32 v38, $0xF;
	v52 =	vshrl.u32 v38, $0x1E  }
0xff: {  	v40 =	vadd.s32 v40, v43;
	v63 =	vshra.s32 v55, $0x1F;
	v36 =	vadd.s32 v37, v36  }
0x100: {  	v37 =	vadd.s32 v49, v41;
	v39 =	vsub.s32 v51, v50;
	v53 =	vadd.s32 v52, v38  }
0x101: {  	v59 =	vshra.s32 v40, $0xD;
	v48 =	vshrl.u32 v63, $0x13;
	v49 =	vshrl.u32 v63, $0x11  }
0x102: {  	v41 =	vshll.u32 v55, $0x2;
	v37 =	vand.u32 $0xFFFF8000, v37;
	v40 =	vshll.u32 v59, $0xF  }
0x103: {  	v61 =	vshrl.u32 v59, $0x1E;
	v42 =	vadd.s32 v48, v55;
	v50 =	vadd.s32 v49, v55  }
0x104: {  	v46 =	vld [tilespmem:$0x340];
	v55 =	vadd.s32 v54, v44;
	[tilespmem:$0x520] =	vst v36;
	v36 =	vshrl.u32 v31, $0x11;
	v37 =	vadd.s32 v39, v37  }
0x105: {  	v39 =	vand.u32 $0xFFFFFFFC, v53;
	v40 =	vsub.s32 v60, v40;
	v62 =	vadd.s32 v61, v59  }
0x106: {  	v51 =	vshra.s32 v42, $0xD;
	v38 =	vsub.s32 v38, v39;
	v47 =	vand.u32 $0xFFFFFFFC, v62  }
0x107: {  	v42 =	vshll.u32 v51, $0xF;
	v52 =	vshrl.u32 v51, $0x1E;
	v37 =	vadd.s32 v38, v37  }
0x108: {  	v38 =	vadd.s32 v40, v58;
	v39 =	vsub.s32 v59, v47;
	v43 =	vadd.s32 v52, v51  }
0x109: {  	v41 =	vsub.s32 v41, v42;
	v58 =	vshll.u32 v44, $0x2;
	v61 =	vshra.s32 v46, $0x1F  }
0x10a: {  	v38 =	vadd.s32 v39, v38;
	v39 =	vand.u32 $0xFFFF8000, v50;
	v53 =	vand.u32 $0xFFFFFFFC, v43  }
0x10b: {  	v63 =	vshrl.u32 v61, $0x11;
	v43 =	vshrl.u32 v61, $0x13;
	v39 =	vadd.s32 v41, v39  }
0x10c: {  	v62 =	vld [tilespmem:$0x150];
	v40 =	vsub.s32 v51, v53;
	v41 =	vshra.s32 v55, $0xD;
	v48 =	vadd.s32 v63, v46  }
0x10d: {  	v43 =	vadd.s32 v43, v46;
	v51 =	vshll.u32 v46, $0x2;
	[tilespmem:$0x530] =	vst v38;
	v38 =	vshll.u32 v24, $0x2  }
0x10e: {  	v39 =	vadd.s32 v40, v39;
	v40 =	vadd.s32 v56, v44;
	v57 =	vshll.u32 v41, $0xF  }
0x10f: {  	v47 =	vld [tilespmem:$0x350];
	v59 =	vshrl.u32 v41, $0x1E;
	v49 =	vand.u32 $0xFFFF8000, v48;
	v50 =	vshra.s32 v43, $0xD  }
0x110: {  	v40 =	vand.u32 $0xFFFF8000, v40;
	v42 =	vsub.s32 v58, v57;
	v60 =	vadd.s32 v59, v41  }
0x111: {  	v43 =	vshll.u32 v50, $0xF;
	v52 =	vshrl.u32 v50, $0x1E;
	v54 =	vshra.s32 v62, $0x1F  }
0x112: {  	v44 =	vshll.u32 v62, $0x2;
	v40 =	vadd.s32 v42, v40;
	v42 =	vand.u32 $0xFFFFFFFC, v60  }
0x113: {  	v43 =	vsub.s32 v51, v43;
	v53 =	vadd.s32 v52, v50;
	v56 =	vshrl.u32 v54, $0x13  }
0x114: {  	v57 =	vshrl.u32 v54, $0x11;
	v48 =	vshra.s32 v47, $0x1F;
	v52 =	vshll.u32 v47, $0x2  }
0x115: {  	v41 =	vsub.s32 v41, v42;
	v55 =	vand.u32 $0xFFFFFFFC, v53;
	v45 =	vadd.s32 v56, v62  }
0x116: {  	v58 =	vadd.s32 v57, v62;
	v62 =	vshrl.u32 v48, $0x13;
	v40 =	vadd.s32 v41, v40  }
0x117: {  	v41 =	vadd.s32 v43, v49;
	v42 =	vsub.s32 v50, v55;
	v59 =	vshra.s32 v45, $0xD  }
0x118: {  	v63 =	vadd.s32 v62, v47;
	v50 =	vshrl.u32 v48, $0x11;
	v60 =	vshrl.u32 v59, $0x1E  }
0x119: {  	v49 =	vld [tilespmem:$0x160];
	v41 =	vadd.s32 v42, v41;
	v45 =	vshll.u32 v59, $0xF;
	v46 =	vadd.s32 v60, v59  }
0x11a: {  	[tilespmem:$0x510] =	vst v34;
	v34 =	vld [tilespmem:$0x1F0];
	v42 =	vand.u32 $0xFFFF8000, v58;
	v44 =	vsub.s32 v44, v45;
	v61 =	vand.u32 $0xFFFFFFFC, v46  }
0x11b: {  	v42 =	vadd.s32 v44, v42;
	v44 =	vshra.s32 v63, $0xD;
	v43 =	vsub.s32 v59, v61  }
0x11c: {  	v51 =	vshll.u32 v44, $0xF;
	v53 =	vshrl.u32 v44, $0x1E;
	v42 =	vadd.s32 v43, v42  }
0x11d: {  	v43 =	vadd.s32 v50, v47;
	v45 =	vsub.s32 v52, v51;
	v54 =	vadd.s32 v53, v44  }
0x11e: {  	v55 =	vshra.s32 v49, $0x1F;
	v47 =	vld [tilespmem:$0x360];
	v60 =	vshll.u32 v49, $0x2;
	v43 =	vand.u32 $0xFFFF8000, v43  }
0x11f: {  	v50 =	vld [tilespmem:$0x170];
	v56 =	vshrl.u32 v55, $0x11;
	v46 =	vshrl.u32 v55, $0x13;
	[tilespmem:$0x550] =	vst v42;
	v42 =	vshra.s32 v34, $0x1F  }
0x120: {  	v43 =	vadd.s32 v45, v43;
	v45 =	vand.u32 $0xFFFFFFFC, v54;
	v46 =	vadd.s32 v46, v49  }
0x121: {  	v57 =	vadd.s32 v56, v49;
	v44 =	vsub.s32 v44, v45;
	v59 =	vshra.s32 v46, $0xD  }
0x122: {  	v58 =	vand.u32 $0xFFFF8000, v57;
	v46 =	vshll.u32 v59, $0xF;
	v61 =	vshrl.u32 v59, $0x1E  }
0x123: {  	v43 =	vadd.s32 v44, v43;
	v46 =	vsub.s32 v60, v46;
	v62 =	vadd.s32 v61, v59  }
0x124: {  	v63 =	vshra.s32 v47, $0x1F;
	v51 =	vshra.s32 v50, $0x1F;
	[tilespmem:$0x750] =	vst v43;
	v43 =	vshrl.u32 v42, $0x11  }
0x125: {  	v44 =	vadd.s32 v46, v58;
	v52 =	vand.u32 $0xFFFFFFFC, v62;
	v53 =	vshrl.u32 v63, $0x13  }
0x126: {  	v54 =	vshrl.u32 v63, $0x11;
	v61 =	vshrl.u32 v51, $0x11;
	v45 =	vsub.s32 v59, v52  }
0x127: {  	v48 =	vadd.s32 v53, v47;
	v55 =	vadd.s32 v54, v47;
	v47 =	vshll.u32 v47, $0x2  }
0x128: {  	v59 =	vshrl.u32 v51, $0x13;
	v52 =	vld [tilespmem:$0x370];
	v44 =	vadd.s32 v45, v44;
	v56 =	vshra.s32 v48, $0xD  }
0x129: {  	v45 =	vand.u32 $0xFFFF8000, v55;
	v48 =	vshll.u32 v56, $0xF;
	v57 =	vshrl.u32 v56, $0x1E  }
0x12a: {  	v60 =	vadd.s32 v59, v50;
	v49 =	vadd.s32 v57, v56;
	v47 =	vsub.s32 v47, v48  }
0x12b: {  	v58 =	vand.u32 $0xFFFFFFFC, v49;
	v45 =	vadd.s32 v47, v45;
	v47 =	vshra.s32 v60, $0xD  }
0x12c: {  	v63 =	vshll.u32 v50, $0x2;
	v46 =	vsub.s32 v56, v58;
	v62 =	vshll.u32 v47, $0xF  }
0x12d: {  	v53 =	vshrl.u32 v47, $0x1E;
	v55 =	vshra.s32 v52, $0x1F;
	v60 =	vshll.u32 v52, $0x2  }
0x12e: {  	v45 =	vadd.s32 v46, v45;
	v46 =	vadd.s32 v61, v50;
	v48 =	vsub.s32 v63, v62  }
0x12f: {  	v54 =	vadd.s32 v53, v47;
	v50 =	vld [tilespmem:$0x180];
	v56 =	vshrl.u32 v55, $0x11;
	v49 =	vshrl.u32 v55, $0x13  }
0x130: {  	v53 =	vld [tilespmem:$0x380];
	v46 =	vand.u32 $0xFFFF8000, v46;
	v57 =	vadd.s32 v56, v52;
	v49 =	vadd.s32 v49, v52  }
0x131: {  	[tilespmem:$0x760] =	vst v45;
	v45 =	vadd.s32 v43, v34;
	v46 =	vadd.s32 v48, v46;
	v48 =	vand.u32 $0xFFFFFFFC, v54  }
0x132: {  	v58 =	vand.u32 $0xFFFF8000, v57;
	v59 =	vshra.s32 v49, $0xD;
	v47 =	vsub.s32 v47, v48  }
0x133: {  	v49 =	vshll.u32 v59, $0xF;
	v61 =	vshrl.u32 v59, $0x1E;
	v46 =	vadd.s32 v47, v46  }
0x134: {  	v49 =	vsub.s32 v60, v49;
	v62 =	vadd.s32 v61, v59;
	v63 =	vshra.s32 v50, $0x1F  }
0x135: {  	v47 =	vadd.s32 v49, v58;
	v56 =	vand.u32 $0xFFFFFFFC, v62;
	v54 =	vshra.s32 v53, $0x1F  }
0x136: {  	v57 =	vshrl.u32 v63, $0x13;
	v48 =	vsub.s32 v59, v56;
	v58 =	vshrl.u32 v63, $0x11  }
0x137: {  	v63 =	vshrl.u32 v54, $0x13;
	v54 =	vshrl.u32 v54, $0x11;
	v51 =	vadd.s32 v57, v50  }
0x138: {  	v55 =	vld [tilespmem:$0x190];
	v47 =	vadd.s32 v48, v47;
	v59 =	vadd.s32 v58, v50;
	v60 =	vshra.s32 v51, $0xD  }
0x139: {  	v50 =	vshll.u32 v50, $0x2;
	v57 =	vshll.u32 v53, $0x2;
	v61 =	vshrl.u32 v60, $0x1E  }
0x13a: {  	v48 =	vand.u32 $0xFFFF8000, v59;
	v51 =	vshll.u32 v60, $0xF;
	v52 =	vadd.s32 v61, v60  }
0x13b: {  	[tilespmem:$0x770] =	vst v47;
	v47 =	vand.u32 $0xFFFF8000, v45;
	v50 =	vsub.s32 v50, v51;
	v62 =	vand.u32 $0xFFFFFFFC, v52  }
0x13c: {  	v48 =	vadd.s32 v50, v48;
	v52 =	vadd.s32 v63, v53;
	v49 =	vsub.s32 v60, v62  }
0x13d: {  	v50 =	vshra.s32 v52, $0xD;
	v60 =	vshra.s32 v55, $0x1F;
	v48 =	vadd.s32 v49, v48  }
0x13e: {  	v49 =	vadd.s32 v54, v53;
	v56 =	vshll.u32 v50, $0xF;
	v58 =	vshrl.u32 v50, $0x1E  }
0x13f: {  	v61 =	vshrl.u32 v60, $0x11;
	v52 =	vshrl.u32 v60, $0x13;
	v49 =	vand.u32 $0xFFFF8000, v49  }
0x140: {  	v53 =	vld [tilespmem:$0x390];
	v51 =	vsub.s32 v57, v56;
	v59 =	vadd.s32 v58, v50;
	v62 =	vadd.s32 v61, v55  }
0x141: {  	v52 =	vadd.s32 v52, v55;
	v49 =	vadd.s32 v51, v49;
	v51 =	vand.u32 $0xFFFFFFFC, v59  }
0x142: {  	v63 =	vand.u32 $0xFFFF8000, v62;
	v50 =	vsub.s32 v50, v51;
	v51 =	vshra.s32 v52, $0xD  }
0x143: {  	v56 =	vld [tilespmem:$0x1A0];
	v59 =	vshll.u32 v55, $0x2;
	v52 =	vshll.u32 v51, $0xF;
	v60 =	vshrl.u32 v51, $0x1E  }
0x144: {  	v49 =	vadd.s32 v50, v49;
	v52 =	vsub.s32 v59, v52;
	v61 =	vadd.s32 v60, v51  }
0x145: {  	v62 =	vshra.s32 v53, $0x1F;
	v50 =	vadd.s32 v52, v63;
	v63 =	vand.u32 $0xFFFFFFFC, v61  }
0x146: {  	v57 =	vshrl.u32 v62, $0x13;
	v58 =	vshrl.u32 v62, $0x11;
	v51 =	vsub.s32 v51, v63  }
0x147: {  	v54 =	vadd.s32 v57, v53;
	v59 =	vadd.s32 v58, v53;
	v53 =	vshll.u32 v53, $0x2  }
0x148: {  	v57 =	vshra.s32 v56, $0x1F;
	v58 =	vld [tilespmem:$0x3A0];
	v50 =	vadd.s32 v51, v50;
	v60 =	vshra.s32 v54, $0xD  }
0x149: {  	v51 =	vand.u32 $0xFFFF8000, v59;
	v63 =	vshrl.u32 v57, $0x13;
	v61 =	vshrl.u32 v60, $0x1E  }
0x14a: {  	v54 =	vshll.u32 v60, $0xF;
	[tilespmem:$0x590] =	vst v50;
	v50 =	vshll.u32 v34, $0x2;
	v55 =	vadd.s32 v61, v60  }
0x14b: {  	[tilespmem:$0x540] =	vst v40;
	v40 =	vld [tilespmem:$0x3F0];
	v53 =	vsub.s32 v53, v54;
	v61 =	vshrl.u32 v57, $0x11;
	v62 =	vand.u32 $0xFFFFFFFC, v55  }
0x14c: {  	v57 =	vshll.u32 v56, $0x2;
	v51 =	vadd.s32 v53, v51;
	v52 =	vsub.s32 v60, v62  }
0x14d: {  	[tilespmem:$0x400] =	vst v0;
	v60 =	vadd.s32 v63, v56;
	v62 =	vadd.s32 v61, v56;
	v55 =	vshll.u32 v58, $0x2  }
0x14e: {  	[tilespmem:$0x600] =	vst v1;
	v51 =	vadd.s32 v52, v51;
	v53 =	vshra.s32 v60, $0xD;
	v0 =	vand.u32 $0xFFFF8000, v62  }
0x14f: {  	[tilespmem:$0x410] =	vst v2;
	v62 =	vshra.s32 v58, $0x1F;
	v63 =	vshll.u32 v53, $0xF;
	v60 =	vshrl.u32 v53, $0x1E  }
0x150: {  	v52 =	vld [tilespmem:$0x1B0];
	v2 =	vshrl.u32 v62, $0x13;
	[tilespmem:$0x790] =	vst v51;
	v51 =	vshra.s32 v40, $0x1F;
	v59 =	vsub.s32 v57, v63  }
0x151: {  	[tilespmem:$0x430] =	vst v6;
	v6 =	vld [tilespmem:$0x3B0];
	v61 =	vadd.s32 v60, v53;
	v63 =	vshrl.u32 v62, $0x11;
	v2 =	vadd.s32 v2, v58  }
0x152: {  	[tilespmem:$0x610] =	vst v3;
	v0 =	vadd.s32 v59, v0;
	v1 =	vand.u32 $0xFFFFFFFC, v61;
	v3 =	vadd.s32 v63, v58  }
0x153: {  	v2 =	vshra.s32 v2, $0xD;
	v1 =	vsub.s32 v53, v1;
	v53 =	vand.u32 $0xFFFF8000, v3  }
0x154: {  	v54 =	vshll.u32 v2, $0xF;
	v56 =	vshrl.u32 v2, $0x1E;
	v0 =	vadd.s32 v1, v0  }
0x155: {  	[tilespmem:$0x6A0] =	vst v21;
	v21 =	vld [tilespmem:$0x1D0];
	v3 =	vsub.s32 v55, v54;
	v57 =	vadd.s32 v56, v2;
	v58 =	vshra.s32 v52, $0x1F  }
0x156: {  	v54 =	vshll.u32 v52, $0x2;
	v55 =	vshra.s32 v6, $0x1F;
	v1 =	vadd.s32 v3, v53  }
0x157: {  	v59 =	vand.u32 $0xFFFFFFFC, v57;
	v60 =	vshrl.u32 v58, $0x13;
	v61 =	vshrl.u32 v58, $0x11  }
0x158: {  	[tilespmem:$0x420] =	vst v4;
	v56 =	vshrl.u32 v55, $0x13;
	v2 =	vsub.s32 v2, v59;
	v4 =	vadd.s32 v60, v52  }
0x159: {  	v57 =	vld [tilespmem:$0x1C0];
	v62 =	vadd.s32 v61, v52;
	v58 =	vadd.s32 v56, v6;
	v59 =	vshrl.u32 v55, $0x11  }
0x15a: {  	v52 =	vshra.s32 v21, $0x1F;
	v1 =	vadd.s32 v2, v1;
	v63 =	vshra.s32 v4, $0xD  }
0x15b: {  	v55 =	vld [tilespmem:$0x3D0];
	v2 =	vand.u32 $0xFFFF8000, v62;
	v4 =	vshll.u32 v63, $0xF;
	v53 =	vshrl.u32 v63, $0x1E  }
0x15c: {  	[tilespmem:$0x620] =	vst v5;
	v5 =	vadd.s32 v53, v63;
	v4 =	vsub.s32 v54, v4;
	v53 =	vand.u32 $0xFFFFFFFC, v9  }
0x15d: {  	v54 =	vshrl.u32 v52, $0x13;
	v5 =	vand.u32 $0xFFFFFFFC, v5;
	v2 =	vadd.s32 v4, v2  }
0x15e: {  	[tilespmem:$0x680] =	vst v17;
	v4 =	vshra.s32 v58, $0xD;
	v17 =	vshll.u32 v57, $0x2;
	v56 =	vadd.s32 v54, v21  }
0x15f: {  	v3 =	vsub.s32 v63, v5;
	v60 =	vshll.u32 v4, $0xF;
	v61 =	vshrl.u32 v4, $0x1E  }
0x160: {  	v63 =	vshra.s32 v57, $0x1F;
	v20 =	vshll.u32 v55, $0x2;
	v2 =	vadd.s32 v3, v2  }
0x161: {  	v3 =	vadd.s32 v59, v6;
	v6 =	vshll.u32 v6, $0x2;
	v62 =	vadd.s32 v61, v4  }
0x162: {  	[tilespmem:$0x660] =	vst v13;
	v13 =	vshrl.u32 v63, $0x11;
	v59 =	vshll.u32 v21, $0x2;
	v3 =	vand.u32 $0xFFFF8000, v3  }
0x163: {  	[tilespmem:$0x470] =	vst v14;
	v5 =	vsub.s32 v6, v60;
	v6 =	vshrl.u32 v63, $0x13;
	v14 =	vadd.s32 v13, v57  }
0x164: {  	v3 =	vadd.s32 v5, v3;
	v5 =	vand.u32 $0xFFFFFFFC, v62;
	v6 =	vadd.s32 v6, v57  }
0x165: {  	[tilespmem:$0x670] =	vst v15;
	v63 =	vld [tilespmem:$0x1E0];
	v15 =	vand.u32 $0xFFFF8000, v14;
	v57 =	vshrl.u32 v52, $0x11;
	v62 =	vshra.s32 v55, $0x1F  }
0x166: {  	[tilespmem:$0x480] =	vst v16;
	v4 =	vsub.s32 v4, v5;
	v16 =	vshra.s32 v6, $0xD;
	v9 =	vshrl.u32 v62, $0x13  }
0x167: {  	[tilespmem:$0x490] =	vst v18;
	v3 =	vadd.s32 v4, v3;
	v6 =	vshll.u32 v16, $0xF;
	v18 =	vshrl.u32 v16, $0x1E  }
0x168: {  	[tilespmem:$0x690] =	vst v19;
	v9 =	vadd.s32 v9, v55;
	v6 =	vsub.s32 v17, v6;
	v19 =	vadd.s32 v18, v16  }
0x169: {  	[tilespmem:$0x4B0] =	vst v22;
	v4 =	vadd.s32 v6, v15;
	v22 =	vand.u32 $0xFFFFFFFC, v19;
	v6 =	vsub.s32 v26, v53  }
0x16a: {  	[tilespmem:$0x450] =	vst v10;
	v19 =	vshra.s32 v9, $0xD;
	v23 =	vshra.s32 v63, $0x1F;
	v10 =	vshll.u32 v63, $0x2  }
0x16b: {  	v53 =	vshrl.u32 v51, $0x13;
	v5 =	vsub.s32 v16, v22;
	v16 =	vshrl.u32 v62, $0x11  }
0x16c: {  	v9 =	vshll.u32 v19, $0xF;
	v26 =	vshrl.u32 v23, $0x13;
	v27 =	vshrl.u32 v23, $0x11  }
0x16d: {  	[tilespmem:$0x650] =	vst v11;
	v4 =	vadd.s32 v5, v4;
	v5 =	vand.u32 $0xFFFF8000, v25;
	v17 =	vadd.s32 v16, v55  }
0x16e: {  	[tilespmem:$0x4E0] =	vst v28;
	v9 =	vsub.s32 v20, v9;
	v11 =	vadd.s32 v26, v63;
	v28 =	vadd.s32 v27, v63  }
0x16f: {  	v55 =	vadd.s32 v53, v40;
	v5 =	vadd.s32 v7, v5;
	v7 =	vshra.s32 v56, $0xD  }
0x170: {  	[tilespmem:$0x6E0] =	vst v29;
	v18 =	vand.u32 $0xFFFF8000, v17;
	v29 =	vshra.s32 v11, $0xD;
	v56 =	vshrl.u32 v51, $0x11  }
0x171: {  	[tilespmem:$0x7B0] =	vst v3;
	v3 =	vshra.s32 v55, $0xD;
	v5 =	vadd.s32 v6, v5;
	v6 =	vadd.s32 v57, v21  }
0x172: {  	[tilespmem:$0x4F0] =	vst v30;
	v58 =	vshll.u32 v7, $0xF;
	v60 =	vshrl.u32 v7, $0x1E;
	v21 =	vshrl.u32 v19, $0x1E  }
0x173: {  	[tilespmem:$0x5C0] =	vst v4;
	v11 =	vshll.u32 v29, $0xF;
	v30 =	vshrl.u32 v29, $0x1E;
	v4 =	vadd.s32 v56, v40  }
0x174: {  	v57 =	vshrl.u32 v3, $0x1E;
	v6 =	vand.u32 $0xFFFF8000, v6;
	v8 =	vsub.s32 v59, v58  }
0x175: {  	[tilespmem:$0x500] =	vst v32;
	v61 =	vadd.s32 v60, v7;
	v22 =	vadd.s32 v21, v19;
	v12 =	vadd.s32 v30, v29  }
0x176: {  	[tilespmem:$0x720] =	vst v37;
	v10 =	vsub.s32 v10, v11;
	v58 =	vshll.u32 v3, $0xF;
	v59 =	vshll.u32 v40, $0x2  }
0x177: {  	[tilespmem:$0x7C0] =	vst v5;
	v5 =	vadd.s32 v57, v3;
	v4 =	vand.u32 $0xFFFF8000, v4;
	v6 =	vadd.s32 v8, v6  }
0x178: {  	[tilespmem:$0x730] =	vst v39;
	v8 =	vand.u32 $0xFFFFFFFC, v61;
	v25 =	vand.u32 $0xFFFFFFFC, v22;
	v32 =	vand.u32 $0xFFFFFFFC, v12  }
0x179: {  	[tilespmem:$0x740] =	vst v41;
	v12 =	vshrl.u32 v42, $0x13;
	v5 =	vand.u32 $0xFFFFFFFC, v5;
	v7 =	vsub.s32 v7, v8  }
0x17a: {  	[tilespmem:$0x570] =	vst v46;
	v8 =	vsub.s32 v19, v25;
	v46 =	vadd.s32 v12, v34;
	v62 =	vsub.s32 v3, v5  }
0x17b: {  	[tilespmem:$0x580] =	vst v48;
	v6 =	vadd.s32 v7, v6;
	v7 =	vadd.s32 v9, v18;
	v9 =	vsub.s32 v29, v32  }
0x17c: {  	[tilespmem:$0x780] =	vst v49;
	v48 =	vshra.s32 v46, $0xD;
	v7 =	vadd.s32 v8, v7;
	v8 =	vand.u32 $0xFFFF8000, v28  }
0x17d: {  	v49 =	vshll.u32 v48, $0xF;
	v52 =	vshrl.u32 v48, $0x1E;
	[tilespmem:$0x5D0] =	vst v6;
	v6 =	vsub.s32 v59, v58  }
0x17e: {  	[tilespmem:$0x5B0] =	vst v2;
	v8 =	vadd.s32 v10, v8;
	v10 =	vshra.s32 v35, $0xD;
	v2 =	vsub.s32 v50, v49  }
0x17f: {  	[tilespmem:$0x560] =	vst v44;
	v54 =	vadd.s32 v52, v48;
	v61 =	vadd.s32 v6, v4;
	v8 =	vadd.s32 v9, v8  }
0x180: {  	[tilespmem:$0x5A0] =	vst v0;
	v9 =	vadd.s32 v36, v24;
	v37 =	vshll.u32 v10, $0xF;
	v39 =	vshrl.u32 v10, $0x1E  }
0x181: {  	[tilespmem:$0x7A0] =	vst v1;
	v1 =	vadd.s32 v2, v47;
	v2 =	vand.u32 $0xFFFFFFFC, v54;
	v63 =	vadd.s32 v62, v61  }
0x182: {  	[tilespmem:$0x7D0] =	vst v7;
	v9 =	vand.u32 $0xFFFF8000, v9;
	v11 =	vsub.s32 v38, v37;
	v41 =	vadd.s32 v39, v10  }
0x183: {  	v2 =	vsub.s32 v48, v2;
	[tilespmem:$0x5E0] =	vst v8;
	v9 =	vadd.s32 v11, v9;
	v11 =	vand.u32 $0xFFFFFFFC, v41  }
0x184: {  	[tilespmem:$0x7F0] =	vst v63;
	v60 =	vadd.s32 v2, v1;
	v44 =	vsub.s32 v10, v11  }
0x185: {  	[tilespmem:$0x5F0] =	vst v60;
	v0 =	vadd.s32 v44, v9  }
0x186: {  	s16 =	rddreg [dreg:$0xd];
	[tilespmem:$0x7E0] =	vst v0  }
0x187: {  	[tilespmem:s10], [sflag:$0x1] =	stream.indirect.gather [hbm4b:s5+s9], $0x20, s16, s9, $0xb8;
	[tilespmem:$0x8C00] =	vst v63  }
0x188: {  	s14 =	rddreg [dreg:$0xe]  }
0x189: {  	[tilespmem:s11], [sflag:$0x1] =	stream.indirect.gather [hbm4b:s5+s9], $0x20, s14, s9, $0xb8;
	[tilespmem:$0x8C00] =	vst v63  }
0x18a: {  	s1 =	rddreg [dreg:$0xf]  }
0x18b: {  	[tilespmem:s12], [sflag:$0x1] =	stream.indirect.gather [hbm4b:s0+s9], $0x1, s4, s9, $0xb8;
	[tilespmem:$0x8C00] =	vst v63  }
0x18c: {  	s15 =	rddreg [dreg:$0x11]  }
0x18d: {  	[tilespmem:s13], [sflag:$0x1] =	stream.indirect.gather [hbm4b:s2+s9], $0x1, s8, s9, $0xb8;
	[tilespmem:$0x8C00] =	vst v63  }
0x18e: {  	s14 =	rddreg [dreg:$0x10]  }
0x18f: {  	[tilespmem:s14], [sflag:$0x1] =	stream.indirect.gather [hbm4b:s5+s9], $0x20, s1, s9, $0xb8;
	[tilespmem:$0x8C00] =	vst v63  }
0x190: {  	s16 =	rddreg [dreg:$0x12]  }
0x191: {  	[tilespmem:s16], [sflag:$0x1] =	stream.indirect.gather [hbm4b:s5+s9], $0x20, s15, s9, $0xb8;
	[tilespmem:$0x8C00] =	vst v63  }
0x192: {  	s14 =	rddreg [dreg:$0x13]  }
0x193: {  	[tilespmem:s14], [sflag:$0x1] =	stream.indirect.gather [hbm4b:s0+s9], $0x1, s9, s9, $0xb8;
	[tilespmem:$0x8C00] =	vst v63  }
0x194: {  	s15 =	rddreg [dreg:$0x14];
	s16 =	simm.s32 $0x8A80  }
0x195: {  	[tilespmem:s16], [sflag:$0x1] =	stream.indirect.gather [hbm4b:s2+s9], $0x1, s15, s9, $0xb8;
	[tilespmem:$0x8C00] =	vst v63  }
0x196: {  	s14 =	simm.s32 $0x500;
	s15 =	simm.s32 $0x2800  }
0x197: {  	[tilespmem:s15], [sflag:$0x1] =	stream.indirect.gather [hbm4b:s5+s9], $0x20, s14, s9, $0xb8;
	[tilespmem:$0x8C00] =	vst v63  }
0x198: {  	_ = 	snop  }
0x199: {  	[tilespmem:s18], [sflag:$0x1] =	stream.indirect.gather [hbm4b:s5+s9], $0x20, s17, s9, $0xb8;
	[tilespmem:$0x8C00] =	vst v63  }
0x19a: {  	_ = 	snop  }
0x19b: {  	[tilespmem:s20], [sflag:$0x1] =	stream.indirect.gather [hbm4b:s0+s9], $0x1, s19, s9, $0xb8;
	[tilespmem:$0x8C00] =	vst v63  }
0x19c: {  	_ = 	snop  }
0x19d: {  	[tilespmem:s22], [sflag:$0x1] =	stream.indirect.gather [hbm4b:s2+s9], $0x1, s21, s9, $0xb8;
	[tilespmem:$0x8C00] =	vst v63  }
0x19e: {  	_ = 	snop  }
0x19f: {  	[tilespmem:s24], [sflag:$0x1] =	stream.indirect.gather [hbm4b:s5+s9], $0x20, s23, s9, $0xb8;
	[tilespmem:$0x8C00] =	vst v63  }
0x1a0: {  	_ = 	snop  }
0x1a1: {  	[tilespmem:s26], [sflag:$0x1] =	stream.indirect.gather [hbm4b:s5+s9], $0x20, s25, s9, $0xb8;
	[tilespmem:$0x8C00] =	vst v63  }
0x1a2: {  	_ = 	snop  }
0x1a3: {  	[tilespmem:s29], [sflag:$0x1] =	stream.indirect.gather [hbm4b:s0+s9], $0x1, s28, s9, $0xb8;
	[tilespmem:$0x8C00] =	vst v63  }
0x1a4: {  	_ = 	snop  }
0x1a5: {  	[tilespmem:s31], [sflag:$0x1] =	stream.indirect.gather [hbm4b:s2+s9], $0x1, s30, s9, $0xb8;
	[tilespmem:$0x8C00] =	vst v63  }
0x1a6: {  	_ =	swait.ge [sflag:s3], $0x1000  }
0x1a7: {  	[sflag:s3] =	ssyncset.done $0x0  }
0x1a8: {  	[sflag:s3] =	ssyncadd.s32 $0xFFFFF000  }
0x1a9: {  	_ =	swait.ge [sflag:s3], $0x1000  }
0x1aa: {  	[sflag:s3] =	ssyncset.done $0x0  }
0x1ab: {  	[sflag:s3] =	ssyncadd.s32 $0xFFFFF000  }
0x1ac: {  	_ =	swait.ge [sflag:s3], $0x80  }
0x1ad: {  	[sflag:s3] =	ssyncset.done $0x0  }
0x1ae: {  	[sflag:s3] =	ssyncadd.s32 $0xFFFFFF80  }
0x1af: {  	_ =	swait.ge [sflag:s3], $0x80  }
0x1b0: {  	[sflag:s3] =	ssyncset.done $0x0  }
0x1b1: {  	[sflag:s3] =	ssyncadd.s32 $0xFFFFFF80  }
0x1b2: {  	_ =	swait.ge [sflag:s3], $0x1000  }
0x1b3: {  	[sflag:s3] =	ssyncset.done $0x0  }
0x1b4: {  	[sflag:s3] =	ssyncadd.s32 $0xFFFFF000  }
0x1b5: {  	_ =	swait.ge [sflag:s3], $0x1000  }
0x1b6: {  	[sflag:s3] =	ssyncset.done $0x0  }
0x1b7: {  	[sflag:s3] =	ssyncadd.s32 $0xFFFFF000  }
0x1b8: {  	_ =	swait.ge [sflag:s3], $0x80  }
0x1b9: {  	[sflag:s3] =	ssyncset.done $0x0  }
0x1ba: {  	[sflag:s3] =	ssyncadd.s32 $0xFFFFFF80  }
0x1bb: {  	_ =	swait.ge [sflag:s3], $0x80  }
0x1bc: {  	[sflag:s3] =	ssyncset.done $0x0  }
0x1bd: {  	[sflag:s3] =	ssyncadd.s32 $0xFFFFFF80  }
0x1be: {  	_ =	swait.ge [sflag:s3], $0x1000  }
0x1bf: {  	[sflag:s3] =	ssyncset.done $0x0  }
0x1c0: {  	[sflag:s3] =	ssyncadd.s32 $0xFFFFF000  }
0x1c1: {  	_ =	swait.ge [sflag:s3], $0x1000  }
0x1c2: {  	[sflag:s3] =	ssyncset.done $0x0  }
0x1c3: {  	[sflag:s3] =	ssyncadd.s32 $0xFFFFF000  }
0x1c4: {  	_ =	swait.ge [sflag:s3], $0x80  }
0x1c5: {  	[sflag:s3] =	ssyncset.done $0x0  }
0x1c6: {  	[sflag:s3] =	ssyncadd.s32 $0xFFFFFF80  }
0x1c7: {  	_ =	swait.ge [sflag:s3], $0x80  }
0x1c8: {  	[sflag:s3] =	ssyncset.done $0x0  }
0x1c9: {  	[sflag:s3] =	ssyncadd.s32 $0xFFFFFF80  }
0x1ca: {  	_ =	swait.ge [sflag:s3], $0x1000  }
0x1cb: {  	[sflag:s3] =	ssyncset.done $0x0  }
0x1cc: {  	[sflag:s3] =	ssyncadd.s32 $0xFFFFF000  }
0x1cd: {  	_ =	swait.ge [sflag:s3], $0x1000  }
0x1ce: {  	[sflag:s3] =	ssyncset.done $0x0  }
0x1cf: {  	[sflag:s3] =	ssyncadd.s32 $0xFFFFF000  }
0x1d0: {  	_ =	swait.ge [sflag:s3], $0x80  }
0x1d1: {  	[sflag:s3] =	ssyncset.done $0x0  }
0x1d2: {  	[sflag:s3] =	ssyncadd.s32 $0xFFFFFF80  }
0x1d3: {  	_ =	swait.ge [sflag:s3], $0x80  }
0x1d4: {  	[sflag:s3] =	ssyncset.done $0x0  }
0x1d5: {  	s16 =	rddreg [dreg:$0x9];
	[sflag:s3] =	ssyncadd.s32 $0xFFFFFF80  }
0x1d6: {  	[hbm4b:s16+s4] =	stream.linear.scatter [tilespmem:s10], [sflag:$0x2], $0x4000, $0x38;
	[tilespmem:$0x8C00] =	vst v63  }
0x1d7: {  	_ =	swait.ge [sflag:s7], $0x4000  }
0x1d8: {  	[sflag:s7] =	ssyncset.done $0x0  }
0x1d9: {  	s14 =	rddreg [dreg:$0xa];
	[sflag:s7] =	ssyncadd.s32 $0xFFFFC000  }
0x1da: {  	[hbm4b:s14+s4] =	stream.linear.scatter [tilespmem:s11], [sflag:$0x2], $0x4000, $0x38;
	[tilespmem:$0x8C00] =	vst v63  }
0x1db: {  	_ =	swait.ge [sflag:s7], $0x4000  }
0x1dc: {  	[sflag:s7] =	ssyncset.done $0x0  }
0x1dd: {  	s15 =	rddreg [dreg:$0xb];
	[sflag:s7] =	ssyncadd.s32 $0xFFFFC000  }
0x1de: {  	[hbm4b:s15+s4] =	stream.linear.scatter [tilespmem:s12], [sflag:$0x2], $0x200, $0x38;
	[tilespmem:$0x8C00] =	vst v63  }
0x1df: {  	_ =	swait.ge [sflag:s7], $0x200  }
0x1e0: {  	p0 =	sne.s32 s6, $0x1;
	[sflag:s7] =	ssyncset.done $0x0  }
.Ltmp0:
0x1e1: {  	s16 =	rddreg [dreg:$0xc];
	[sflag:s7] =	ssyncadd.s32 $0xFFFFFE00;
	(pc) =	sbr.rel @p0 .LBB2_1-.Ltmp0, $4  }
0x1e2: {  	[hbm4b:s16+s4] =	stream.linear.scatter [tilespmem:s13], [sflag:$0x2], $0x200, $0x38;
	[tilespmem:$0x8C00] =	vst v63  }
0x1e3: {  	_ =	swait.ge [sflag:s7], $0x200  }
0x1e4: {  	[sflag:s7] =	ssyncset.done $0x0  }
0x1e5: {  	s6 =	sadd.s32 $0xFFFFFFFF, s6;
	[sflag:s7] =	ssyncadd.s32 $0xFFFFFE00  }
0x1e6: {  	_ =	sfence.sel $0x180000  }
0x1e7: {  	[bflag:$0x0] =	sbarrier.arrive $0xFFFF  }
0x1e8: {  	_ =	strace $0x90000047  }
0x1e9: {  	s0 =	stileid.u32;
	[bflag:$0x2] =	sbarrier.arrive $0xFFFF  }
0x1ea: {  	p0 =	sne.s32 s0, $0x0;
	s0 =	rddreg [dreg:$0x6]  }
0x1eb: {  	s0 =	sadd.s32 @!p0 $0x100000, s0  }
0x1ec: {  	[sflag:s0] =	ssyncadd.tile.s32 @!p0 $0x1;
	_ =	shalt  }
.Lfunc_end2:
_tile_overlayer_lowered:
.L_overlay_start_2:
0x1ed: {  	(tag) =	ssettag $0x2  }
0x1ee: {  	s0 =	rddreg [dreg:$0x0];
	s2 =	stileid.u32  }
0x1ef: {  	s1 =	rddreg [dreg:$0x1];
	p0 =	sne.s32 s2, $0x0  }
0x1f0: {  	s3 =	rddreg [dreg:$0x2];
	[bflag:$0x3] =	sbarrier.arrive $0xFFFF;
	s2 =	simm.s32 @!p0 $0x1C02  }
0x1f1: {  	[timem:s3], [sflag:s2] =	dma.local @!p0 [hbm:s0], s1  }
0x1f2: {  	s0 =	simm.s32 @!p0 $0x2  }
0x1f3: {  	_ =	swait.ge @!p0 [sflag:s0], s1  }
0x1f4: {  	s1 =	ssub.s32 @!p0 $0x0, s1;
	[sflag:s0] =	ssyncset.done @!p0 $0x0  }
0x1f5: {  	[sflag:s0] =	ssyncadd.s32 @!p0 s1  }
0x1f6: {  	[bflag:$0x3] =	sbarrier.arrive $0xFFFF  }
0x1f7: {  	_ =	shalt  }

</sc_bundles>
